<compile_context>
chip_gen: v7x
topology: tpu7x:2x2x1
jax: 0.10.2.dev20260603
libtpu: 0.0.44.dev20260713+nightly
codegen_flags: <defaults>
</compile_context>

<pallas_src>
import functools

import jax
import jax.numpy as jnp
from jax import lax
from jax.experimental import pallas as pl
from jax.experimental.pallas import tpu as pltpu
from jax.experimental.pallas import tpu_sc as plsc


def _make_sc_gather(NB, T, D, TP, DP):
    info = plsc.get_sparse_core_info()
    nc, ns = info.num_cores, info.num_subcores
    nw = nc * ns
    assert NB % nw == 0
    sn = NB // nw
    assert T % 4 == 0
    mesh = plsc.VectorSubcoreMesh(core_axis_name="c", subcore_axis_name="s")

    @functools.partial(
        pl.kernel,
        mesh=mesh,
        compiler_params=pltpu.CompilerParams(
            use_tc_tiling_on_sc=False, needs_layout_passes=False
        ),
        out_type=jax.ShapeDtypeStruct((NB, TP, DP), jnp.float32),
        scratch_types=[
            pltpu.VMEM((T * sn,), jnp.int32),
            pltpu.VMEM((2 * sn, D), jnp.float32),
            pltpu.VMEM((2 * sn, D), jnp.float32),
            pltpu.SemaphoreType.DMA,
            pltpu.SemaphoreType.DMA,
            pltpu.SemaphoreType.DMA,
            pltpu.SemaphoreType.DMA,
            pltpu.SemaphoreType.DMA,
        ],
    )
    def gather_kernel(
        tok_hbm, table_hbm, out_hbm, idx_v, rows0, rows1, si, g0, g1, w0, w1
    ):
        wid = lax.axis_index("s") * nc + lax.axis_index("c")
        sbase = wid * sn

        def idx_load(t):
            return pltpu.make_async_copy(
                tok_hbm.at[pl.ds(t * NB + sbase, sn)],
                idx_v.at[pl.ds(t * sn, sn)],
                si,
            )

        for t in range(T):
            idx_load(t).start()
        for t in range(T):
            idx_load(t).wait()

        def gather(r, buf, sem):
            return pltpu.make_async_copy(
                table_hbm.at[idx_v.at[pl.ds(r * 2 * sn, 2 * sn)]], buf, sem
            )

        def write(r, half, buf, sem):
            t = r * 2 + half
            return pltpu.make_async_copy(
                buf.at[pl.ds(half * sn, sn)],
                out_hbm.at[pl.ds(sbase, sn), t, pl.ds(0, D)],
                sem,
            )

        R = T // 2
        gather(0, rows0, g0).start()
        gather(1, rows1, g1).start()
        for gr in range(R // 2):
            for b, (buf, gsem, wsem) in enumerate(
                ((rows0, g0, w0), (rows1, g1, w1))
            ):
                r = gr * 2 + b
                gather(r, buf, gsem).wait()
                write(r, 0, buf, wsem).start()
                write(r, 1, buf, wsem).start()
                write(r, 0, buf, wsem).wait()
                write(r, 1, buf, wsem).wait()
                if r + 2 < R:
                    gather(r + 2, buf, gsem).start()

    return gather_kernel


def kernel(tokens, table):
    nb, t = tokens.shape
    d = table.shape[1]
    tp = (t + 7) // 8 * 8
    dp = 128
    idx_tmajor = tokens.T.reshape(nb * t)
    out_padded = _make_sc_gather(nb, t, d, tp, dp)(idx_tmajor, table)
    return out_padded[:, :t, :d]

# --- scband reference (transcript-rebuilt; emitter-appended) ---
"""Pipeline reference for scband-prompt-encoder-87643102642394 (READ-ONLY COPY).

The authoritative reference and input builder live on the scoring server;
editing this copy changes nothing except your own understanding.
"""

import jax, jax.numpy as jnp
import numpy as np

LENGTH = 100000
EMBEDDING_DIM = 32
ID_OFFSET = 0


def setup_inputs(seed: int = 0) -> dict:
    key = jax.random.key(seed)
    k1, k2 = jax.random.split(key)
    tokens = jax.random.randint(k1, (16384, 20), 0, LENGTH, dtype=jnp.int32)
    # learned parameter: embedding table sized per init_kwargs (length x embedding_dim)
    table = jax.random.normal(k2, (LENGTH, EMBEDDING_DIM), dtype=jnp.float32)
    return {"tokens": tokens, "table": table}


def reference(tokens, table):
    # PromptEncoder forward: look up prompt embeddings by (token_id - id_offset)
    idx = tokens - ID_OFFSET
    return jnp.take(table, idx, axis=0)

if __name__ == "__main__":
    import jax
    _d = setup_inputs()
    print(jax.jit(kernel)(*tuple(_d.values())))

</pallas_src>

<mosaic_0001>
#map = affine_map<(d0, d1) -> (0)>
#map1 = affine_map<(d0, d1) -> (0, 0)>
#map2 = affine_map<(d0, d1) -> (0, 0, 0)>
module attributes {stable_mosaic.version = 14 : i64} {
  func.func @gather_kernel(%arg0: i32, %arg1: i32, %arg2: memref<327680xi32, #tpu.memory_space<hbm>>, %arg3: memref<100000x32xf32, #tpu.memory_space<hbm>>, %arg4: memref<16384x24x128xf32, #tpu.memory_space<hbm>>, %arg5: memref<10240xi32, #tpu.memory_space<vmem>>, %arg6: memref<1024x32xf32, #tpu.memory_space<vmem>>, %arg7: memref<1024x32xf32, #tpu.memory_space<vmem>>, %arg8: memref<!tpu.dma_semaphore, #tpu.memory_space<semaphore_mem>>, %arg9: memref<!tpu.dma_semaphore, #tpu.memory_space<semaphore_mem>>, %arg10: memref<!tpu.dma_semaphore, #tpu.memory_space<semaphore_mem>>, %arg11: memref<!tpu.dma_semaphore, #tpu.memory_space<semaphore_mem>>, %arg12: memref<!tpu.dma_semaphore, #tpu.memory_space<semaphore_mem>>) attributes {dimension_semantics = [#tpu.dimension_semantics<core_parallel>, #tpu.dimension_semantics<subcore_parallel>], iteration_bounds = array<i64: 2, 16>, scalar_prefetch = 0 : i64, scratch_operands = 8 : i64, tpu.core_type = #tpu.core_type<sc_vector_subcore>, window_params = [{transform_indices = #map}, {transform_indices = #map1}, {transform_indices = #map2}]} {
    %mul3A = arith.constant 2 : i32
    %mul3A_0 = arith.muli %arg1, %mul3A : i32
    %add3A = arith.addi %mul3A_0, %arg0 : i32
    %mul3A_1 = arith.constant 512 : i32
    %mul3A_2 = arith.muli %add3A, %mul3A_1 : i32
    %add3A_3 = arith.constant 0 : i32
    %add3A_4 = arith.addi %add3A_3, %mul3A_2 : i32
    %dma_start3A = arith.constant 0 : i32
    %dma_start3A_5 = tpu.memref_slice %arg5[%dma_start3A] : memref<10240xi32, #tpu.memory_space<vmem>> -> memref<512xi32, #tpu.memory_space<vmem>>
    %dma_start3A_6 = tpu.memref_slice %arg2[%add3A_4] : memref<327680xi32, #tpu.memory_space<hbm>> -> memref<512xi32, #tpu.memory_space<hbm>>
    %dma_start3A_7 = arith.constant 0 : i32
    %dma_start3A_8 = tpu.memref_slice %arg5[%dma_start3A_7] : memref<10240xi32, #tpu.memory_space<vmem>> -> memref<512xi32, #tpu.memory_space<vmem>>
    %dma_start3A_9 = tpu.memref_slice %arg2[%add3A_4] : memref<327680xi32, #tpu.memory_space<hbm>> -> memref<512xi32, #tpu.memory_space<hbm>>
    tpu.enqueue_dma source(%dma_start3A_9 : memref<512xi32, #tpu.memory_space<hbm>>) target(%dma_start3A_8 : memref<512xi32, #tpu.memory_space<vmem>>) target_semaphore(%arg8 : memref<!tpu.dma_semaphore, #tpu.memory_space<semaphore_mem>>)
    %add3A_10 = arith.constant 16384 : i32
    %add3A_11 = arith.addi %add3A_10, %mul3A_2 : i32
    %dma_start3A_12 = arith.constant 512 : i32
    %dma_start3A_13 = tpu.memref_slice %arg5[%dma_start3A_12] : memref<10240xi32, #tpu.memory_space<vmem>> -> memref<512xi32, #tpu.memory_space<vmem>>
    %dma_start3A_14 = tpu.memref_slice %arg2[%add3A_11] : memref<327680xi32, #tpu.memory_space<hbm>> -> memref<512xi32, #tpu.memory_space<hbm>>
    %dma_start3A_15 = arith.constant 512 : i32
    %dma_start3A_16 = tpu.memref_slice %arg5[%dma_start3A_15] : memref<10240xi32, #tpu.memory_space<vmem>> -> memref<512xi32, #tpu.memory_space<vmem>>
    %dma_start3A_17 = tpu.memref_slice %arg2[%add3A_11] : memref<327680xi32, #tpu.memory_space<hbm>> -> memref<512xi32, #tpu.memory_space<hbm>>
    tpu.enqueue_dma source(%dma_start3A_17 : memref<512xi32, #tpu.memory_space<hbm>>) target(%dma_start3A_16 : memref<512xi32, #tpu.memory_space<vmem>>) target_semaphore(%arg8 : memref<!tpu.dma_semaphore, #tpu.memory_space<semaphore_mem>>)
    %add3A_18 = arith.constant 32768 : i32
    %add3A_19 = arith.addi %add3A_18, %mul3A_2 : i32
    %dma_start3A_20 = arith.constant 1024 : i32
    %dma_start3A_21 = tpu.memref_slice %arg5[%dma_start3A_20] : memref<10240xi32, #tpu.memory_space<vmem>> -> memref<512xi32, #tpu.memory_space<vmem>>
    %dma_start3A_22 = tpu.memref_slice %arg2[%add3A_19] : memref<327680xi32, #tpu.memory_space<hbm>> -> memref<512xi32, #tpu.memory_space<hbm>>
    %dma_start3A_23 = arith.constant 1024 : i32
    %dma_start3A_24 = tpu.memref_slice %arg5[%dma_start3A_23] : memref<10240xi32, #tpu.memory_space<vmem>> -> memref<512xi32, #tpu.memory_space<vmem>>
    %dma_start3A_25 = tpu.memref_slice %arg2[%add3A_19] : memref<327680xi32, #tpu.memory_space<hbm>> -> memref<512xi32, #tpu.memory_space<hbm>>
    tpu.enqueue_dma source(%dma_start3A_25 : memref<512xi32, #tpu.memory_space<hbm>>) target(%dma_start3A_24 : memref<512xi32, #tpu.memory_space<vmem>>) target_semaphore(%arg8 : memref<!tpu.dma_semaphore, #tpu.memory_space<semaphore_mem>>)
    %add3A_26 = arith.constant 49152 : i32
    %add3A_27 = arith.addi %add3A_26, %mul3A_2 : i32
    %dma_start3A_28 = arith.constant 1536 : i32
    %dma_start3A_29 = tpu.memref_slice %arg5[%dma_start3A_28] : memref<10240xi32, #tpu.memory_space<vmem>> -> memref<512xi32, #tpu.memory_space<vmem>>
    %dma_start3A_30 = tpu.memref_slice %arg2[%add3A_27] : memref<327680xi32, #tpu.memory_space<hbm>> -> memref<512xi32, #tpu.memory_space<hbm>>
    %dma_start3A_31 = arith.constant 1536 : i32
    %dma_start3A_32 = tpu.memref_slice %arg5[%dma_start3A_31] : memref<10240xi32, #tpu.memory_space<vmem>> -> memref<512xi32, #tpu.memory_space<vmem>>
    %dma_start3A_33 = tpu.memref_slice %arg2[%add3A_27] : memref<327680xi32, #tpu.memory_space<hbm>> -> memref<512xi32, #tpu.memory_space<hbm>>
    tpu.enqueue_dma source(%dma_start3A_33 : memref<512xi32, #tpu.memory_space<hbm>>) target(%dma_start3A_32 : memref<512xi32, #tpu.memory_space<vmem>>) target_semaphore(%arg8 : memref<!tpu.dma_semaphore, #tpu.memory_space<semaphore_mem>>)
    %add3A_34 = arith.constant 65536 : i32
    %add3A_35 = arith.addi %add3A_34, %mul3A_2 : i32
    %dma_start3A_36 = arith.constant 2048 : i32
    %dma_start3A_37 = tpu.memref_slice %arg5[%dma_start3A_36] : memref<10240xi32, #tpu.memory_space<vmem>> -> memref<512xi32, #tpu.memory_space<vmem>>
    %dma_start3A_38 = tpu.memref_slice %arg2[%add3A_35] : memref<327680xi32, #tpu.memory_space<hbm>> -> memref<512xi32, #tpu.memory_space<hbm>>
    %dma_start3A_39 = arith.constant 2048 : i32
    %dma_start3A_40 = tpu.memref_slice %arg5[%dma_start3A_39] : memref<10240xi32, #tpu.memory_space<vmem>> -> memref<512xi32, #tpu.memory_space<vmem>>
    %dma_start3A_41 = tpu.memref_slice %arg2[%add3A_35] : memref<327680xi32, #tpu.memory_space<hbm>> -> memref<512xi32, #tpu.memory_space<hbm>>
    tpu.enqueue_dma source(%dma_start3A_41 : memref<512xi32, #tpu.memory_space<hbm>>) target(%dma_start3A_40 : memref<512xi32, #tpu.memory_space<vmem>>) target_semaphore(%arg8 : memref<!tpu.dma_semaphore, #tpu.memory_space<semaphore_mem>>)
    %add3A_42 = arith.constant 81920 : i32
    %add3A_43 = arith.addi %add3A_42, %mul3A_2 : i32
    %dma_start3A_44 = arith.constant 2560 : i32
    %dma_start3A_45 = tpu.memref_slice %arg5[%dma_start3A_44] : memref<10240xi32, #tpu.memory_space<vmem>> -> memref<512xi32, #tpu.memory_space<vmem>>
    %dma_start3A_46 = tpu.memref_slice %arg2[%add3A_43] : memref<327680xi32, #tpu.memory_space<hbm>> -> memref<512xi32, #tpu.memory_space<hbm>>
    %dma_start3A_47 = arith.constant 2560 : i32
    %dma_start3A_48 = tpu.memref_slice %arg5[%dma_start3A_47] : memref<10240xi32, #tpu.memory_space<vmem>> -> memref<512xi32, #tpu.memory_space<vmem>>
    %dma_start3A_49 = tpu.memref_slice %arg2[%add3A_43] : memref<327680xi32, #tpu.memory_space<hbm>> -> memref<512xi32, #tpu.memory_space<hbm>>
    tpu.enqueue_dma source(%dma_start3A_49 : memref<512xi32, #tpu.memory_space<hbm>>) target(%dma_start3A_48 : memref<512xi32, #tpu.memory_space<vmem>>) target_semaphore(%arg8 : memref<!tpu.dma_semaphore, #tpu.memory_space<semaphore_mem>>)
    %add3A_50 = arith.constant 98304 : i32
    %add3A_51 = arith.addi %add3A_50, %mul3A_2 : i32
    %dma_start3A_52 = arith.constant 3072 : i32
    %dma_start3A_53 = tpu.memref_slice %arg5[%dma_start3A_52] : memref<10240xi32, #tpu.memory_space<vmem>> -> memref<512xi32, #tpu.memory_space<vmem>>
    %dma_start3A_54 = tpu.memref_slice %arg2[%add3A_51] : memref<327680xi32, #tpu.memory_space<hbm>> -> memref<512xi32, #tpu.memory_space<hbm>>
    %dma_start3A_55 = arith.constant 3072 : i32
    %dma_start3A_56 = tpu.memref_slice %arg5[%dma_start3A_55] : memref<10240xi32, #tpu.memory_space<vmem>> -> memref<512xi32, #tpu.memory_space<vmem>>
    %dma_start3A_57 = tpu.memref_slice %arg2[%add3A_51] : memref<327680xi32, #tpu.memory_space<hbm>> -> memref<512xi32, #tpu.memory_space<hbm>>
    tpu.enqueue_dma source(%dma_start3A_57 : memref<512xi32, #tpu.memory_space<hbm>>) target(%dma_start3A_56 : memref<512xi32, #tpu.memory_space<vmem>>) target_semaphore(%arg8 : memref<!tpu.dma_semaphore, #tpu.memory_space<semaphore_mem>>)
    %add3A_58 = arith.constant 114688 : i32
    %add3A_59 = arith.addi %add3A_58, %mul3A_2 : i32
    %dma_start3A_60 = arith.constant 3584 : i32
    %dma_start3A_61 = tpu.memref_slice %arg5[%dma_start3A_60] : memref<10240xi32, #tpu.memory_space<vmem>> -> memref<512xi32, #tpu.memory_space<vmem>>
    %dma_start3A_62 = tpu.memref_slice %arg2[%add3A_59] : memref<327680xi32, #tpu.memory_space<hbm>> -> memref<512xi32, #tpu.memory_space<hbm>>
    %dma_start3A_63 = arith.constant 3584 : i32
    %dma_start3A_64 = tpu.memref_slice %arg5[%dma_start3A_63] : memref<10240xi32, #tpu.memory_space<vmem>> -> memref<512xi32, #tpu.memory_space<vmem>>
    %dma_start3A_65 = tpu.memref_slice %arg2[%add3A_59] : memref<327680xi32, #tpu.memory_space<hbm>> -> memref<512xi32, #tpu.memory_space<hbm>>
    tpu.enqueue_dma source(%dma_start3A_65 : memref<512xi32, #tpu.memory_space<hbm>>) target(%dma_start3A_64 : memref<512xi32, #tpu.memory_space<vmem>>) target_semaphore(%arg8 : memref<!tpu.dma_semaphore, #tpu.memory_space<semaphore_mem>>)
    %add3A_66 = arith.constant 131072 : i32
    %add3A_67 = arith.addi %add3A_66, %mul3A_2 : i32
    %dma_start3A_68 = arith.constant 4096 : i32
    %dma_start3A_69 = tpu.memref_slice %arg5[%dma_start3A_68] : memref<10240xi32, #tpu.memory_space<vmem>> -> memref<512xi32, #tpu.memory_space<vmem>>
    %dma_start3A_70 = tpu.memref_slice %arg2[%add3A_67] : memref<327680xi32, #tpu.memory_space<hbm>> -> memref<512xi32, #tpu.memory_space<hbm>>
    %dma_start3A_71 = arith.constant 4096 : i32
    %dma_start3A_72 = tpu.memref_slice %arg5[%dma_start3A_71] : memref<10240xi32, #tpu.memory_space<vmem>> -> memref<512xi32, #tpu.memory_space<vmem>>
    %dma_start3A_73 = tpu.memref_slice %arg2[%add3A_67] : memref<327680xi32, #tpu.memory_space<hbm>> -> memref<512xi32, #tpu.memory_space<hbm>>
    tpu.enqueue_dma source(%dma_start3A_73 : memref<512xi32, #tpu.memory_space<hbm>>) target(%dma_start3A_72 : memref<512xi32, #tpu.memory_space<vmem>>) target_semaphore(%arg8 : memref<!tpu.dma_semaphore, #tpu.memory_space<semaphore_mem>>)
    %add3A_74 = arith.constant 147456 : i32
    %add3A_75 = arith.addi %add3A_74, %mul3A_2 : i32
    %dma_start3A_76 = arith.constant 4608 : i32
    %dma_start3A_77 = tpu.memref_slice %arg5[%dma_start3A_76] : memref<10240xi32, #tpu.memory_space<vmem>> -> memref<512xi32, #tpu.memory_space<vmem>>
    %dma_start3A_78 = tpu.memref_slice %arg2[%add3A_75] : memref<327680xi32, #tpu.memory_space<hbm>> -> memref<512xi32, #tpu.memory_space<hbm>>
    %dma_start3A_79 = arith.constant 4608 : i32
    %dma_start3A_80 = tpu.memref_slice %arg5[%dma_start3A_79] : memref<10240xi32, #tpu.memory_space<vmem>> -> memref<512xi32, #tpu.memory_space<vmem>>
    %dma_start3A_81 = tpu.memref_slice %arg2[%add3A_75] : memref<327680xi32, #tpu.memory_space<hbm>> -> memref<512xi32, #tpu.memory_space<hbm>>
    tpu.enqueue_dma source(%dma_start3A_81 : memref<512xi32, #tpu.memory_space<hbm>>) target(%dma_start3A_80 : memref<512xi32, #tpu.memory_space<vmem>>) target_semaphore(%arg8 : memref<!tpu.dma_semaphore, #tpu.memory_space<semaphore_mem>>)
    %add3A_82 = arith.constant 163840 : i32
    %add3A_83 = arith.addi %add3A_82, %mul3A_2 : i32
    %dma_start3A_84 = arith.constant 5120 : i32
    %dma_start3A_85 = tpu.memref_slice %arg5[%dma_start3A_84] : memref<10240xi32, #tpu.memory_space<vmem>> -> memref<512xi32, #tpu.memory_space<vmem>>
    %dma_start3A_86 = tpu.memref_slice %arg2[%add3A_83] : memref<327680xi32, #tpu.memory_space<hbm>> -> memref<512xi32, #tpu.memory_space<hbm>>
    %dma_start3A_87 = arith.constant 5120 : i32
    %dma_start3A_88 = tpu.memref_slice %arg5[%dma_start3A_87] : memref<10240xi32, #tpu.memory_space<vmem>> -> memref<512xi32, #tpu.memory_space<vmem>>
    %dma_start3A_89 = tpu.memref_slice %arg2[%add3A_83] : memref<327680xi32, #tpu.memory_space<hbm>> -> memref<512xi32, #tpu.memory_space<hbm>>
    tpu.enqueue_dma source(%dma_start3A_89 : memref<512xi32, #tpu.memory_space<hbm>>) target(%dma_start3A_88 : memref<512xi32, #tpu.memory_space<vmem>>) target_semaphore(%arg8 : memref<!tpu.dma_semaphore, #tpu.memory_space<semaphore_mem>>)
    %add3A_90 = arith.constant 180224 : i32
    %add3A_91 = arith.addi %add3A_90, %mul3A_2 : i32
    %dma_start3A_92 = arith.constant 5632 : i32
    %dma_start3A_93 = tpu.memref_slice %arg5[%dma_start3A_92] : memref<10240xi32, #tpu.memory_space<vmem>> -> memref<512xi32, #tpu.memory_space<vmem>>
    %dma_start3A_94 = tpu.memref_slice %arg2[%add3A_91] : memref<327680xi32, #tpu.memory_space<hbm>> -> memref<512xi32, #tpu.memory_space<hbm>>
    %dma_start3A_95 = arith.constant 5632 : i32
    %dma_start3A_96 = tpu.memref_slice %arg5[%dma_start3A_95] : memref<10240xi32, #tpu.memory_space<vmem>> -> memref<512xi32, #tpu.memory_space<vmem>>
    %dma_start3A_97 = tpu.memref_slice %arg2[%add3A_91] : memref<327680xi32, #tpu.memory_space<hbm>> -> memref<512xi32, #tpu.memory_space<hbm>>
    tpu.enqueue_dma source(%dma_start3A_97 : memref<512xi32, #tpu.memory_space<hbm>>) target(%dma_start3A_96 : memref<512xi32, #tpu.memory_space<vmem>>) target_semaphore(%arg8 : memref<!tpu.dma_semaphore, #tpu.memory_space<semaphore_mem>>)
    %add3A_98 = arith.constant 196608 : i32
    %add3A_99 = arith.addi %add3A_98, %mul3A_2 : i32
    %dma_start3A_100 = arith.constant 6144 : i32
    %dma_start3A_101 = tpu.memref_slice %arg5[%dma_start3A_100] : memref<10240xi32, #tpu.memory_space<vmem>> -> memref<512xi32, #tpu.memory_space<vmem>>
    %dma_start3A_102 = tpu.memref_slice %arg2[%add3A_99] : memref<327680xi32, #tpu.memory_space<hbm>> -> memref<512xi32, #tpu.memory_space<hbm>>
    %dma_start3A_103 = arith.constant 6144 : i32
    %dma_start3A_104 = tpu.memref_slice %arg5[%dma_start3A_103] : memref<10240xi32, #tpu.memory_space<vmem>> -> memref<512xi32, #tpu.memory_space<vmem>>
    %dma_start3A_105 = tpu.memref_slice %arg2[%add3A_99] : memref<327680xi32, #tpu.memory_space<hbm>> -> memref<512xi32, #tpu.memory_space<hbm>>
    tpu.enqueue_dma source(%dma_start3A_105 : memref<512xi32, #tpu.memory_space<hbm>>) target(%dma_start3A_104 : memref<512xi32, #tpu.memory_space<vmem>>) target_semaphore(%arg8 : memref<!tpu.dma_semaphore, #tpu.memory_space<semaphore_mem>>)
    %add3A_106 = arith.constant 212992 : i32
    %add3A_107 = arith.addi %add3A_106, %mul3A_2 : i32
    %dma_start3A_108 = arith.constant 6656 : i32
    %dma_start3A_109 = tpu.memref_slice %arg5[%dma_start3A_108] : memref<10240xi32, #tpu.memory_space<vmem>> -> memref<512xi32, #tpu.memory_space<vmem>>
    %dma_start3A_110 = tpu.memref_slice %arg2[%add3A_107] : memref<327680xi32, #tpu.memory_space<hbm>> -> memref<512xi32, #tpu.memory_space<hbm>>
    %dma_start3A_111 = arith.constant 6656 : i32
    %dma_start3A_112 = tpu.memref_slice %arg5[%dma_start3A_111] : memref<10240xi32, #tpu.memory_space<vmem>> -> memref<512xi32, #tpu.memory_space<vmem>>
    %dma_start3A_113 = tpu.memref_slice %arg2[%add3A_107] : memref<327680xi32, #tpu.memory_space<hbm>> -> memref<512xi32, #tpu.memory_space<hbm>>
    tpu.enqueue_dma source(%dma_start3A_113 : memref<512xi32, #tpu.memory_space<hbm>>) target(%dma_start3A_112 : memref<512xi32, #tpu.memory_space<vmem>>) target_semaphore(%arg8 : memref<!tpu.dma_semaphore, #tpu.memory_space<semaphore_mem>>)
    %add3A_114 = arith.constant 229376 : i32
    %add3A_115 = arith.addi %add3A_114, %mul3A_2 : i32
    %dma_start3A_116 = arith.constant 7168 : i32
    %dma_start3A_117 = tpu.memref_slice %arg5[%dma_start3A_116] : memref<10240xi32, #tpu.memory_space<vmem>> -> memref<512xi32, #tpu.memory_space<vmem>>
    %dma_start3A_118 = tpu.memref_slice %arg2[%add3A_115] : memref<327680xi32, #tpu.memory_space<hbm>> -> memref<512xi32, #tpu.memory_space<hbm>>
    %dma_start3A_119 = arith.constant 7168 : i32
    %dma_start3A_120 = tpu.memref_slice %arg5[%dma_start3A_119] : memref<10240xi32, #tpu.memory_space<vmem>> -> memref<512xi32, #tpu.memory_space<vmem>>
    %dma_start3A_121 = tpu.memref_slice %arg2[%add3A_115] : memref<327680xi32, #tpu.memory_space<hbm>> -> memref<512xi32, #tpu.memory_space<hbm>>
    tpu.enqueue_dma source(%dma_start3A_121 : memref<512xi32, #tpu.memory_space<hbm>>) target(%dma_start3A_120 : memref<512xi32, #tpu.memory_space<vmem>>) target_semaphore(%arg8 : memref<!tpu.dma_semaphore, #tpu.memory_space<semaphore_mem>>)
    %add3A_122 = arith.constant 245760 : i32
    %add3A_123 = arith.addi %add3A_122, %mul3A_2 : i32
    %dma_start3A_124 = arith.constant 7680 : i32
    %dma_start3A_125 = tpu.memref_slice %arg5[%dma_start3A_124] : memref<10240xi32, #tpu.memory_space<vmem>> -> memref<512xi32, #tpu.memory_space<vmem>>
    %dma_start3A_126 = tpu.memref_slice %arg2[%add3A_123] : memref<327680xi32, #tpu.memory_space<hbm>> -> memref<512xi32, #tpu.memory_space<hbm>>
    %dma_start3A_127 = arith.constant 7680 : i32
    %dma_start3A_128 = tpu.memref_slice %arg5[%dma_start3A_127] : memref<10240xi32, #tpu.memory_space<vmem>> -> memref<512xi32, #tpu.memory_space<vmem>>
    %dma_start3A_129 = tpu.memref_slice %arg2[%add3A_123] : memref<327680xi32, #tpu.memory_space<hbm>> -> memref<512xi32, #tpu.memory_space<hbm>>
    tpu.enqueue_dma source(%dma_start3A_129 : memref<512xi32, #tpu.memory_space<hbm>>) target(%dma_start3A_128 : memref<512xi32, #tpu.memory_space<vmem>>) target_semaphore(%arg8 : memref<!tpu.dma_semaphore, #tpu.memory_space<semaphore_mem>>)
    %add3A_130 = arith.constant 262144 : i32
    %add3A_131 = arith.addi %add3A_130, %mul3A_2 : i32
    %dma_start3A_132 = arith.constant 8192 : i32
    %dma_start3A_133 = tpu.memref_slice %arg5[%dma_start3A_132] : memref<10240xi32, #tpu.memory_space<vmem>> -> memref<512xi32, #tpu.memory_space<vmem>>
    %dma_start3A_134 = tpu.memref_slice %arg2[%add3A_131] : memref<327680xi32, #tpu.memory_space<hbm>> -> memref<512xi32, #tpu.memory_space<hbm>>
    %dma_start3A_135 = arith.constant 8192 : i32
    %dma_start3A_136 = tpu.memref_slice %arg5[%dma_start3A_135] : memref<10240xi32, #tpu.memory_space<vmem>> -> memref<512xi32, #tpu.memory_space<vmem>>
    %dma_start3A_137 = tpu.memref_slice %arg2[%add3A_131] : memref<327680xi32, #tpu.memory_space<hbm>> -> memref<512xi32, #tpu.memory_space<hbm>>
    tpu.enqueue_dma source(%dma_start3A_137 : memref<512xi32, #tpu.memory_space<hbm>>) target(%dma_start3A_136 : memref<512xi32, #tpu.memory_space<vmem>>) target_semaphore(%arg8 : memref<!tpu.dma_semaphore, #tpu.memory_space<semaphore_mem>>)
    %add3A_138 = arith.constant 278528 : i32
    %add3A_139 = arith.addi %add3A_138, %mul3A_2 : i32
    %dma_start3A_140 = arith.constant 8704 : i32
    %dma_start3A_141 = tpu.memref_slice %arg5[%dma_start3A_140] : memref<10240xi32, #tpu.memory_space<vmem>> -> memref<512xi32, #tpu.memory_space<vmem>>
    %dma_start3A_142 = tpu.memref_slice %arg2[%add3A_139] : memref<327680xi32, #tpu.memory_space<hbm>> -> memref<512xi32, #tpu.memory_space<hbm>>
    %dma_start3A_143 = arith.constant 8704 : i32
    %dma_start3A_144 = tpu.memref_slice %arg5[%dma_start3A_143] : memref<10240xi32, #tpu.memory_space<vmem>> -> memref<512xi32, #tpu.memory_space<vmem>>
    %dma_start3A_145 = tpu.memref_slice %arg2[%add3A_139] : memref<327680xi32, #tpu.memory_space<hbm>> -> memref<512xi32, #tpu.memory_space<hbm>>
    tpu.enqueue_dma source(%dma_start3A_145 : memref<512xi32, #tpu.memory_space<hbm>>) target(%dma_start3A_144 : memref<512xi32, #tpu.memory_space<vmem>>) target_semaphore(%arg8 : memref<!tpu.dma_semaphore, #tpu.memory_space<semaphore_mem>>)
    %add3A_146 = arith.constant 294912 : i32
    %add3A_147 = arith.addi %add3A_146, %mul3A_2 : i32
    %dma_start3A_148 = arith.constant 9216 : i32
    %dma_start3A_149 = tpu.memref_slice %arg5[%dma_start3A_148] : memref<10240xi32, #tpu.memory_space<vmem>> -> memref<512xi32, #tpu.memory_space<vmem>>
    %dma_start3A_150 = tpu.memref_slice %arg2[%add3A_147] : memref<327680xi32, #tpu.memory_space<hbm>> -> memref<512xi32, #tpu.memory_space<hbm>>
    %dma_start3A_151 = arith.constant 9216 : i32
    %dma_start3A_152 = tpu.memref_slice %arg5[%dma_start3A_151] : memref<10240xi32, #tpu.memory_space<vmem>> -> memref<512xi32, #tpu.memory_space<vmem>>
    %dma_start3A_153 = tpu.memref_slice %arg2[%add3A_147] : memref<327680xi32, #tpu.memory_space<hbm>> -> memref<512xi32, #tpu.memory_space<hbm>>
    tpu.enqueue_dma source(%dma_start3A_153 : memref<512xi32, #tpu.memory_space<hbm>>) target(%dma_start3A_152 : memref<512xi32, #tpu.memory_space<vmem>>) target_semaphore(%arg8 : memref<!tpu.dma_semaphore, #tpu.memory_space<semaphore_mem>>)
    %add3A_154 = arith.constant 311296 : i32
    %add3A_155 = arith.addi %add3A_154, %mul3A_2 : i32
    %dma_start3A_156 = arith.constant 9728 : i32
    %dma_start3A_157 = tpu.memref_slice %arg5[%dma_start3A_156] : memref<10240xi32, #tpu.memory_space<vmem>> -> memref<512xi32, #tpu.memory_space<vmem>>
    %dma_start3A_158 = tpu.memref_slice %arg2[%add3A_155] : memref<327680xi32, #tpu.memory_space<hbm>> -> memref<512xi32, #tpu.memory_space<hbm>>
    %dma_start3A_159 = arith.constant 9728 : i32
    %dma_start3A_160 = tpu.memref_slice %arg5[%dma_start3A_159] : memref<10240xi32, #tpu.memory_space<vmem>> -> memref<512xi32, #tpu.memory_space<vmem>>
    %dma_start3A_161 = tpu.memref_slice %arg2[%add3A_155] : memref<327680xi32, #tpu.memory_space<hbm>> -> memref<512xi32, #tpu.memory_space<hbm>>
    tpu.enqueue_dma source(%dma_start3A_161 : memref<512xi32, #tpu.memory_space<hbm>>) target(%dma_start3A_160 : memref<512xi32, #tpu.memory_space<vmem>>) target_semaphore(%arg8 : memref<!tpu.dma_semaphore, #tpu.memory_space<semaphore_mem>>)
    %add3A_162 = arith.constant 0 : i32
    %add3A_163 = arith.addi %add3A_162, %mul3A_2 : i32
    %dma_wait3A = arith.constant 0 : i32
    %dma_wait3A_164 = tpu.memref_slice %arg5[%dma_wait3A] : memref<10240xi32, #tpu.memory_space<vmem>> -> memref<512xi32, #tpu.memory_space<vmem>>
    %dma_wait3A_165 = tpu.memref_slice %arg2[%add3A_163] : memref<327680xi32, #tpu.memory_space<hbm>> -> memref<512xi32, #tpu.memory_space<hbm>>
    %dma_wait3A_166 = arith.constant 0 : i32
    %dma_wait3A_167 = tpu.memref_slice %arg5[%dma_wait3A_166] : memref<10240xi32, #tpu.memory_space<vmem>> -> memref<512xi32, #tpu.memory_space<vmem>>
    %dma_wait3A_168 = tpu.memref_slice %arg2[%add3A_163] : memref<327680xi32, #tpu.memory_space<hbm>> -> memref<512xi32, #tpu.memory_space<hbm>>
    tpu.wait_dma2 semaphore(%arg8 : memref<!tpu.dma_semaphore, #tpu.memory_space<semaphore_mem>>) src(%dma_wait3A_168 : memref<512xi32, #tpu.memory_space<hbm>>) dst(%dma_wait3A_167 : memref<512xi32, #tpu.memory_space<vmem>>)
    %add3A_169 = arith.constant 16384 : i32
    %add3A_170 = arith.addi %add3A_169, %mul3A_2 : i32
    %dma_wait3A_171 = arith.constant 512 : i32
    %dma_wait3A_172 = tpu.memref_slice %arg5[%dma_wait3A_171] : memref<10240xi32, #tpu.memory_space<vmem>> -> memref<512xi32, #tpu.memory_space<vmem>>
    %dma_wait3A_173 = tpu.memref_slice %arg2[%add3A_170] : memref<327680xi32, #tpu.memory_space<hbm>> -> memref<512xi32, #tpu.memory_space<hbm>>
    %dma_wait3A_174 = arith.constant 512 : i32
    %dma_wait3A_175 = tpu.memref_slice %arg5[%dma_wait3A_174] : memref<10240xi32, #tpu.memory_space<vmem>> -> memref<512xi32, #tpu.memory_space<vmem>>
    %dma_wait3A_176 = tpu.memref_slice %arg2[%add3A_170] : memref<327680xi32, #tpu.memory_space<hbm>> -> memref<512xi32, #tpu.memory_space<hbm>>
    tpu.wait_dma2 semaphore(%arg8 : memref<!tpu.dma_semaphore, #tpu.memory_space<semaphore_mem>>) src(%dma_wait3A_176 : memref<512xi32, #tpu.memory_space<hbm>>) dst(%dma_wait3A_175 : memref<512xi32, #tpu.memory_space<vmem>>)
    %add3A_177 = arith.constant 32768 : i32
    %add3A_178 = arith.addi %add3A_177, %mul3A_2 : i32
    %dma_wait3A_179 = arith.constant 1024 : i32
    %dma_wait3A_180 = tpu.memref_slice %arg5[%dma_wait3A_179] : memref<10240xi32, #tpu.memory_space<vmem>> -> memref<512xi32, #tpu.memory_space<vmem>>
    %dma_wait3A_181 = tpu.memref_slice %arg2[%add3A_178] : memref<327680xi32, #tpu.memory_space<hbm>> -> memref<512xi32, #tpu.memory_space<hbm>>
    %dma_wait3A_182 = arith.constant 1024 : i32
    %dma_wait3A_183 = tpu.memref_slice %arg5[%dma_wait3A_182] : memref<10240xi32, #tpu.memory_space<vmem>> -> memref<512xi32, #tpu.memory_space<vmem>>
    %dma_wait3A_184 = tpu.memref_slice %arg2[%add3A_178] : memref<327680xi32, #tpu.memory_space<hbm>> -> memref<512xi32, #tpu.memory_space<hbm>>
    tpu.wait_dma2 semaphore(%arg8 : memref<!tpu.dma_semaphore, #tpu.memory_space<semaphore_mem>>) src(%dma_wait3A_184 : memref<512xi32, #tpu.memory_space<hbm>>) dst(%dma_wait3A_183 : memref<512xi32, #tpu.memory_space<vmem>>)
    %add3A_185 = arith.constant 49152 : i32
    %add3A_186 = arith.addi %add3A_185, %mul3A_2 : i32
    %dma_wait3A_187 = arith.constant 1536 : i32
    %dma_wait3A_188 = tpu.memref_slice %arg5[%dma_wait3A_187] : memref<10240xi32, #tpu.memory_space<vmem>> -> memref<512xi32, #tpu.memory_space<vmem>>
    %dma_wait3A_189 = tpu.memref_slice %arg2[%add3A_186] : memref<327680xi32, #tpu.memory_space<hbm>> -> memref<512xi32, #tpu.memory_space<hbm>>
    %dma_wait3A_190 = arith.constant 1536 : i32
    %dma_wait3A_191 = tpu.memref_slice %arg5[%dma_wait3A_190] : memref<10240xi32, #tpu.memory_space<vmem>> -> memref<512xi32, #tpu.memory_space<vmem>>
    %dma_wait3A_192 = tpu.memref_slice %arg2[%add3A_186] : memref<327680xi32, #tpu.memory_space<hbm>> -> memref<512xi32, #tpu.memory_space<hbm>>
    tpu.wait_dma2 semaphore(%arg8 : memref<!tpu.dma_semaphore, #tpu.memory_space<semaphore_mem>>) src(%dma_wait3A_192 : memref<512xi32, #tpu.memory_space<hbm>>) dst(%dma_wait3A_191 : memref<512xi32, #tpu.memory_space<vmem>>)
    %add3A_193 = arith.constant 65536 : i32
    %add3A_194 = arith.addi %add3A_193, %mul3A_2 : i32
    %dma_wait3A_195 = arith.constant 2048 : i32
    %dma_wait3A_196 = tpu.memref_slice %arg5[%dma_wait3A_195] : memref<10240xi32, #tpu.memory_space<vmem>> -> memref<512xi32, #tpu.memory_space<vmem>>
    %dma_wait3A_197 = tpu.memref_slice %arg2[%add3A_194] : memref<327680xi32, #tpu.memory_space<hbm>> -> memref<512xi32, #tpu.memory_space<hbm>>
    %dma_wait3A_198 = arith.constant 2048 : i32
    %dma_wait3A_199 = tpu.memref_slice %arg5[%dma_wait3A_198] : memref<10240xi32, #tpu.memory_space<vmem>> -> memref<512xi32, #tpu.memory_space<vmem>>
    %dma_wait3A_200 = tpu.memref_slice %arg2[%add3A_194] : memref<327680xi32, #tpu.memory_space<hbm>> -> memref<512xi32, #tpu.memory_space<hbm>>
    tpu.wait_dma2 semaphore(%arg8 : memref<!tpu.dma_semaphore, #tpu.memory_space<semaphore_mem>>) src(%dma_wait3A_200 : memref<512xi32, #tpu.memory_space<hbm>>) dst(%dma_wait3A_199 : memref<512xi32, #tpu.memory_space<vmem>>)
    %add3A_201 = arith.constant 81920 : i32
    %add3A_202 = arith.addi %add3A_201, %mul3A_2 : i32
    %dma_wait3A_203 = arith.constant 2560 : i32
    %dma_wait3A_204 = tpu.memref_slice %arg5[%dma_wait3A_203] : memref<10240xi32, #tpu.memory_space<vmem>> -> memref<512xi32, #tpu.memory_space<vmem>>
    %dma_wait3A_205 = tpu.memref_slice %arg2[%add3A_202] : memref<327680xi32, #tpu.memory_space<hbm>> -> memref<512xi32, #tpu.memory_space<hbm>>
    %dma_wait3A_206 = arith.constant 2560 : i32
    %dma_wait3A_207 = tpu.memref_slice %arg5[%dma_wait3A_206] : memref<10240xi32, #tpu.memory_space<vmem>> -> memref<512xi32, #tpu.memory_space<vmem>>
    %dma_wait3A_208 = tpu.memref_slice %arg2[%add3A_202] : memref<327680xi32, #tpu.memory_space<hbm>> -> memref<512xi32, #tpu.memory_space<hbm>>
    tpu.wait_dma2 semaphore(%arg8 : memref<!tpu.dma_semaphore, #tpu.memory_space<semaphore_mem>>) src(%dma_wait3A_208 : memref<512xi32, #tpu.memory_space<hbm>>) dst(%dma_wait3A_207 : memref<512xi32, #tpu.memory_space<vmem>>)
    %add3A_209 = arith.constant 98304 : i32
    %add3A_210 = arith.addi %add3A_209, %mul3A_2 : i32
    %dma_wait3A_211 = arith.constant 3072 : i32
    %dma_wait3A_212 = tpu.memref_slice %arg5[%dma_wait3A_211] : memref<10240xi32, #tpu.memory_space<vmem>> -> memref<512xi32, #tpu.memory_space<vmem>>
    %dma_wait3A_213 = tpu.memref_slice %arg2[%add3A_210] : memref<327680xi32, #tpu.memory_space<hbm>> -> memref<512xi32, #tpu.memory_space<hbm>>
    %dma_wait3A_214 = arith.constant 3072 : i32
    %dma_wait3A_215 = tpu.memref_slice %arg5[%dma_wait3A_214] : memref<10240xi32, #tpu.memory_space<vmem>> -> memref<512xi32, #tpu.memory_space<vmem>>
    %dma_wait3A_216 = tpu.memref_slice %arg2[%add3A_210] : memref<327680xi32, #tpu.memory_space<hbm>> -> memref<512xi32, #tpu.memory_space<hbm>>
    tpu.wait_dma2 semaphore(%arg8 : memref<!tpu.dma_semaphore, #tpu.memory_space<semaphore_mem>>) src(%dma_wait3A_216 : memref<512xi32, #tpu.memory_space<hbm>>) dst(%dma_wait3A_215 : memref<512xi32, #tpu.memory_space<vmem>>)
    %add3A_217 = arith.constant 114688 : i32
    %add3A_218 = arith.addi %add3A_217, %mul3A_2 : i32
    %dma_wait3A_219 = arith.constant 3584 : i32
    %dma_wait3A_220 = tpu.memref_slice %arg5[%dma_wait3A_219] : memref<10240xi32, #tpu.memory_space<vmem>> -> memref<512xi32, #tpu.memory_space<vmem>>
    %dma_wait3A_221 = tpu.memref_slice %arg2[%add3A_218] : memref<327680xi32, #tpu.memory_space<hbm>> -> memref<512xi32, #tpu.memory_space<hbm>>
    %dma_wait3A_222 = arith.constant 3584 : i32
    %dma_wait3A_223 = tpu.memref_slice %arg5[%dma_wait3A_222] : memref<10240xi32, #tpu.memory_space<vmem>> -> memref<512xi32, #tpu.memory_space<vmem>>
    %dma_wait3A_224 = tpu.memref_slice %arg2[%add3A_218] : memref<327680xi32, #tpu.memory_space<hbm>> -> memref<512xi32, #tpu.memory_space<hbm>>
    tpu.wait_dma2 semaphore(%arg8 : memref<!tpu.dma_semaphore, #tpu.memory_space<semaphore_mem>>) src(%dma_wait3A_224 : memref<512xi32, #tpu.memory_space<hbm>>) dst(%dma_wait3A_223 : memref<512xi32, #tpu.memory_space<vmem>>)
    %add3A_225 = arith.constant 131072 : i32
    %add3A_226 = arith.addi %add3A_225, %mul3A_2 : i32
    %dma_wait3A_227 = arith.constant 4096 : i32
    %dma_wait3A_228 = tpu.memref_slice %arg5[%dma_wait3A_227] : memref<10240xi32, #tpu.memory_space<vmem>> -> memref<512xi32, #tpu.memory_space<vmem>>
    %dma_wait3A_229 = tpu.memref_slice %arg2[%add3A_226] : memref<327680xi32, #tpu.memory_space<hbm>> -> memref<512xi32, #tpu.memory_space<hbm>>
    %dma_wait3A_230 = arith.constant 4096 : i32
    %dma_wait3A_231 = tpu.memref_slice %arg5[%dma_wait3A_230] : memref<10240xi32, #tpu.memory_space<vmem>> -> memref<512xi32, #tpu.memory_space<vmem>>
    %dma_wait3A_232 = tpu.memref_slice %arg2[%add3A_226] : memref<327680xi32, #tpu.memory_space<hbm>> -> memref<512xi32, #tpu.memory_space<hbm>>
    tpu.wait_dma2 semaphore(%arg8 : memref<!tpu.dma_semaphore, #tpu.memory_space<semaphore_mem>>) src(%dma_wait3A_232 : memref<512xi32, #tpu.memory_space<hbm>>) dst(%dma_wait3A_231 : memref<512xi32, #tpu.memory_space<vmem>>)
    %add3A_233 = arith.constant 147456 : i32
    %add3A_234 = arith.addi %add3A_233, %mul3A_2 : i32
    %dma_wait3A_235 = arith.constant 4608 : i32
    %dma_wait3A_236 = tpu.memref_slice %arg5[%dma_wait3A_235] : memref<10240xi32, #tpu.memory_space<vmem>> -> memref<512xi32, #tpu.memory_space<vmem>>
    %dma_wait3A_237 = tpu.memref_slice %arg2[%add3A_234] : memref<327680xi32, #tpu.memory_space<hbm>> -> memref<512xi32, #tpu.memory_space<hbm>>
    %dma_wait3A_238 = arith.constant 4608 : i32
    %dma_wait3A_239 = tpu.memref_slice %arg5[%dma_wait3A_238] : memref<10240xi32, #tpu.memory_space<vmem>> -> memref<512xi32, #tpu.memory_space<vmem>>
    %dma_wait3A_240 = tpu.memref_slice %arg2[%add3A_234] : memref<327680xi32, #tpu.memory_space<hbm>> -> memref<512xi32, #tpu.memory_space<hbm>>
    tpu.wait_dma2 semaphore(%arg8 : memref<!tpu.dma_semaphore, #tpu.memory_space<semaphore_mem>>) src(%dma_wait3A_240 : memref<512xi32, #tpu.memory_space<hbm>>) dst(%dma_wait3A_239 : memref<512xi32, #tpu.memory_space<vmem>>)
    %add3A_241 = arith.constant 163840 : i32
    %add3A_242 = arith.addi %add3A_241, %mul3A_2 : i32
    %dma_wait3A_243 = arith.constant 5120 : i32
    %dma_wait3A_244 = tpu.memref_slice %arg5[%dma_wait3A_243] : memref<10240xi32, #tpu.memory_space<vmem>> -> memref<512xi32, #tpu.memory_space<vmem>>
    %dma_wait3A_245 = tpu.memref_slice %arg2[%add3A_242] : memref<327680xi32, #tpu.memory_space<hbm>> -> memref<512xi32, #tpu.memory_space<hbm>>
    %dma_wait3A_246 = arith.constant 5120 : i32
    %dma_wait3A_247 = tpu.memref_slice %arg5[%dma_wait3A_246] : memref<10240xi32, #tpu.memory_space<vmem>> -> memref<512xi32, #tpu.memory_space<vmem>>
    %dma_wait3A_248 = tpu.memref_slice %arg2[%add3A_242] : memref<327680xi32, #tpu.memory_space<hbm>> -> memref<512xi32, #tpu.memory_space<hbm>>
    tpu.wait_dma2 semaphore(%arg8 : memref<!tpu.dma_semaphore, #tpu.memory_space<semaphore_mem>>) src(%dma_wait3A_248 : memref<512xi32, #tpu.memory_space<hbm>>) dst(%dma_wait3A_247 : memref<512xi32, #tpu.memory_space<vmem>>)
    %add3A_249 = arith.constant 180224 : i32
    %add3A_250 = arith.addi %add3A_249, %mul3A_2 : i32
    %dma_wait3A_251 = arith.constant 5632 : i32
    %dma_wait3A_252 = tpu.memref_slice %arg5[%dma_wait3A_251] : memref<10240xi32, #tpu.memory_space<vmem>> -> memref<512xi32, #tpu.memory_space<vmem>>
    %dma_wait3A_253 = tpu.memref_slice %arg2[%add3A_250] : memref<327680xi32, #tpu.memory_space<hbm>> -> memref<512xi32, #tpu.memory_space<hbm>>
    %dma_wait3A_254 = arith.constant 5632 : i32
    %dma_wait3A_255 = tpu.memref_slice %arg5[%dma_wait3A_254] : memref<10240xi32, #tpu.memory_space<vmem>> -> memref<512xi32, #tpu.memory_space<vmem>>
    %dma_wait3A_256 = tpu.memref_slice %arg2[%add3A_250] : memref<327680xi32, #tpu.memory_space<hbm>> -> memref<512xi32, #tpu.memory_space<hbm>>
    tpu.wait_dma2 semaphore(%arg8 : memref<!tpu.dma_semaphore, #tpu.memory_space<semaphore_mem>>) src(%dma_wait3A_256 : memref<512xi32, #tpu.memory_space<hbm>>) dst(%dma_wait3A_255 : memref<512xi32, #tpu.memory_space<vmem>>)
    %add3A_257 = arith.constant 196608 : i32
    %add3A_258 = arith.addi %add3A_257, %mul3A_2 : i32
    %dma_wait3A_259 = arith.constant 6144 : i32
    %dma_wait3A_260 = tpu.memref_slice %arg5[%dma_wait3A_259] : memref<10240xi32, #tpu.memory_space<vmem>> -> memref<512xi32, #tpu.memory_space<vmem>>
    %dma_wait3A_261 = tpu.memref_slice %arg2[%add3A_258] : memref<327680xi32, #tpu.memory_space<hbm>> -> memref<512xi32, #tpu.memory_space<hbm>>
    %dma_wait3A_262 = arith.constant 6144 : i32
    %dma_wait3A_263 = tpu.memref_slice %arg5[%dma_wait3A_262] : memref<10240xi32, #tpu.memory_space<vmem>> -> memref<512xi32, #tpu.memory_space<vmem>>
    %dma_wait3A_264 = tpu.memref_slice %arg2[%add3A_258] : memref<327680xi32, #tpu.memory_space<hbm>> -> memref<512xi32, #tpu.memory_space<hbm>>
    tpu.wait_dma2 semaphore(%arg8 : memref<!tpu.dma_semaphore, #tpu.memory_space<semaphore_mem>>) src(%dma_wait3A_264 : memref<512xi32, #tpu.memory_space<hbm>>) dst(%dma_wait3A_263 : memref<512xi32, #tpu.memory_space<vmem>>)
    %add3A_265 = arith.constant 212992 : i32
    %add3A_266 = arith.addi %add3A_265, %mul3A_2 : i32
    %dma_wait3A_267 = arith.constant 6656 : i32
    %dma_wait3A_268 = tpu.memref_slice %arg5[%dma_wait3A_267] : memref<10240xi32, #tpu.memory_space<vmem>> -> memref<512xi32, #tpu.memory_space<vmem>>
    %dma_wait3A_269 = tpu.memref_slice %arg2[%add3A_266] : memref<327680xi32, #tpu.memory_space<hbm>> -> memref<512xi32, #tpu.memory_space<hbm>>
    %dma_wait3A_270 = arith.constant 6656 : i32
    %dma_wait3A_271 = tpu.memref_slice %arg5[%dma_wait3A_270] : memref<10240xi32, #tpu.memory_space<vmem>> -> memref<512xi32, #tpu.memory_space<vmem>>
    %dma_wait3A_272 = tpu.memref_slice %arg2[%add3A_266] : memref<327680xi32, #tpu.memory_space<hbm>> -> memref<512xi32, #tpu.memory_space<hbm>>
    tpu.wait_dma2 semaphore(%arg8 : memref<!tpu.dma_semaphore, #tpu.memory_space<semaphore_mem>>) src(%dma_wait3A_272 : memref<512xi32, #tpu.memory_space<hbm>>) dst(%dma_wait3A_271 : memref<512xi32, #tpu.memory_space<vmem>>)
    %add3A_273 = arith.constant 229376 : i32
    %add3A_274 = arith.addi %add3A_273, %mul3A_2 : i32
    %dma_wait3A_275 = arith.constant 7168 : i32
    %dma_wait3A_276 = tpu.memref_slice %arg5[%dma_wait3A_275] : memref<10240xi32, #tpu.memory_space<vmem>> -> memref<512xi32, #tpu.memory_space<vmem>>
    %dma_wait3A_277 = tpu.memref_slice %arg2[%add3A_274] : memref<327680xi32, #tpu.memory_space<hbm>> -> memref<512xi32, #tpu.memory_space<hbm>>
    %dma_wait3A_278 = arith.constant 7168 : i32
    %dma_wait3A_279 = tpu.memref_slice %arg5[%dma_wait3A_278] : memref<10240xi32, #tpu.memory_space<vmem>> -> memref<512xi32, #tpu.memory_space<vmem>>
    %dma_wait3A_280 = tpu.memref_slice %arg2[%add3A_274] : memref<327680xi32, #tpu.memory_space<hbm>> -> memref<512xi32, #tpu.memory_space<hbm>>
    tpu.wait_dma2 semaphore(%arg8 : memref<!tpu.dma_semaphore, #tpu.memory_space<semaphore_mem>>) src(%dma_wait3A_280 : memref<512xi32, #tpu.memory_space<hbm>>) dst(%dma_wait3A_279 : memref<512xi32, #tpu.memory_space<vmem>>)
    %add3A_281 = arith.constant 245760 : i32
    %add3A_282 = arith.addi %add3A_281, %mul3A_2 : i32
    %dma_wait3A_283 = arith.constant 7680 : i32
    %dma_wait3A_284 = tpu.memref_slice %arg5[%dma_wait3A_283] : memref<10240xi32, #tpu.memory_space<vmem>> -> memref<512xi32, #tpu.memory_space<vmem>>
    %dma_wait3A_285 = tpu.memref_slice %arg2[%add3A_282] : memref<327680xi32, #tpu.memory_space<hbm>> -> memref<512xi32, #tpu.memory_space<hbm>>
    %dma_wait3A_286 = arith.constant 7680 : i32
    %dma_wait3A_287 = tpu.memref_slice %arg5[%dma_wait3A_286] : memref<10240xi32, #tpu.memory_space<vmem>> -> memref<512xi32, #tpu.memory_space<vmem>>
    %dma_wait3A_288 = tpu.memref_slice %arg2[%add3A_282] : memref<327680xi32, #tpu.memory_space<hbm>> -> memref<512xi32, #tpu.memory_space<hbm>>
    tpu.wait_dma2 semaphore(%arg8 : memref<!tpu.dma_semaphore, #tpu.memory_space<semaphore_mem>>) src(%dma_wait3A_288 : memref<512xi32, #tpu.memory_space<hbm>>) dst(%dma_wait3A_287 : memref<512xi32, #tpu.memory_space<vmem>>)
    %add3A_289 = arith.constant 262144 : i32
    %add3A_290 = arith.addi %add3A_289, %mul3A_2 : i32
    %dma_wait3A_291 = arith.constant 8192 : i32
    %dma_wait3A_292 = tpu.memref_slice %arg5[%dma_wait3A_291] : memref<10240xi32, #tpu.memory_space<vmem>> -> memref<512xi32, #tpu.memory_space<vmem>>
    %dma_wait3A_293 = tpu.memref_slice %arg2[%add3A_290] : memref<327680xi32, #tpu.memory_space<hbm>> -> memref<512xi32, #tpu.memory_space<hbm>>
    %dma_wait3A_294 = arith.constant 8192 : i32
    %dma_wait3A_295 = tpu.memref_slice %arg5[%dma_wait3A_294] : memref<10240xi32, #tpu.memory_space<vmem>> -> memref<512xi32, #tpu.memory_space<vmem>>
    %dma_wait3A_296 = tpu.memref_slice %arg2[%add3A_290] : memref<327680xi32, #tpu.memory_space<hbm>> -> memref<512xi32, #tpu.memory_space<hbm>>
    tpu.wait_dma2 semaphore(%arg8 : memref<!tpu.dma_semaphore, #tpu.memory_space<semaphore_mem>>) src(%dma_wait3A_296 : memref<512xi32, #tpu.memory_space<hbm>>) dst(%dma_wait3A_295 : memref<512xi32, #tpu.memory_space<vmem>>)
    %add3A_297 = arith.constant 278528 : i32
    %add3A_298 = arith.addi %add3A_297, %mul3A_2 : i32
    %dma_wait3A_299 = arith.constant 8704 : i32
    %dma_wait3A_300 = tpu.memref_slice %arg5[%dma_wait3A_299] : memref<10240xi32, #tpu.memory_space<vmem>> -> memref<512xi32, #tpu.memory_space<vmem>>
    %dma_wait3A_301 = tpu.memref_slice %arg2[%add3A_298] : memref<327680xi32, #tpu.memory_space<hbm>> -> memref<512xi32, #tpu.memory_space<hbm>>
    %dma_wait3A_302 = arith.constant 8704 : i32
    %dma_wait3A_303 = tpu.memref_slice %arg5[%dma_wait3A_302] : memref<10240xi32, #tpu.memory_space<vmem>> -> memref<512xi32, #tpu.memory_space<vmem>>
    %dma_wait3A_304 = tpu.memref_slice %arg2[%add3A_298] : memref<327680xi32, #tpu.memory_space<hbm>> -> memref<512xi32, #tpu.memory_space<hbm>>
    tpu.wait_dma2 semaphore(%arg8 : memref<!tpu.dma_semaphore, #tpu.memory_space<semaphore_mem>>) src(%dma_wait3A_304 : memref<512xi32, #tpu.memory_space<hbm>>) dst(%dma_wait3A_303 : memref<512xi32, #tpu.memory_space<vmem>>)
    %add3A_305 = arith.constant 294912 : i32
    %add3A_306 = arith.addi %add3A_305, %mul3A_2 : i32
    %dma_wait3A_307 = arith.constant 9216 : i32
    %dma_wait3A_308 = tpu.memref_slice %arg5[%dma_wait3A_307] : memref<10240xi32, #tpu.memory_space<vmem>> -> memref<512xi32, #tpu.memory_space<vmem>>
    %dma_wait3A_309 = tpu.memref_slice %arg2[%add3A_306] : memref<327680xi32, #tpu.memory_space<hbm>> -> memref<512xi32, #tpu.memory_space<hbm>>
    %dma_wait3A_310 = arith.constant 9216 : i32
    %dma_wait3A_311 = tpu.memref_slice %arg5[%dma_wait3A_310] : memref<10240xi32, #tpu.memory_space<vmem>> -> memref<512xi32, #tpu.memory_space<vmem>>
    %dma_wait3A_312 = tpu.memref_slice %arg2[%add3A_306] : memref<327680xi32, #tpu.memory_space<hbm>> -> memref<512xi32, #tpu.memory_space<hbm>>
    tpu.wait_dma2 semaphore(%arg8 : memref<!tpu.dma_semaphore, #tpu.memory_space<semaphore_mem>>) src(%dma_wait3A_312 : memref<512xi32, #tpu.memory_space<hbm>>) dst(%dma_wait3A_311 : memref<512xi32, #tpu.memory_space<vmem>>)
    %add3A_313 = arith.constant 311296 : i32
    %add3A_314 = arith.addi %add3A_313, %mul3A_2 : i32
    %dma_wait3A_315 = arith.constant 9728 : i32
    %dma_wait3A_316 = tpu.memref_slice %arg5[%dma_wait3A_315] : memref<10240xi32, #tpu.memory_space<vmem>> -> memref<512xi32, #tpu.memory_space<vmem>>
    %dma_wait3A_317 = tpu.memref_slice %arg2[%add3A_314] : memref<327680xi32, #tpu.memory_space<hbm>> -> memref<512xi32, #tpu.memory_space<hbm>>
    %dma_wait3A_318 = arith.constant 9728 : i32
    %dma_wait3A_319 = tpu.memref_slice %arg5[%dma_wait3A_318] : memref<10240xi32, #tpu.memory_space<vmem>> -> memref<512xi32, #tpu.memory_space<vmem>>
    %dma_wait3A_320 = tpu.memref_slice %arg2[%add3A_314] : memref<327680xi32, #tpu.memory_space<hbm>> -> memref<512xi32, #tpu.memory_space<hbm>>
    tpu.wait_dma2 semaphore(%arg8 : memref<!tpu.dma_semaphore, #tpu.memory_space<semaphore_mem>>) src(%dma_wait3A_320 : memref<512xi32, #tpu.memory_space<hbm>>) dst(%dma_wait3A_319 : memref<512xi32, #tpu.memory_space<vmem>>)
    %dma_start3A_321 = arith.constant 0 : i32
    %dma_start3A_322 = tpu.memref_slice %arg5[%dma_start3A_321] : memref<10240xi32, #tpu.memory_space<vmem>> -> memref<1024xi32, #tpu.memory_space<vmem>>
    %dma_start3A_323 = arith.constant 0 : i32
    %dma_start3A_324 = arith.constant 0 : i32
    %dma_start3A_325 = tpu.memref_slice %arg3[%dma_start3A_323, %dma_start3A_324] : memref<100000x32xf32, #tpu.memory_space<hbm>> -> memref<100000x32xf32, #tpu.memory_space<hbm>>
    tpu.enqueue_indirect_dma source(%dma_start3A_325 : memref<100000x32xf32, #tpu.memory_space<hbm>>) target(%arg6 : memref<1024x32xf32, #tpu.memory_space<vmem>>) offsets(%dma_start3A_322 : memref<1024xi32, #tpu.memory_space<vmem>>) semaphore(%arg9 : memref<!tpu.dma_semaphore, #tpu.memory_space<semaphore_mem>>)
    %dma_start3A_326 = arith.constant 1024 : i32
    %dma_start3A_327 = tpu.memref_slice %arg5[%dma_start3A_326] : memref<10240xi32, #tpu.memory_space<vmem>> -> memref<1024xi32, #tpu.memory_space<vmem>>
    %dma_start3A_328 = arith.constant 0 : i32
    %dma_start3A_329 = arith.constant 0 : i32
    %dma_start3A_330 = tpu.memref_slice %arg3[%dma_start3A_328, %dma_start3A_329] : memref<100000x32xf32, #tpu.memory_space<hbm>> -> memref<100000x32xf32, #tpu.memory_space<hbm>>
    tpu.enqueue_indirect_dma source(%dma_start3A_330 : memref<100000x32xf32, #tpu.memory_space<hbm>>) target(%arg7 : memref<1024x32xf32, #tpu.memory_space<vmem>>) offsets(%dma_start3A_327 : memref<1024xi32, #tpu.memory_space<vmem>>) semaphore(%arg10 : memref<!tpu.dma_semaphore, #tpu.memory_space<semaphore_mem>>)
    %dma_wait3A_331 = arith.constant 0 : i32
    %dma_wait3A_332 = tpu.memref_slice %arg5[%dma_wait3A_331] : memref<10240xi32, #tpu.memory_space<vmem>> -> memref<1024xi32, #tpu.memory_space<vmem>>
    %dma_wait3A_333 = arith.constant 0 : i32
    %dma_wait3A_334 = arith.constant 0 : i32
    %dma_wait3A_335 = tpu.memref_slice %arg3[%dma_wait3A_333, %dma_wait3A_334] : memref<100000x32xf32, #tpu.memory_space<hbm>> -> memref<100000x32xf32, #tpu.memory_space<hbm>>
    tpu.wait_indirect_dma semaphore(%arg9 : memref<!tpu.dma_semaphore, #tpu.memory_space<semaphore_mem>>) src(%dma_wait3A_335 : memref<100000x32xf32, #tpu.memory_space<hbm>>) dst(%arg6 : memref<1024x32xf32, #tpu.memory_space<vmem>>)
    %dma_start3A_336 = arith.constant 0 : i32
    %dma_start3A_337 = arith.constant 0 : i32
    %dma_start3A_338 = arith.constant 0 : i32
    %dma_start3A_339 = tpu.memref_slice %arg6[%dma_start3A_337, %dma_start3A_338] : memref<1024x32xf32, #tpu.memory_space<vmem>> -> memref<512x32xf32, #tpu.memory_space<vmem>>
    %dma_start3A_340 = arith.constant 0 : i32
    %dma_start3A_341 = tpu.memref_slice %arg4[%mul3A_2, %dma_start3A_336, %dma_start3A_340] : memref<16384x24x128xf32, #tpu.memory_space<hbm>> -> memref<512x1x32xf32, #tpu.memory_space<hbm>>
    %dma_start3A_342 = tpu.memref_squeeze %dma_start3A_341 : memref<512x1x32xf32, #tpu.memory_space<hbm>> -> memref<512x32xf32, #tpu.memory_space<hbm>>
    %dma_start3A_343 = arith.constant 0 : i32
    %dma_start3A_344 = tpu.memref_slice %arg4[%mul3A_2, %dma_start3A_336, %dma_start3A_343] : memref<16384x24x128xf32, #tpu.memory_space<hbm>> -> memref<512x1x32xf32, #tpu.memory_space<hbm>>
    %dma_start3A_345 = tpu.memref_squeeze %dma_start3A_344 : memref<512x1x32xf32, #tpu.memory_space<hbm>> -> memref<512x32xf32, #tpu.memory_space<hbm>>
    %dma_start3A_346 = arith.constant 0 : i32
    %dma_start3A_347 = arith.constant 0 : i32
    %dma_start3A_348 = tpu.memref_slice %arg6[%dma_start3A_346, %dma_start3A_347] : memref<1024x32xf32, #tpu.memory_space<vmem>> -> memref<512x32xf32, #tpu.memory_space<vmem>>
    tpu.enqueue_dma source(%dma_start3A_348 : memref<512x32xf32, #tpu.memory_space<vmem>>) target(%dma_start3A_345 : memref<512x32xf32, #tpu.memory_space<hbm>>) target_semaphore(%arg11 : memref<!tpu.dma_semaphore, #tpu.memory_space<semaphore_mem>>)
    %dma_start3A_349 = arith.constant 1 : i32
    %dma_start3A_350 = arith.constant 512 : i32
    %dma_start3A_351 = arith.constant 0 : i32
    %dma_start3A_352 = tpu.memref_slice %arg6[%dma_start3A_350, %dma_start3A_351] : memref<1024x32xf32, #tpu.memory_space<vmem>> -> memref<512x32xf32, #tpu.memory_space<vmem>>
    %dma_start3A_353 = arith.constant 0 : i32
    %dma_start3A_354 = tpu.memref_slice %arg4[%mul3A_2, %dma_start3A_349, %dma_start3A_353] : memref<16384x24x128xf32, #tpu.memory_space<hbm>> -> memref<512x1x32xf32, #tpu.memory_space<hbm>>
    %dma_start3A_355 = tpu.memref_squeeze %dma_start3A_354 : memref<512x1x32xf32, #tpu.memory_space<hbm>> -> memref<512x32xf32, #tpu.memory_space<hbm>>
    %dma_start3A_356 = arith.constant 0 : i32
    %dma_start3A_357 = tpu.memref_slice %arg4[%mul3A_2, %dma_start3A_349, %dma_start3A_356] : memref<16384x24x128xf32, #tpu.memory_space<hbm>> -> memref<512x1x32xf32, #tpu.memory_space<hbm>>
    %dma_start3A_358 = tpu.memref_squeeze %dma_start3A_357 : memref<512x1x32xf32, #tpu.memory_space<hbm>> -> memref<512x32xf32, #tpu.memory_space<hbm>>
    %dma_start3A_359 = arith.constant 512 : i32
    %dma_start3A_360 = arith.constant 0 : i32
    %dma_start3A_361 = tpu.memref_slice %arg6[%dma_start3A_359, %dma_start3A_360] : memref<1024x32xf32, #tpu.memory_space<vmem>> -> memref<512x32xf32, #tpu.memory_space<vmem>>
    tpu.enqueue_dma source(%dma_start3A_361 : memref<512x32xf32, #tpu.memory_space<vmem>>) target(%dma_start3A_358 : memref<512x32xf32, #tpu.memory_space<hbm>>) target_semaphore(%arg11 : memref<!tpu.dma_semaphore, #tpu.memory_space<semaphore_mem>>)
    %dma_wait3A_362 = arith.constant 0 : i32
    %dma_wait3A_363 = arith.constant 0 : i32
    %dma_wait3A_364 = arith.constant 0 : i32
    %dma_wait3A_365 = tpu.memref_slice %arg6[%dma_wait3A_363, %dma_wait3A_364] : memref<1024x32xf32, #tpu.memory_space<vmem>> -> memref<512x32xf32, #tpu.memory_space<vmem>>
    %dma_wait3A_366 = arith.constant 0 : i32
    %dma_wait3A_367 = tpu.memref_slice %arg4[%mul3A_2, %dma_wait3A_362, %dma_wait3A_366] : memref<16384x24x128xf32, #tpu.memory_space<hbm>> -> memref<512x1x32xf32, #tpu.memory_space<hbm>>
    %dma_wait3A_368 = tpu.memref_squeeze %dma_wait3A_367 : memref<512x1x32xf32, #tpu.memory_space<hbm>> -> memref<512x32xf32, #tpu.memory_space<hbm>>
    %dma_wait3A_369 = arith.constant 0 : i32
    %dma_wait3A_370 = tpu.memref_slice %arg4[%mul3A_2, %dma_wait3A_362, %dma_wait3A_369] : memref<16384x24x128xf32, #tpu.memory_space<hbm>> -> memref<512x1x32xf32, #tpu.memory_space<hbm>>
    %dma_wait3A_371 = tpu.memref_squeeze %dma_wait3A_370 : memref<512x1x32xf32, #tpu.memory_space<hbm>> -> memref<512x32xf32, #tpu.memory_space<hbm>>
    %dma_wait3A_372 = arith.constant 0 : i32
    %dma_wait3A_373 = arith.constant 0 : i32
    %dma_wait3A_374 = tpu.memref_slice %arg6[%dma_wait3A_372, %dma_wait3A_373] : memref<1024x32xf32, #tpu.memory_space<vmem>> -> memref<512x32xf32, #tpu.memory_space<vmem>>
    tpu.wait_dma2 semaphore(%arg11 : memref<!tpu.dma_semaphore, #tpu.memory_space<semaphore_mem>>) src(%dma_wait3A_374 : memref<512x32xf32, #tpu.memory_space<vmem>>) dst(%dma_wait3A_371 : memref<512x32xf32, #tpu.memory_space<hbm>>)
    %dma_wait3A_375 = arith.constant 1 : i32
    %dma_wait3A_376 = arith.constant 512 : i32
    %dma_wait3A_377 = arith.constant 0 : i32
    %dma_wait3A_378 = tpu.memref_slice %arg6[%dma_wait3A_376, %dma_wait3A_377] : memref<1024x32xf32, #tpu.memory_space<vmem>> -> memref<512x32xf32, #tpu.memory_space<vmem>>
    %dma_wait3A_379 = arith.constant 0 : i32
    %dma_wait3A_380 = tpu.memref_slice %arg4[%mul3A_2, %dma_wait3A_375, %dma_wait3A_379] : memref<16384x24x128xf32, #tpu.memory_space<hbm>> -> memref<512x1x32xf32, #tpu.memory_space<hbm>>
    %dma_wait3A_381 = tpu.memref_squeeze %dma_wait3A_380 : memref<512x1x32xf32, #tpu.memory_space<hbm>> -> memref<512x32xf32, #tpu.memory_space<hbm>>
    %dma_wait3A_382 = arith.constant 0 : i32
    %dma_wait3A_383 = tpu.memref_slice %arg4[%mul3A_2, %dma_wait3A_375, %dma_wait3A_382] : memref<16384x24x128xf32, #tpu.memory_space<hbm>> -> memref<512x1x32xf32, #tpu.memory_space<hbm>>
    %dma_wait3A_384 = tpu.memref_squeeze %dma_wait3A_383 : memref<512x1x32xf32, #tpu.memory_space<hbm>> -> memref<512x32xf32, #tpu.memory_space<hbm>>
    %dma_wait3A_385 = arith.constant 512 : i32
    %dma_wait3A_386 = arith.constant 0 : i32
    %dma_wait3A_387 = tpu.memref_slice %arg6[%dma_wait3A_385, %dma_wait3A_386] : memref<1024x32xf32, #tpu.memory_space<vmem>> -> memref<512x32xf32, #tpu.memory_space<vmem>>
    tpu.wait_dma2 semaphore(%arg11 : memref<!tpu.dma_semaphore, #tpu.memory_space<semaphore_mem>>) src(%dma_wait3A_387 : memref<512x32xf32, #tpu.memory_space<vmem>>) dst(%dma_wait3A_384 : memref<512x32xf32, #tpu.memory_space<hbm>>)
    %dma_start3A_388 = arith.constant 2048 : i32
    %dma_start3A_389 = tpu.memref_slice %arg5[%dma_start3A_388] : memref<10240xi32, #tpu.memory_space<vmem>> -> memref<1024xi32, #tpu.memory_space<vmem>>
    %dma_start3A_390 = arith.constant 0 : i32
    %dma_start3A_391 = arith.constant 0 : i32
    %dma_start3A_392 = tpu.memref_slice %arg3[%dma_start3A_390, %dma_start3A_391] : memref<100000x32xf32, #tpu.memory_space<hbm>> -> memref<100000x32xf32, #tpu.memory_space<hbm>>
    tpu.enqueue_indirect_dma source(%dma_start3A_392 : memref<100000x32xf32, #tpu.memory_space<hbm>>) target(%arg6 : memref<1024x32xf32, #tpu.memory_space<vmem>>) offsets(%dma_start3A_389 : memref<1024xi32, #tpu.memory_space<vmem>>) semaphore(%arg9 : memref<!tpu.dma_semaphore, #tpu.memory_space<semaphore_mem>>)
    %dma_wait3A_393 = arith.constant 1024 : i32
    %dma_wait3A_394 = tpu.memref_slice %arg5[%dma_wait3A_393] : memref<10240xi32, #tpu.memory_space<vmem>> -> memref<1024xi32, #tpu.memory_space<vmem>>
    %dma_wait3A_395 = arith.constant 0 : i32
    %dma_wait3A_396 = arith.constant 0 : i32
    %dma_wait3A_397 = tpu.memref_slice %arg3[%dma_wait3A_395, %dma_wait3A_396] : memref<100000x32xf32, #tpu.memory_space<hbm>> -> memref<100000x32xf32, #tpu.memory_space<hbm>>
    tpu.wait_indirect_dma semaphore(%arg10 : memref<!tpu.dma_semaphore, #tpu.memory_space<semaphore_mem>>) src(%dma_wait3A_397 : memref<100000x32xf32, #tpu.memory_space<hbm>>) dst(%arg7 : memref<1024x32xf32, #tpu.memory_space<vmem>>)
    %dma_start3A_398 = arith.constant 2 : i32
    %dma_start3A_399 = arith.constant 0 : i32
    %dma_start3A_400 = arith.constant 0 : i32
    %dma_start3A_401 = tpu.memref_slice %arg7[%dma_start3A_399, %dma_start3A_400] : memref<1024x32xf32, #tpu.memory_space<vmem>> -> memref<512x32xf32, #tpu.memory_space<vmem>>
    %dma_start3A_402 = arith.constant 0 : i32
    %dma_start3A_403 = tpu.memref_slice %arg4[%mul3A_2, %dma_start3A_398, %dma_start3A_402] : memref<16384x24x128xf32, #tpu.memory_space<hbm>> -> memref<512x1x32xf32, #tpu.memory_space<hbm>>
    %dma_start3A_404 = tpu.memref_squeeze %dma_start3A_403 : memref<512x1x32xf32, #tpu.memory_space<hbm>> -> memref<512x32xf32, #tpu.memory_space<hbm>>
    %dma_start3A_405 = arith.constant 0 : i32
    %dma_start3A_406 = tpu.memref_slice %arg4[%mul3A_2, %dma_start3A_398, %dma_start3A_405] : memref<16384x24x128xf32, #tpu.memory_space<hbm>> -> memref<512x1x32xf32, #tpu.memory_space<hbm>>
    %dma_start3A_407 = tpu.memref_squeeze %dma_start3A_406 : memref<512x1x32xf32, #tpu.memory_space<hbm>> -> memref<512x32xf32, #tpu.memory_space<hbm>>
    %dma_start3A_408 = arith.constant 0 : i32
    %dma_start3A_409 = arith.constant 0 : i32
    %dma_start3A_410 = tpu.memref_slice %arg7[%dma_start3A_408, %dma_start3A_409] : memref<1024x32xf32, #tpu.memory_space<vmem>> -> memref<512x32xf32, #tpu.memory_space<vmem>>
    tpu.enqueue_dma source(%dma_start3A_410 : memref<512x32xf32, #tpu.memory_space<vmem>>) target(%dma_start3A_407 : memref<512x32xf32, #tpu.memory_space<hbm>>) target_semaphore(%arg12 : memref<!tpu.dma_semaphore, #tpu.memory_space<semaphore_mem>>)
    %dma_start3A_411 = arith.constant 3 : i32
    %dma_start3A_412 = arith.constant 512 : i32
    %dma_start3A_413 = arith.constant 0 : i32
    %dma_start3A_414 = tpu.memref_slice %arg7[%dma_start3A_412, %dma_start3A_413] : memref<1024x32xf32, #tpu.memory_space<vmem>> -> memref<512x32xf32, #tpu.memory_space<vmem>>
    %dma_start3A_415 = arith.constant 0 : i32
    %dma_start3A_416 = tpu.memref_slice %arg4[%mul3A_2, %dma_start3A_411, %dma_start3A_415] : memref<16384x24x128xf32, #tpu.memory_space<hbm>> -> memref<512x1x32xf32, #tpu.memory_space<hbm>>
    %dma_start3A_417 = tpu.memref_squeeze %dma_start3A_416 : memref<512x1x32xf32, #tpu.memory_space<hbm>> -> memref<512x32xf32, #tpu.memory_space<hbm>>
    %dma_start3A_418 = arith.constant 0 : i32
    %dma_start3A_419 = tpu.memref_slice %arg4[%mul3A_2, %dma_start3A_411, %dma_start3A_418] : memref<16384x24x128xf32, #tpu.memory_space<hbm>> -> memref<512x1x32xf32, #tpu.memory_space<hbm>>
    %dma_start3A_420 = tpu.memref_squeeze %dma_start3A_419 : memref<512x1x32xf32, #tpu.memory_space<hbm>> -> memref<512x32xf32, #tpu.memory_space<hbm>>
    %dma_start3A_421 = arith.constant 512 : i32
    %dma_start3A_422 = arith.constant 0 : i32
    %dma_start3A_423 = tpu.memref_slice %arg7[%dma_start3A_421, %dma_start3A_422] : memref<1024x32xf32, #tpu.memory_space<vmem>> -> memref<512x32xf32, #tpu.memory_space<vmem>>
    tpu.enqueue_dma source(%dma_start3A_423 : memref<512x32xf32, #tpu.memory_space<vmem>>) target(%dma_start3A_420 : memref<512x32xf32, #tpu.memory_space<hbm>>) target_semaphore(%arg12 : memref<!tpu.dma_semaphore, #tpu.memory_space<semaphore_mem>>)
    %dma_wait3A_424 = arith.constant 2 : i32
    %dma_wait3A_425 = arith.constant 0 : i32
    %dma_wait3A_426 = arith.constant 0 : i32
    %dma_wait3A_427 = tpu.memref_slice %arg7[%dma_wait3A_425, %dma_wait3A_426] : memref<1024x32xf32, #tpu.memory_space<vmem>> -> memref<512x32xf32, #tpu.memory_space<vmem>>
    %dma_wait3A_428 = arith.constant 0 : i32
    %dma_wait3A_429 = tpu.memref_slice %arg4[%mul3A_2, %dma_wait3A_424, %dma_wait3A_428] : memref<16384x24x128xf32, #tpu.memory_space<hbm>> -> memref<512x1x32xf32, #tpu.memory_space<hbm>>
    %dma_wait3A_430 = tpu.memref_squeeze %dma_wait3A_429 : memref<512x1x32xf32, #tpu.memory_space<hbm>> -> memref<512x32xf32, #tpu.memory_space<hbm>>
    %dma_wait3A_431 = arith.constant 0 : i32
    %dma_wait3A_432 = tpu.memref_slice %arg4[%mul3A_2, %dma_wait3A_424, %dma_wait3A_431] : memref<16384x24x128xf32, #tpu.memory_space<hbm>> -> memref<512x1x32xf32, #tpu.memory_space<hbm>>
    %dma_wait3A_433 = tpu.memref_squeeze %dma_wait3A_432 : memref<512x1x32xf32, #tpu.memory_space<hbm>> -> memref<512x32xf32, #tpu.memory_space<hbm>>
    %dma_wait3A_434 = arith.constant 0 : i32
    %dma_wait3A_435 = arith.constant 0 : i32
    %dma_wait3A_436 = tpu.memref_slice %arg7[%dma_wait3A_434, %dma_wait3A_435] : memref<1024x32xf32, #tpu.memory_space<vmem>> -> memref<512x32xf32, #tpu.memory_space<vmem>>
    tpu.wait_dma2 semaphore(%arg12 : memref<!tpu.dma_semaphore, #tpu.memory_space<semaphore_mem>>) src(%dma_wait3A_436 : memref<512x32xf32, #tpu.memory_space<vmem>>) dst(%dma_wait3A_433 : memref<512x32xf32, #tpu.memory_space<hbm>>)
    %dma_wait3A_437 = arith.constant 3 : i32
    %dma_wait3A_438 = arith.constant 512 : i32
    %dma_wait3A_439 = arith.constant 0 : i32
    %dma_wait3A_440 = tpu.memref_slice %arg7[%dma_wait3A_438, %dma_wait3A_439] : memref<1024x32xf32, #tpu.memory_space<vmem>> -> memref<512x32xf32, #tpu.memory_space<vmem>>
    %dma_wait3A_441 = arith.constant 0 : i32
    %dma_wait3A_442 = tpu.memref_slice %arg4[%mul3A_2, %dma_wait3A_437, %dma_wait3A_441] : memref<16384x24x128xf32, #tpu.memory_space<hbm>> -> memref<512x1x32xf32, #tpu.memory_space<hbm>>
    %dma_wait3A_443 = tpu.memref_squeeze %dma_wait3A_442 : memref<512x1x32xf32, #tpu.memory_space<hbm>> -> memref<512x32xf32, #tpu.memory_space<hbm>>
    %dma_wait3A_444 = arith.constant 0 : i32
    %dma_wait3A_445 = tpu.memref_slice %arg4[%mul3A_2, %dma_wait3A_437, %dma_wait3A_444] : memref<16384x24x128xf32, #tpu.memory_space<hbm>> -> memref<512x1x32xf32, #tpu.memory_space<hbm>>
    %dma_wait3A_446 = tpu.memref_squeeze %dma_wait3A_445 : memref<512x1x32xf32, #tpu.memory_space<hbm>> -> memref<512x32xf32, #tpu.memory_space<hbm>>
    %dma_wait3A_447 = arith.constant 512 : i32
    %dma_wait3A_448 = arith.constant 0 : i32
    %dma_wait3A_449 = tpu.memref_slice %arg7[%dma_wait3A_447, %dma_wait3A_448] : memref<1024x32xf32, #tpu.memory_space<vmem>> -> memref<512x32xf32, #tpu.memory_space<vmem>>
    tpu.wait_dma2 semaphore(%arg12 : memref<!tpu.dma_semaphore, #tpu.memory_space<semaphore_mem>>) src(%dma_wait3A_449 : memref<512x32xf32, #tpu.memory_space<vmem>>) dst(%dma_wait3A_446 : memref<512x32xf32, #tpu.memory_space<hbm>>)
    %dma_start3A_450 = arith.constant 3072 : i32
    %dma_start3A_451 = tpu.memref_slice %arg5[%dma_start3A_450] : memref<10240xi32, #tpu.memory_space<vmem>> -> memref<1024xi32, #tpu.memory_space<vmem>>
    %dma_start3A_452 = arith.constant 0 : i32
    %dma_start3A_453 = arith.constant 0 : i32
    %dma_start3A_454 = tpu.memref_slice %arg3[%dma_start3A_452, %dma_start3A_453] : memref<100000x32xf32, #tpu.memory_space<hbm>> -> memref<100000x32xf32, #tpu.memory_space<hbm>>
    tpu.enqueue_indirect_dma source(%dma_start3A_454 : memref<100000x32xf32, #tpu.memory_space<hbm>>) target(%arg7 : memref<1024x32xf32, #tpu.memory_space<vmem>>) offsets(%dma_start3A_451 : memref<1024xi32, #tpu.memory_space<vmem>>) semaphore(%arg10 : memref<!tpu.dma_semaphore, #tpu.memory_space<semaphore_mem>>)
    %dma_wait3A_455 = arith.constant 2048 : i32
    %dma_wait3A_456 = tpu.memref_slice %arg5[%dma_wait3A_455] : memref<10240xi32, #tpu.memory_space<vmem>> -> memref<1024xi32, #tpu.memory_space<vmem>>
    %dma_wait3A_457 = arith.constant 0 : i32
    %dma_wait3A_458 = arith.constant 0 : i32
    %dma_wait3A_459 = tpu.memref_slice %arg3[%dma_wait3A_457, %dma_wait3A_458] : memref<100000x32xf32, #tpu.memory_space<hbm>> -> memref<100000x32xf32, #tpu.memory_space<hbm>>
    tpu.wait_indirect_dma semaphore(%arg9 : memref<!tpu.dma_semaphore, #tpu.memory_space<semaphore_mem>>) src(%dma_wait3A_459 : memref<100000x32xf32, #tpu.memory_space<hbm>>) dst(%arg6 : memref<1024x32xf32, #tpu.memory_space<vmem>>)
    %dma_start3A_460 = arith.constant 4 : i32
    %dma_start3A_461 = arith.constant 0 : i32
    %dma_start3A_462 = arith.constant 0 : i32
    %dma_start3A_463 = tpu.memref_slice %arg6[%dma_start3A_461, %dma_start3A_462] : memref<1024x32xf32, #tpu.memory_space<vmem>> -> memref<512x32xf32, #tpu.memory_space<vmem>>
    %dma_start3A_464 = arith.constant 0 : i32
    %dma_start3A_465 = tpu.memref_slice %arg4[%mul3A_2, %dma_start3A_460, %dma_start3A_464] : memref<16384x24x128xf32, #tpu.memory_space<hbm>> -> memref<512x1x32xf32, #tpu.memory_space<hbm>>
    %dma_start3A_466 = tpu.memref_squeeze %dma_start3A_465 : memref<512x1x32xf32, #tpu.memory_space<hbm>> -> memref<512x32xf32, #tpu.memory_space<hbm>>
    %dma_start3A_467 = arith.constant 0 : i32
    %dma_start3A_468 = tpu.memref_slice %arg4[%mul3A_2, %dma_start3A_460, %dma_start3A_467] : memref<16384x24x128xf32, #tpu.memory_space<hbm>> -> memref<512x1x32xf32, #tpu.memory_space<hbm>>
    %dma_start3A_469 = tpu.memref_squeeze %dma_start3A_468 : memref<512x1x32xf32, #tpu.memory_space<hbm>> -> memref<512x32xf32, #tpu.memory_space<hbm>>
    %dma_start3A_470 = arith.constant 0 : i32
    %dma_start3A_471 = arith.constant 0 : i32
    %dma_start3A_472 = tpu.memref_slice %arg6[%dma_start3A_470, %dma_start3A_471] : memref<1024x32xf32, #tpu.memory_space<vmem>> -> memref<512x32xf32, #tpu.memory_space<vmem>>
    tpu.enqueue_dma source(%dma_start3A_472 : memref<512x32xf32, #tpu.memory_space<vmem>>) target(%dma_start3A_469 : memref<512x32xf32, #tpu.memory_space<hbm>>) target_semaphore(%arg11 : memref<!tpu.dma_semaphore, #tpu.memory_space<semaphore_mem>>)
    %dma_start3A_473 = arith.constant 5 : i32
    %dma_start3A_474 = arith.constant 512 : i32
    %dma_start3A_475 = arith.constant 0 : i32
    %dma_start3A_476 = tpu.memref_slice %arg6[%dma_start3A_474, %dma_start3A_475] : memref<1024x32xf32, #tpu.memory_space<vmem>> -> memref<512x32xf32, #tpu.memory_space<vmem>>
    %dma_start3A_477 = arith.constant 0 : i32
    %dma_start3A_478 = tpu.memref_slice %arg4[%mul3A_2, %dma_start3A_473, %dma_start3A_477] : memref<16384x24x128xf32, #tpu.memory_space<hbm>> -> memref<512x1x32xf32, #tpu.memory_space<hbm>>
    %dma_start3A_479 = tpu.memref_squeeze %dma_start3A_478 : memref<512x1x32xf32, #tpu.memory_space<hbm>> -> memref<512x32xf32, #tpu.memory_space<hbm>>
    %dma_start3A_480 = arith.constant 0 : i32
    %dma_start3A_481 = tpu.memref_slice %arg4[%mul3A_2, %dma_start3A_473, %dma_start3A_480] : memref<16384x24x128xf32, #tpu.memory_space<hbm>> -> memref<512x1x32xf32, #tpu.memory_space<hbm>>
    %dma_start3A_482 = tpu.memref_squeeze %dma_start3A_481 : memref<512x1x32xf32, #tpu.memory_space<hbm>> -> memref<512x32xf32, #tpu.memory_space<hbm>>
    %dma_start3A_483 = arith.constant 512 : i32
    %dma_start3A_484 = arith.constant 0 : i32
    %dma_start3A_485 = tpu.memref_slice %arg6[%dma_start3A_483, %dma_start3A_484] : memref<1024x32xf32, #tpu.memory_space<vmem>> -> memref<512x32xf32, #tpu.memory_space<vmem>>
    tpu.enqueue_dma source(%dma_start3A_485 : memref<512x32xf32, #tpu.memory_space<vmem>>) target(%dma_start3A_482 : memref<512x32xf32, #tpu.memory_space<hbm>>) target_semaphore(%arg11 : memref<!tpu.dma_semaphore, #tpu.memory_space<semaphore_mem>>)
    %dma_wait3A_486 = arith.constant 4 : i32
    %dma_wait3A_487 = arith.constant 0 : i32
    %dma_wait3A_488 = arith.constant 0 : i32
    %dma_wait3A_489 = tpu.memref_slice %arg6[%dma_wait3A_487, %dma_wait3A_488] : memref<1024x32xf32, #tpu.memory_space<vmem>> -> memref<512x32xf32, #tpu.memory_space<vmem>>
    %dma_wait3A_490 = arith.constant 0 : i32
    %dma_wait3A_491 = tpu.memref_slice %arg4[%mul3A_2, %dma_wait3A_486, %dma_wait3A_490] : memref<16384x24x128xf32, #tpu.memory_space<hbm>> -> memref<512x1x32xf32, #tpu.memory_space<hbm>>
    %dma_wait3A_492 = tpu.memref_squeeze %dma_wait3A_491 : memref<512x1x32xf32, #tpu.memory_space<hbm>> -> memref<512x32xf32, #tpu.memory_space<hbm>>
    %dma_wait3A_493 = arith.constant 0 : i32
    %dma_wait3A_494 = tpu.memref_slice %arg4[%mul3A_2, %dma_wait3A_486, %dma_wait3A_493] : memref<16384x24x128xf32, #tpu.memory_space<hbm>> -> memref<512x1x32xf32, #tpu.memory_space<hbm>>
    %dma_wait3A_495 = tpu.memref_squeeze %dma_wait3A_494 : memref<512x1x32xf32, #tpu.memory_space<hbm>> -> memref<512x32xf32, #tpu.memory_space<hbm>>
    %dma_wait3A_496 = arith.constant 0 : i32
    %dma_wait3A_497 = arith.constant 0 : i32
    %dma_wait3A_498 = tpu.memref_slice %arg6[%dma_wait3A_496, %dma_wait3A_497] : memref<1024x32xf32, #tpu.memory_space<vmem>> -> memref<512x32xf32, #tpu.memory_space<vmem>>
    tpu.wait_dma2 semaphore(%arg11 : memref<!tpu.dma_semaphore, #tpu.memory_space<semaphore_mem>>) src(%dma_wait3A_498 : memref<512x32xf32, #tpu.memory_space<vmem>>) dst(%dma_wait3A_495 : memref<512x32xf32, #tpu.memory_space<hbm>>)
    %dma_wait3A_499 = arith.constant 5 : i32
    %dma_wait3A_500 = arith.constant 512 : i32
    %dma_wait3A_501 = arith.constant 0 : i32
    %dma_wait3A_502 = tpu.memref_slice %arg6[%dma_wait3A_500, %dma_wait3A_501] : memref<1024x32xf32, #tpu.memory_space<vmem>> -> memref<512x32xf32, #tpu.memory_space<vmem>>
    %dma_wait3A_503 = arith.constant 0 : i32
    %dma_wait3A_504 = tpu.memref_slice %arg4[%mul3A_2, %dma_wait3A_499, %dma_wait3A_503] : memref<16384x24x128xf32, #tpu.memory_space<hbm>> -> memref<512x1x32xf32, #tpu.memory_space<hbm>>
    %dma_wait3A_505 = tpu.memref_squeeze %dma_wait3A_504 : memref<512x1x32xf32, #tpu.memory_space<hbm>> -> memref<512x32xf32, #tpu.memory_space<hbm>>
    %dma_wait3A_506 = arith.constant 0 : i32
    %dma_wait3A_507 = tpu.memref_slice %arg4[%mul3A_2, %dma_wait3A_499, %dma_wait3A_506] : memref<16384x24x128xf32, #tpu.memory_space<hbm>> -> memref<512x1x32xf32, #tpu.memory_space<hbm>>
    %dma_wait3A_508 = tpu.memref_squeeze %dma_wait3A_507 : memref<512x1x32xf32, #tpu.memory_space<hbm>> -> memref<512x32xf32, #tpu.memory_space<hbm>>
    %dma_wait3A_509 = arith.constant 512 : i32
    %dma_wait3A_510 = arith.constant 0 : i32
    %dma_wait3A_511 = tpu.memref_slice %arg6[%dma_wait3A_509, %dma_wait3A_510] : memref<1024x32xf32, #tpu.memory_space<vmem>> -> memref<512x32xf32, #tpu.memory_space<vmem>>
    tpu.wait_dma2 semaphore(%arg11 : memref<!tpu.dma_semaphore, #tpu.memory_space<semaphore_mem>>) src(%dma_wait3A_511 : memref<512x32xf32, #tpu.memory_space<vmem>>) dst(%dma_wait3A_508 : memref<512x32xf32, #tpu.memory_space<hbm>>)
    %dma_start3A_512 = arith.constant 4096 : i32
    %dma_start3A_513 = tpu.memref_slice %arg5[%dma_start3A_512] : memref<10240xi32, #tpu.memory_space<vmem>> -> memref<1024xi32, #tpu.memory_space<vmem>>
    %dma_start3A_514 = arith.constant 0 : i32
    %dma_start3A_515 = arith.constant 0 : i32
    %dma_start3A_516 = tpu.memref_slice %arg3[%dma_start3A_514, %dma_start3A_515] : memref<100000x32xf32, #tpu.memory_space<hbm>> -> memref<100000x32xf32, #tpu.memory_space<hbm>>
    tpu.enqueue_indirect_dma source(%dma_start3A_516 : memref<100000x32xf32, #tpu.memory_space<hbm>>) target(%arg6 : memref<1024x32xf32, #tpu.memory_space<vmem>>) offsets(%dma_start3A_513 : memref<1024xi32, #tpu.memory_space<vmem>>) semaphore(%arg9 : memref<!tpu.dma_semaphore, #tpu.memory_space<semaphore_mem>>)
    %dma_wait3A_517 = arith.constant 3072 : i32
    %dma_wait3A_518 = tpu.memref_slice %arg5[%dma_wait3A_517] : memref<10240xi32, #tpu.memory_space<vmem>> -> memref<1024xi32, #tpu.memory_space<vmem>>
    %dma_wait3A_519 = arith.constant 0 : i32
    %dma_wait3A_520 = arith.constant 0 : i32
    %dma_wait3A_521 = tpu.memref_slice %arg3[%dma_wait3A_519, %dma_wait3A_520] : memref<100000x32xf32, #tpu.memory_space<hbm>> -> memref<100000x32xf32, #tpu.memory_space<hbm>>
    tpu.wait_indirect_dma semaphore(%arg10 : memref<!tpu.dma_semaphore, #tpu.memory_space<semaphore_mem>>) src(%dma_wait3A_521 : memref<100000x32xf32, #tpu.memory_space<hbm>>) dst(%arg7 : memref<1024x32xf32, #tpu.memory_space<vmem>>)
    %dma_start3A_522 = arith.constant 6 : i32
    %dma_start3A_523 = arith.constant 0 : i32
    %dma_start3A_524 = arith.constant 0 : i32
    %dma_start3A_525 = tpu.memref_slice %arg7[%dma_start3A_523, %dma_start3A_524] : memref<1024x32xf32, #tpu.memory_space<vmem>> -> memref<512x32xf32, #tpu.memory_space<vmem>>
    %dma_start3A_526 = arith.constant 0 : i32
    %dma_start3A_527 = tpu.memref_slice %arg4[%mul3A_2, %dma_start3A_522, %dma_start3A_526] : memref<16384x24x128xf32, #tpu.memory_space<hbm>> -> memref<512x1x32xf32, #tpu.memory_space<hbm>>
    %dma_start3A_528 = tpu.memref_squeeze %dma_start3A_527 : memref<512x1x32xf32, #tpu.memory_space<hbm>> -> memref<512x32xf32, #tpu.memory_space<hbm>>
    %dma_start3A_529 = arith.constant 0 : i32
    %dma_start3A_530 = tpu.memref_slice %arg4[%mul3A_2, %dma_start3A_522, %dma_start3A_529] : memref<16384x24x128xf32, #tpu.memory_space<hbm>> -> memref<512x1x32xf32, #tpu.memory_space<hbm>>
    %dma_start3A_531 = tpu.memref_squeeze %dma_start3A_530 : memref<512x1x32xf32, #tpu.memory_space<hbm>> -> memref<512x32xf32, #tpu.memory_space<hbm>>
    %dma_start3A_532 = arith.constant 0 : i32
    %dma_start3A_533 = arith.constant 0 : i32
    %dma_start3A_534 = tpu.memref_slice %arg7[%dma_start3A_532, %dma_start3A_533] : memref<1024x32xf32, #tpu.memory_space<vmem>> -> memref<512x32xf32, #tpu.memory_space<vmem>>
    tpu.enqueue_dma source(%dma_start3A_534 : memref<512x32xf32, #tpu.memory_space<vmem>>) target(%dma_start3A_531 : memref<512x32xf32, #tpu.memory_space<hbm>>) target_semaphore(%arg12 : memref<!tpu.dma_semaphore, #tpu.memory_space<semaphore_mem>>)
    %dma_start3A_535 = arith.constant 7 : i32
    %dma_start3A_536 = arith.constant 512 : i32
    %dma_start3A_537 = arith.constant 0 : i32
    %dma_start3A_538 = tpu.memref_slice %arg7[%dma_start3A_536, %dma_start3A_537] : memref<1024x32xf32, #tpu.memory_space<vmem>> -> memref<512x32xf32, #tpu.memory_space<vmem>>
    %dma_start3A_539 = arith.constant 0 : i32
    %dma_start3A_540 = tpu.memref_slice %arg4[%mul3A_2, %dma_start3A_535, %dma_start3A_539] : memref<16384x24x128xf32, #tpu.memory_space<hbm>> -> memref<512x1x32xf32, #tpu.memory_space<hbm>>
    %dma_start3A_541 = tpu.memref_squeeze %dma_start3A_540 : memref<512x1x32xf32, #tpu.memory_space<hbm>> -> memref<512x32xf32, #tpu.memory_space<hbm>>
    %dma_start3A_542 = arith.constant 0 : i32
    %dma_start3A_543 = tpu.memref_slice %arg4[%mul3A_2, %dma_start3A_535, %dma_start3A_542] : memref<16384x24x128xf32, #tpu.memory_space<hbm>> -> memref<512x1x32xf32, #tpu.memory_space<hbm>>
    %dma_start3A_544 = tpu.memref_squeeze %dma_start3A_543 : memref<512x1x32xf32, #tpu.memory_space<hbm>> -> memref<512x32xf32, #tpu.memory_space<hbm>>
    %dma_start3A_545 = arith.constant 512 : i32
    %dma_start3A_546 = arith.constant 0 : i32
    %dma_start3A_547 = tpu.memref_slice %arg7[%dma_start3A_545, %dma_start3A_546] : memref<1024x32xf32, #tpu.memory_space<vmem>> -> memref<512x32xf32, #tpu.memory_space<vmem>>
    tpu.enqueue_dma source(%dma_start3A_547 : memref<512x32xf32, #tpu.memory_space<vmem>>) target(%dma_start3A_544 : memref<512x32xf32, #tpu.memory_space<hbm>>) target_semaphore(%arg12 : memref<!tpu.dma_semaphore, #tpu.memory_space<semaphore_mem>>)
    %dma_wait3A_548 = arith.constant 6 : i32
    %dma_wait3A_549 = arith.constant 0 : i32
    %dma_wait3A_550 = arith.constant 0 : i32
    %dma_wait3A_551 = tpu.memref_slice %arg7[%dma_wait3A_549, %dma_wait3A_550] : memref<1024x32xf32, #tpu.memory_space<vmem>> -> memref<512x32xf32, #tpu.memory_space<vmem>>
    %dma_wait3A_552 = arith.constant 0 : i32
    %dma_wait3A_553 = tpu.memref_slice %arg4[%mul3A_2, %dma_wait3A_548, %dma_wait3A_552] : memref<16384x24x128xf32, #tpu.memory_space<hbm>> -> memref<512x1x32xf32, #tpu.memory_space<hbm>>
    %dma_wait3A_554 = tpu.memref_squeeze %dma_wait3A_553 : memref<512x1x32xf32, #tpu.memory_space<hbm>> -> memref<512x32xf32, #tpu.memory_space<hbm>>
    %dma_wait3A_555 = arith.constant 0 : i32
    %dma_wait3A_556 = tpu.memref_slice %arg4[%mul3A_2, %dma_wait3A_548, %dma_wait3A_555] : memref<16384x24x128xf32, #tpu.memory_space<hbm>> -> memref<512x1x32xf32, #tpu.memory_space<hbm>>
    %dma_wait3A_557 = tpu.memref_squeeze %dma_wait3A_556 : memref<512x1x32xf32, #tpu.memory_space<hbm>> -> memref<512x32xf32, #tpu.memory_space<hbm>>
    %dma_wait3A_558 = arith.constant 0 : i32
    %dma_wait3A_559 = arith.constant 0 : i32
    %dma_wait3A_560 = tpu.memref_slice %arg7[%dma_wait3A_558, %dma_wait3A_559] : memref<1024x32xf32, #tpu.memory_space<vmem>> -> memref<512x32xf32, #tpu.memory_space<vmem>>
    tpu.wait_dma2 semaphore(%arg12 : memref<!tpu.dma_semaphore, #tpu.memory_space<semaphore_mem>>) src(%dma_wait3A_560 : memref<512x32xf32, #tpu.memory_space<vmem>>) dst(%dma_wait3A_557 : memref<512x32xf32, #tpu.memory_space<hbm>>)
    %dma_wait3A_561 = arith.constant 7 : i32
    %dma_wait3A_562 = arith.constant 512 : i32
    %dma_wait3A_563 = arith.constant 0 : i32
    %dma_wait3A_564 = tpu.memref_slice %arg7[%dma_wait3A_562, %dma_wait3A_563] : memref<1024x32xf32, #tpu.memory_space<vmem>> -> memref<512x32xf32, #tpu.memory_space<vmem>>
    %dma_wait3A_565 = arith.constant 0 : i32
    %dma_wait3A_566 = tpu.memref_slice %arg4[%mul3A_2, %dma_wait3A_561, %dma_wait3A_565] : memref<16384x24x128xf32, #tpu.memory_space<hbm>> -> memref<512x1x32xf32, #tpu.memory_space<hbm>>
    %dma_wait3A_567 = tpu.memref_squeeze %dma_wait3A_566 : memref<512x1x32xf32, #tpu.memory_space<hbm>> -> memref<512x32xf32, #tpu.memory_space<hbm>>
    %dma_wait3A_568 = arith.constant 0 : i32
    %dma_wait3A_569 = tpu.memref_slice %arg4[%mul3A_2, %dma_wait3A_561, %dma_wait3A_568] : memref<16384x24x128xf32, #tpu.memory_space<hbm>> -> memref<512x1x32xf32, #tpu.memory_space<hbm>>
    %dma_wait3A_570 = tpu.memref_squeeze %dma_wait3A_569 : memref<512x1x32xf32, #tpu.memory_space<hbm>> -> memref<512x32xf32, #tpu.memory_space<hbm>>
    %dma_wait3A_571 = arith.constant 512 : i32
    %dma_wait3A_572 = arith.constant 0 : i32
    %dma_wait3A_573 = tpu.memref_slice %arg7[%dma_wait3A_571, %dma_wait3A_572] : memref<1024x32xf32, #tpu.memory_space<vmem>> -> memref<512x32xf32, #tpu.memory_space<vmem>>
    tpu.wait_dma2 semaphore(%arg12 : memref<!tpu.dma_semaphore, #tpu.memory_space<semaphore_mem>>) src(%dma_wait3A_573 : memref<512x32xf32, #tpu.memory_space<vmem>>) dst(%dma_wait3A_570 : memref<512x32xf32, #tpu.memory_space<hbm>>)
    %dma_start3A_574 = arith.constant 5120 : i32
    %dma_start3A_575 = tpu.memref_slice %arg5[%dma_start3A_574] : memref<10240xi32, #tpu.memory_space<vmem>> -> memref<1024xi32, #tpu.memory_space<vmem>>
    %dma_start3A_576 = arith.constant 0 : i32
    %dma_start3A_577 = arith.constant 0 : i32
    %dma_start3A_578 = tpu.memref_slice %arg3[%dma_start3A_576, %dma_start3A_577] : memref<100000x32xf32, #tpu.memory_space<hbm>> -> memref<100000x32xf32, #tpu.memory_space<hbm>>
    tpu.enqueue_indirect_dma source(%dma_start3A_578 : memref<100000x32xf32, #tpu.memory_space<hbm>>) target(%arg7 : memref<1024x32xf32, #tpu.memory_space<vmem>>) offsets(%dma_start3A_575 : memref<1024xi32, #tpu.memory_space<vmem>>) semaphore(%arg10 : memref<!tpu.dma_semaphore, #tpu.memory_space<semaphore_mem>>)
    %dma_wait3A_579 = arith.constant 4096 : i32
    %dma_wait3A_580 = tpu.memref_slice %arg5[%dma_wait3A_579] : memref<10240xi32, #tpu.memory_space<vmem>> -> memref<1024xi32, #tpu.memory_space<vmem>>
    %dma_wait3A_581 = arith.constant 0 : i32
    %dma_wait3A_582 = arith.constant 0 : i32
    %dma_wait3A_583 = tpu.memref_slice %arg3[%dma_wait3A_581, %dma_wait3A_582] : memref<100000x32xf32, #tpu.memory_space<hbm>> -> memref<100000x32xf32, #tpu.memory_space<hbm>>
    tpu.wait_indirect_dma semaphore(%arg9 : memref<!tpu.dma_semaphore, #tpu.memory_space<semaphore_mem>>) src(%dma_wait3A_583 : memref<100000x32xf32, #tpu.memory_space<hbm>>) dst(%arg6 : memref<1024x32xf32, #tpu.memory_space<vmem>>)
    %dma_start3A_584 = arith.constant 8 : i32
    %dma_start3A_585 = arith.constant 0 : i32
    %dma_start3A_586 = arith.constant 0 : i32
    %dma_start3A_587 = tpu.memref_slice %arg6[%dma_start3A_585, %dma_start3A_586] : memref<1024x32xf32, #tpu.memory_space<vmem>> -> memref<512x32xf32, #tpu.memory_space<vmem>>
    %dma_start3A_588 = arith.constant 0 : i32
    %dma_start3A_589 = tpu.memref_slice %arg4[%mul3A_2, %dma_start3A_584, %dma_start3A_588] : memref<16384x24x128xf32, #tpu.memory_space<hbm>> -> memref<512x1x32xf32, #tpu.memory_space<hbm>>
    %dma_start3A_590 = tpu.memref_squeeze %dma_start3A_589 : memref<512x1x32xf32, #tpu.memory_space<hbm>> -> memref<512x32xf32, #tpu.memory_space<hbm>>
    %dma_start3A_591 = arith.constant 0 : i32
    %dma_start3A_592 = tpu.memref_slice %arg4[%mul3A_2, %dma_start3A_584, %dma_start3A_591] : memref<16384x24x128xf32, #tpu.memory_space<hbm>> -> memref<512x1x32xf32, #tpu.memory_space<hbm>>
    %dma_start3A_593 = tpu.memref_squeeze %dma_start3A_592 : memref<512x1x32xf32, #tpu.memory_space<hbm>> -> memref<512x32xf32, #tpu.memory_space<hbm>>
    %dma_start3A_594 = arith.constant 0 : i32
    %dma_start3A_595 = arith.constant 0 : i32
    %dma_start3A_596 = tpu.memref_slice %arg6[%dma_start3A_594, %dma_start3A_595] : memref<1024x32xf32, #tpu.memory_space<vmem>> -> memref<512x32xf32, #tpu.memory_space<vmem>>
    tpu.enqueue_dma source(%dma_start3A_596 : memref<512x32xf32, #tpu.memory_space<vmem>>) target(%dma_start3A_593 : memref<512x32xf32, #tpu.memory_space<hbm>>) target_semaphore(%arg11 : memref<!tpu.dma_semaphore, #tpu.memory_space<semaphore_mem>>)
    %dma_start3A_597 = arith.constant 9 : i32
    %dma_start3A_598 = arith.constant 512 : i32
    %dma_start3A_599 = arith.constant 0 : i32
    %dma_start3A_600 = tpu.memref_slice %arg6[%dma_start3A_598, %dma_start3A_599] : memref<1024x32xf32, #tpu.memory_space<vmem>> -> memref<512x32xf32, #tpu.memory_space<vmem>>
    %dma_start3A_601 = arith.constant 0 : i32
    %dma_start3A_602 = tpu.memref_slice %arg4[%mul3A_2, %dma_start3A_597, %dma_start3A_601] : memref<16384x24x128xf32, #tpu.memory_space<hbm>> -> memref<512x1x32xf32, #tpu.memory_space<hbm>>
    %dma_start3A_603 = tpu.memref_squeeze %dma_start3A_602 : memref<512x1x32xf32, #tpu.memory_space<hbm>> -> memref<512x32xf32, #tpu.memory_space<hbm>>
    %dma_start3A_604 = arith.constant 0 : i32
    %dma_start3A_605 = tpu.memref_slice %arg4[%mul3A_2, %dma_start3A_597, %dma_start3A_604] : memref<16384x24x128xf32, #tpu.memory_space<hbm>> -> memref<512x1x32xf32, #tpu.memory_space<hbm>>
    %dma_start3A_606 = tpu.memref_squeeze %dma_start3A_605 : memref<512x1x32xf32, #tpu.memory_space<hbm>> -> memref<512x32xf32, #tpu.memory_space<hbm>>
    %dma_start3A_607 = arith.constant 512 : i32
    %dma_start3A_608 = arith.constant 0 : i32
    %dma_start3A_609 = tpu.memref_slice %arg6[%dma_start3A_607, %dma_start3A_608] : memref<1024x32xf32, #tpu.memory_space<vmem>> -> memref<512x32xf32, #tpu.memory_space<vmem>>
    tpu.enqueue_dma source(%dma_start3A_609 : memref<512x32xf32, #tpu.memory_space<vmem>>) target(%dma_start3A_606 : memref<512x32xf32, #tpu.memory_space<hbm>>) target_semaphore(%arg11 : memref<!tpu.dma_semaphore, #tpu.memory_space<semaphore_mem>>)
    %dma_wait3A_610 = arith.constant 8 : i32
    %dma_wait3A_611 = arith.constant 0 : i32
    %dma_wait3A_612 = arith.constant 0 : i32
    %dma_wait3A_613 = tpu.memref_slice %arg6[%dma_wait3A_611, %dma_wait3A_612] : memref<1024x32xf32, #tpu.memory_space<vmem>> -> memref<512x32xf32, #tpu.memory_space<vmem>>
    %dma_wait3A_614 = arith.constant 0 : i32
    %dma_wait3A_615 = tpu.memref_slice %arg4[%mul3A_2, %dma_wait3A_610, %dma_wait3A_614] : memref<16384x24x128xf32, #tpu.memory_space<hbm>> -> memref<512x1x32xf32, #tpu.memory_space<hbm>>
    %dma_wait3A_616 = tpu.memref_squeeze %dma_wait3A_615 : memref<512x1x32xf32, #tpu.memory_space<hbm>> -> memref<512x32xf32, #tpu.memory_space<hbm>>
    %dma_wait3A_617 = arith.constant 0 : i32
    %dma_wait3A_618 = tpu.memref_slice %arg4[%mul3A_2, %dma_wait3A_610, %dma_wait3A_617] : memref<16384x24x128xf32, #tpu.memory_space<hbm>> -> memref<512x1x32xf32, #tpu.memory_space<hbm>>
    %dma_wait3A_619 = tpu.memref_squeeze %dma_wait3A_618 : memref<512x1x32xf32, #tpu.memory_space<hbm>> -> memref<512x32xf32, #tpu.memory_space<hbm>>
    %dma_wait3A_620 = arith.constant 0 : i32
    %dma_wait3A_621 = arith.constant 0 : i32
    %dma_wait3A_622 = tpu.memref_slice %arg6[%dma_wait3A_620, %dma_wait3A_621] : memref<1024x32xf32, #tpu.memory_space<vmem>> -> memref<512x32xf32, #tpu.memory_space<vmem>>
    tpu.wait_dma2 semaphore(%arg11 : memref<!tpu.dma_semaphore, #tpu.memory_space<semaphore_mem>>) src(%dma_wait3A_622 : memref<512x32xf32, #tpu.memory_space<vmem>>) dst(%dma_wait3A_619 : memref<512x32xf32, #tpu.memory_space<hbm>>)
    %dma_wait3A_623 = arith.constant 9 : i32
    %dma_wait3A_624 = arith.constant 512 : i32
    %dma_wait3A_625 = arith.constant 0 : i32
    %dma_wait3A_626 = tpu.memref_slice %arg6[%dma_wait3A_624, %dma_wait3A_625] : memref<1024x32xf32, #tpu.memory_space<vmem>> -> memref<512x32xf32, #tpu.memory_space<vmem>>
    %dma_wait3A_627 = arith.constant 0 : i32
    %dma_wait3A_628 = tpu.memref_slice %arg4[%mul3A_2, %dma_wait3A_623, %dma_wait3A_627] : memref<16384x24x128xf32, #tpu.memory_space<hbm>> -> memref<512x1x32xf32, #tpu.memory_space<hbm>>
    %dma_wait3A_629 = tpu.memref_squeeze %dma_wait3A_628 : memref<512x1x32xf32, #tpu.memory_space<hbm>> -> memref<512x32xf32, #tpu.memory_space<hbm>>
    %dma_wait3A_630 = arith.constant 0 : i32
    %dma_wait3A_631 = tpu.memref_slice %arg4[%mul3A_2, %dma_wait3A_623, %dma_wait3A_630] : memref<16384x24x128xf32, #tpu.memory_space<hbm>> -> memref<512x1x32xf32, #tpu.memory_space<hbm>>
    %dma_wait3A_632 = tpu.memref_squeeze %dma_wait3A_631 : memref<512x1x32xf32, #tpu.memory_space<hbm>> -> memref<512x32xf32, #tpu.memory_space<hbm>>
    %dma_wait3A_633 = arith.constant 512 : i32
    %dma_wait3A_634 = arith.constant 0 : i32
    %dma_wait3A_635 = tpu.memref_slice %arg6[%dma_wait3A_633, %dma_wait3A_634] : memref<1024x32xf32, #tpu.memory_space<vmem>> -> memref<512x32xf32, #tpu.memory_space<vmem>>
    tpu.wait_dma2 semaphore(%arg11 : memref<!tpu.dma_semaphore, #tpu.memory_space<semaphore_mem>>) src(%dma_wait3A_635 : memref<512x32xf32, #tpu.memory_space<vmem>>) dst(%dma_wait3A_632 : memref<512x32xf32, #tpu.memory_space<hbm>>)
    %dma_start3A_636 = arith.constant 6144 : i32
    %dma_start3A_637 = tpu.memref_slice %arg5[%dma_start3A_636] : memref<10240xi32, #tpu.memory_space<vmem>> -> memref<1024xi32, #tpu.memory_space<vmem>>
    %dma_start3A_638 = arith.constant 0 : i32
    %dma_start3A_639 = arith.constant 0 : i32
    %dma_start3A_640 = tpu.memref_slice %arg3[%dma_start3A_638, %dma_start3A_639] : memref<100000x32xf32, #tpu.memory_space<hbm>> -> memref<100000x32xf32, #tpu.memory_space<hbm>>
    tpu.enqueue_indirect_dma source(%dma_start3A_640 : memref<100000x32xf32, #tpu.memory_space<hbm>>) target(%arg6 : memref<1024x32xf32, #tpu.memory_space<vmem>>) offsets(%dma_start3A_637 : memref<1024xi32, #tpu.memory_space<vmem>>) semaphore(%arg9 : memref<!tpu.dma_semaphore, #tpu.memory_space<semaphore_mem>>)
    %dma_wait3A_641 = arith.constant 5120 : i32
    %dma_wait3A_642 = tpu.memref_slice %arg5[%dma_wait3A_641] : memref<10240xi32, #tpu.memory_space<vmem>> -> memref<1024xi32, #tpu.memory_space<vmem>>
    %dma_wait3A_643 = arith.constant 0 : i32
    %dma_wait3A_644 = arith.constant 0 : i32
    %dma_wait3A_645 = tpu.memref_slice %arg3[%dma_wait3A_643, %dma_wait3A_644] : memref<100000x32xf32, #tpu.memory_space<hbm>> -> memref<100000x32xf32, #tpu.memory_space<hbm>>
    tpu.wait_indirect_dma semaphore(%arg10 : memref<!tpu.dma_semaphore, #tpu.memory_space<semaphore_mem>>) src(%dma_wait3A_645 : memref<100000x32xf32, #tpu.memory_space<hbm>>) dst(%arg7 : memref<1024x32xf32, #tpu.memory_space<vmem>>)
    %dma_start3A_646 = arith.constant 10 : i32
    %dma_start3A_647 = arith.constant 0 : i32
    %dma_start3A_648 = arith.constant 0 : i32
    %dma_start3A_649 = tpu.memref_slice %arg7[%dma_start3A_647, %dma_start3A_648] : memref<1024x32xf32, #tpu.memory_space<vmem>> -> memref<512x32xf32, #tpu.memory_space<vmem>>
    %dma_start3A_650 = arith.constant 0 : i32
    %dma_start3A_651 = tpu.memref_slice %arg4[%mul3A_2, %dma_start3A_646, %dma_start3A_650] : memref<16384x24x128xf32, #tpu.memory_space<hbm>> -> memref<512x1x32xf32, #tpu.memory_space<hbm>>
    %dma_start3A_652 = tpu.memref_squeeze %dma_start3A_651 : memref<512x1x32xf32, #tpu.memory_space<hbm>> -> memref<512x32xf32, #tpu.memory_space<hbm>>
    %dma_start3A_653 = arith.constant 0 : i32
    %dma_start3A_654 = tpu.memref_slice %arg4[%mul3A_2, %dma_start3A_646, %dma_start3A_653] : memref<16384x24x128xf32, #tpu.memory_space<hbm>> -> memref<512x1x32xf32, #tpu.memory_space<hbm>>
    %dma_start3A_655 = tpu.memref_squeeze %dma_start3A_654 : memref<512x1x32xf32, #tpu.memory_space<hbm>> -> memref<512x32xf32, #tpu.memory_space<hbm>>
    %dma_start3A_656 = arith.constant 0 : i32
    %dma_start3A_657 = arith.constant 0 : i32
    %dma_start3A_658 = tpu.memref_slice %arg7[%dma_start3A_656, %dma_start3A_657] : memref<1024x32xf32, #tpu.memory_space<vmem>> -> memref<512x32xf32, #tpu.memory_space<vmem>>
    tpu.enqueue_dma source(%dma_start3A_658 : memref<512x32xf32, #tpu.memory_space<vmem>>) target(%dma_start3A_655 : memref<512x32xf32, #tpu.memory_space<hbm>>) target_semaphore(%arg12 : memref<!tpu.dma_semaphore, #tpu.memory_space<semaphore_mem>>)
    %dma_start3A_659 = arith.constant 11 : i32
    %dma_start3A_660 = arith.constant 512 : i32
    %dma_start3A_661 = arith.constant 0 : i32
    %dma_start3A_662 = tpu.memref_slice %arg7[%dma_start3A_660, %dma_start3A_661] : memref<1024x32xf32, #tpu.memory_space<vmem>> -> memref<512x32xf32, #tpu.memory_space<vmem>>
    %dma_start3A_663 = arith.constant 0 : i32
    %dma_start3A_664 = tpu.memref_slice %arg4[%mul3A_2, %dma_start3A_659, %dma_start3A_663] : memref<16384x24x128xf32, #tpu.memory_space<hbm>> -> memref<512x1x32xf32, #tpu.memory_space<hbm>>
    %dma_start3A_665 = tpu.memref_squeeze %dma_start3A_664 : memref<512x1x32xf32, #tpu.memory_space<hbm>> -> memref<512x32xf32, #tpu.memory_space<hbm>>
    %dma_start3A_666 = arith.constant 0 : i32
    %dma_start3A_667 = tpu.memref_slice %arg4[%mul3A_2, %dma_start3A_659, %dma_start3A_666] : memref<16384x24x128xf32, #tpu.memory_space<hbm>> -> memref<512x1x32xf32, #tpu.memory_space<hbm>>
    %dma_start3A_668 = tpu.memref_squeeze %dma_start3A_667 : memref<512x1x32xf32, #tpu.memory_space<hbm>> -> memref<512x32xf32, #tpu.memory_space<hbm>>
    %dma_start3A_669 = arith.constant 512 : i32
    %dma_start3A_670 = arith.constant 0 : i32
    %dma_start3A_671 = tpu.memref_slice %arg7[%dma_start3A_669, %dma_start3A_670] : memref<1024x32xf32, #tpu.memory_space<vmem>> -> memref<512x32xf32, #tpu.memory_space<vmem>>
    tpu.enqueue_dma source(%dma_start3A_671 : memref<512x32xf32, #tpu.memory_space<vmem>>) target(%dma_start3A_668 : memref<512x32xf32, #tpu.memory_space<hbm>>) target_semaphore(%arg12 : memref<!tpu.dma_semaphore, #tpu.memory_space<semaphore_mem>>)
    %dma_wait3A_672 = arith.constant 10 : i32
    %dma_wait3A_673 = arith.constant 0 : i32
    %dma_wait3A_674 = arith.constant 0 : i32
    %dma_wait3A_675 = tpu.memref_slice %arg7[%dma_wait3A_673, %dma_wait3A_674] : memref<1024x32xf32, #tpu.memory_space<vmem>> -> memref<512x32xf32, #tpu.memory_space<vmem>>
    %dma_wait3A_676 = arith.constant 0 : i32
    %dma_wait3A_677 = tpu.memref_slice %arg4[%mul3A_2, %dma_wait3A_672, %dma_wait3A_676] : memref<16384x24x128xf32, #tpu.memory_space<hbm>> -> memref<512x1x32xf32, #tpu.memory_space<hbm>>
    %dma_wait3A_678 = tpu.memref_squeeze %dma_wait3A_677 : memref<512x1x32xf32, #tpu.memory_space<hbm>> -> memref<512x32xf32, #tpu.memory_space<hbm>>
    %dma_wait3A_679 = arith.constant 0 : i32
    %dma_wait3A_680 = tpu.memref_slice %arg4[%mul3A_2, %dma_wait3A_672, %dma_wait3A_679] : memref<16384x24x128xf32, #tpu.memory_space<hbm>> -> memref<512x1x32xf32, #tpu.memory_space<hbm>>
    %dma_wait3A_681 = tpu.memref_squeeze %dma_wait3A_680 : memref<512x1x32xf32, #tpu.memory_space<hbm>> -> memref<512x32xf32, #tpu.memory_space<hbm>>
    %dma_wait3A_682 = arith.constant 0 : i32
    %dma_wait3A_683 = arith.constant 0 : i32
    %dma_wait3A_684 = tpu.memref_slice %arg7[%dma_wait3A_682, %dma_wait3A_683] : memref<1024x32xf32, #tpu.memory_space<vmem>> -> memref<512x32xf32, #tpu.memory_space<vmem>>
    tpu.wait_dma2 semaphore(%arg12 : memref<!tpu.dma_semaphore, #tpu.memory_space<semaphore_mem>>) src(%dma_wait3A_684 : memref<512x32xf32, #tpu.memory_space<vmem>>) dst(%dma_wait3A_681 : memref<512x32xf32, #tpu.memory_space<hbm>>)
    %dma_wait3A_685 = arith.constant 11 : i32
    %dma_wait3A_686 = arith.constant 512 : i32
    %dma_wait3A_687 = arith.constant 0 : i32
    %dma_wait3A_688 = tpu.memref_slice %arg7[%dma_wait3A_686, %dma_wait3A_687] : memref<1024x32xf32, #tpu.memory_space<vmem>> -> memref<512x32xf32, #tpu.memory_space<vmem>>
    %dma_wait3A_689 = arith.constant 0 : i32
    %dma_wait3A_690 = tpu.memref_slice %arg4[%mul3A_2, %dma_wait3A_685, %dma_wait3A_689] : memref<16384x24x128xf32, #tpu.memory_space<hbm>> -> memref<512x1x32xf32, #tpu.memory_space<hbm>>
    %dma_wait3A_691 = tpu.memref_squeeze %dma_wait3A_690 : memref<512x1x32xf32, #tpu.memory_space<hbm>> -> memref<512x32xf32, #tpu.memory_space<hbm>>
    %dma_wait3A_692 = arith.constant 0 : i32
    %dma_wait3A_693 = tpu.memref_slice %arg4[%mul3A_2, %dma_wait3A_685, %dma_wait3A_692] : memref<16384x24x128xf32, #tpu.memory_space<hbm>> -> memref<512x1x32xf32, #tpu.memory_space<hbm>>
    %dma_wait3A_694 = tpu.memref_squeeze %dma_wait3A_693 : memref<512x1x32xf32, #tpu.memory_space<hbm>> -> memref<512x32xf32, #tpu.memory_space<hbm>>
    %dma_wait3A_695 = arith.constant 512 : i32
    %dma_wait3A_696 = arith.constant 0 : i32
    %dma_wait3A_697 = tpu.memref_slice %arg7[%dma_wait3A_695, %dma_wait3A_696] : memref<1024x32xf32, #tpu.memory_space<vmem>> -> memref<512x32xf32, #tpu.memory_space<vmem>>
    tpu.wait_dma2 semaphore(%arg12 : memref<!tpu.dma_semaphore, #tpu.memory_space<semaphore_mem>>) src(%dma_wait3A_697 : memref<512x32xf32, #tpu.memory_space<vmem>>) dst(%dma_wait3A_694 : memref<512x32xf32, #tpu.memory_space<hbm>>)
    %dma_start3A_698 = arith.constant 7168 : i32
    %dma_start3A_699 = tpu.memref_slice %arg5[%dma_start3A_698] : memref<10240xi32, #tpu.memory_space<vmem>> -> memref<1024xi32, #tpu.memory_space<vmem>>
    %dma_start3A_700 = arith.constant 0 : i32
    %dma_start3A_701 = arith.constant 0 : i32
    %dma_start3A_702 = tpu.memref_slice %arg3[%dma_start3A_700, %dma_start3A_701] : memref<100000x32xf32, #tpu.memory_space<hbm>> -> memref<100000x32xf32, #tpu.memory_space<hbm>>
    tpu.enqueue_indirect_dma source(%dma_start3A_702 : memref<100000x32xf32, #tpu.memory_space<hbm>>) target(%arg7 : memref<1024x32xf32, #tpu.memory_space<vmem>>) offsets(%dma_start3A_699 : memref<1024xi32, #tpu.memory_space<vmem>>) semaphore(%arg10 : memref<!tpu.dma_semaphore, #tpu.memory_space<semaphore_mem>>)
    %dma_wait3A_703 = arith.constant 6144 : i32
    %dma_wait3A_704 = tpu.memref_slice %arg5[%dma_wait3A_703] : memref<10240xi32, #tpu.memory_space<vmem>> -> memref<1024xi32, #tpu.memory_space<vmem>>
    %dma_wait3A_705 = arith.constant 0 : i32
    %dma_wait3A_706 = arith.constant 0 : i32
    %dma_wait3A_707 = tpu.memref_slice %arg3[%dma_wait3A_705, %dma_wait3A_706] : memref<100000x32xf32, #tpu.memory_space<hbm>> -> memref<100000x32xf32, #tpu.memory_space<hbm>>
    tpu.wait_indirect_dma semaphore(%arg9 : memref<!tpu.dma_semaphore, #tpu.memory_space<semaphore_mem>>) src(%dma_wait3A_707 : memref<100000x32xf32, #tpu.memory_space<hbm>>) dst(%arg6 : memref<1024x32xf32, #tpu.memory_space<vmem>>)
    %dma_start3A_708 = arith.constant 12 : i32
    %dma_start3A_709 = arith.constant 0 : i32
    %dma_start3A_710 = arith.constant 0 : i32
    %dma_start3A_711 = tpu.memref_slice %arg6[%dma_start3A_709, %dma_start3A_710] : memref<1024x32xf32, #tpu.memory_space<vmem>> -> memref<512x32xf32, #tpu.memory_space<vmem>>
    %dma_start3A_712 = arith.constant 0 : i32
    %dma_start3A_713 = tpu.memref_slice %arg4[%mul3A_2, %dma_start3A_708, %dma_start3A_712] : memref<16384x24x128xf32, #tpu.memory_space<hbm>> -> memref<512x1x32xf32, #tpu.memory_space<hbm>>
    %dma_start3A_714 = tpu.memref_squeeze %dma_start3A_713 : memref<512x1x32xf32, #tpu.memory_space<hbm>> -> memref<512x32xf32, #tpu.memory_space<hbm>>
    %dma_start3A_715 = arith.constant 0 : i32
    %dma_start3A_716 = tpu.memref_slice %arg4[%mul3A_2, %dma_start3A_708, %dma_start3A_715] : memref<16384x24x128xf32, #tpu.memory_space<hbm>> -> memref<512x1x32xf32, #tpu.memory_space<hbm>>
    %dma_start3A_717 = tpu.memref_squeeze %dma_start3A_716 : memref<512x1x32xf32, #tpu.memory_space<hbm>> -> memref<512x32xf32, #tpu.memory_space<hbm>>
    %dma_start3A_718 = arith.constant 0 : i32
    %dma_start3A_719 = arith.constant 0 : i32
    %dma_start3A_720 = tpu.memref_slice %arg6[%dma_start3A_718, %dma_start3A_719] : memref<1024x32xf32, #tpu.memory_space<vmem>> -> memref<512x32xf32, #tpu.memory_space<vmem>>
    tpu.enqueue_dma source(%dma_start3A_720 : memref<512x32xf32, #tpu.memory_space<vmem>>) target(%dma_start3A_717 : memref<512x32xf32, #tpu.memory_space<hbm>>) target_semaphore(%arg11 : memref<!tpu.dma_semaphore, #tpu.memory_space<semaphore_mem>>)
    %dma_start3A_721 = arith.constant 13 : i32
    %dma_start3A_722 = arith.constant 512 : i32
    %dma_start3A_723 = arith.constant 0 : i32
    %dma_start3A_724 = tpu.memref_slice %arg6[%dma_start3A_722, %dma_start3A_723] : memref<1024x32xf32, #tpu.memory_space<vmem>> -> memref<512x32xf32, #tpu.memory_space<vmem>>
    %dma_start3A_725 = arith.constant 0 : i32
    %dma_start3A_726 = tpu.memref_slice %arg4[%mul3A_2, %dma_start3A_721, %dma_start3A_725] : memref<16384x24x128xf32, #tpu.memory_space<hbm>> -> memref<512x1x32xf32, #tpu.memory_space<hbm>>
    %dma_start3A_727 = tpu.memref_squeeze %dma_start3A_726 : memref<512x1x32xf32, #tpu.memory_space<hbm>> -> memref<512x32xf32, #tpu.memory_space<hbm>>
    %dma_start3A_728 = arith.constant 0 : i32
    %dma_start3A_729 = tpu.memref_slice %arg4[%mul3A_2, %dma_start3A_721, %dma_start3A_728] : memref<16384x24x128xf32, #tpu.memory_space<hbm>> -> memref<512x1x32xf32, #tpu.memory_space<hbm>>
    %dma_start3A_730 = tpu.memref_squeeze %dma_start3A_729 : memref<512x1x32xf32, #tpu.memory_space<hbm>> -> memref<512x32xf32, #tpu.memory_space<hbm>>
    %dma_start3A_731 = arith.constant 512 : i32
    %dma_start3A_732 = arith.constant 0 : i32
    %dma_start3A_733 = tpu.memref_slice %arg6[%dma_start3A_731, %dma_start3A_732] : memref<1024x32xf32, #tpu.memory_space<vmem>> -> memref<512x32xf32, #tpu.memory_space<vmem>>
    tpu.enqueue_dma source(%dma_start3A_733 : memref<512x32xf32, #tpu.memory_space<vmem>>) target(%dma_start3A_730 : memref<512x32xf32, #tpu.memory_space<hbm>>) target_semaphore(%arg11 : memref<!tpu.dma_semaphore, #tpu.memory_space<semaphore_mem>>)
    %dma_wait3A_734 = arith.constant 12 : i32
    %dma_wait3A_735 = arith.constant 0 : i32
    %dma_wait3A_736 = arith.constant 0 : i32
    %dma_wait3A_737 = tpu.memref_slice %arg6[%dma_wait3A_735, %dma_wait3A_736] : memref<1024x32xf32, #tpu.memory_space<vmem>> -> memref<512x32xf32, #tpu.memory_space<vmem>>
    %dma_wait3A_738 = arith.constant 0 : i32
    %dma_wait3A_739 = tpu.memref_slice %arg4[%mul3A_2, %dma_wait3A_734, %dma_wait3A_738] : memref<16384x24x128xf32, #tpu.memory_space<hbm>> -> memref<512x1x32xf32, #tpu.memory_space<hbm>>
    %dma_wait3A_740 = tpu.memref_squeeze %dma_wait3A_739 : memref<512x1x32xf32, #tpu.memory_space<hbm>> -> memref<512x32xf32, #tpu.memory_space<hbm>>
    %dma_wait3A_741 = arith.constant 0 : i32
    %dma_wait3A_742 = tpu.memref_slice %arg4[%mul3A_2, %dma_wait3A_734, %dma_wait3A_741] : memref<16384x24x128xf32, #tpu.memory_space<hbm>> -> memref<512x1x32xf32, #tpu.memory_space<hbm>>
    %dma_wait3A_743 = tpu.memref_squeeze %dma_wait3A_742 : memref<512x1x32xf32, #tpu.memory_space<hbm>> -> memref<512x32xf32, #tpu.memory_space<hbm>>
    %dma_wait3A_744 = arith.constant 0 : i32
    %dma_wait3A_745 = arith.constant 0 : i32
    %dma_wait3A_746 = tpu.memref_slice %arg6[%dma_wait3A_744, %dma_wait3A_745] : memref<1024x32xf32, #tpu.memory_space<vmem>> -> memref<512x32xf32, #tpu.memory_space<vmem>>
    tpu.wait_dma2 semaphore(%arg11 : memref<!tpu.dma_semaphore, #tpu.memory_space<semaphore_mem>>) src(%dma_wait3A_746 : memref<512x32xf32, #tpu.memory_space<vmem>>) dst(%dma_wait3A_743 : memref<512x32xf32, #tpu.memory_space<hbm>>)
    %dma_wait3A_747 = arith.constant 13 : i32
    %dma_wait3A_748 = arith.constant 512 : i32
    %dma_wait3A_749 = arith.constant 0 : i32
    %dma_wait3A_750 = tpu.memref_slice %arg6[%dma_wait3A_748, %dma_wait3A_749] : memref<1024x32xf32, #tpu.memory_space<vmem>> -> memref<512x32xf32, #tpu.memory_space<vmem>>
    %dma_wait3A_751 = arith.constant 0 : i32
    %dma_wait3A_752 = tpu.memref_slice %arg4[%mul3A_2, %dma_wait3A_747, %dma_wait3A_751] : memref<16384x24x128xf32, #tpu.memory_space<hbm>> -> memref<512x1x32xf32, #tpu.memory_space<hbm>>
    %dma_wait3A_753 = tpu.memref_squeeze %dma_wait3A_752 : memref<512x1x32xf32, #tpu.memory_space<hbm>> -> memref<512x32xf32, #tpu.memory_space<hbm>>
    %dma_wait3A_754 = arith.constant 0 : i32
    %dma_wait3A_755 = tpu.memref_slice %arg4[%mul3A_2, %dma_wait3A_747, %dma_wait3A_754] : memref<16384x24x128xf32, #tpu.memory_space<hbm>> -> memref<512x1x32xf32, #tpu.memory_space<hbm>>
    %dma_wait3A_756 = tpu.memref_squeeze %dma_wait3A_755 : memref<512x1x32xf32, #tpu.memory_space<hbm>> -> memref<512x32xf32, #tpu.memory_space<hbm>>
    %dma_wait3A_757 = arith.constant 512 : i32
    %dma_wait3A_758 = arith.constant 0 : i32
    %dma_wait3A_759 = tpu.memref_slice %arg6[%dma_wait3A_757, %dma_wait3A_758] : memref<1024x32xf32, #tpu.memory_space<vmem>> -> memref<512x32xf32, #tpu.memory_space<vmem>>
    tpu.wait_dma2 semaphore(%arg11 : memref<!tpu.dma_semaphore, #tpu.memory_space<semaphore_mem>>) src(%dma_wait3A_759 : memref<512x32xf32, #tpu.memory_space<vmem>>) dst(%dma_wait3A_756 : memref<512x32xf32, #tpu.memory_space<hbm>>)
    %dma_start3A_760 = arith.constant 8192 : i32
    %dma_start3A_761 = tpu.memref_slice %arg5[%dma_start3A_760] : memref<10240xi32, #tpu.memory_space<vmem>> -> memref<1024xi32, #tpu.memory_space<vmem>>
    %dma_start3A_762 = arith.constant 0 : i32
    %dma_start3A_763 = arith.constant 0 : i32
    %dma_start3A_764 = tpu.memref_slice %arg3[%dma_start3A_762, %dma_start3A_763] : memref<100000x32xf32, #tpu.memory_space<hbm>> -> memref<100000x32xf32, #tpu.memory_space<hbm>>
    tpu.enqueue_indirect_dma source(%dma_start3A_764 : memref<100000x32xf32, #tpu.memory_space<hbm>>) target(%arg6 : memref<1024x32xf32, #tpu.memory_space<vmem>>) offsets(%dma_start3A_761 : memref<1024xi32, #tpu.memory_space<vmem>>) semaphore(%arg9 : memref<!tpu.dma_semaphore, #tpu.memory_space<semaphore_mem>>)
    %dma_wait3A_765 = arith.constant 7168 : i32
    %dma_wait3A_766 = tpu.memref_slice %arg5[%dma_wait3A_765] : memref<10240xi32, #tpu.memory_space<vmem>> -> memref<1024xi32, #tpu.memory_space<vmem>>
    %dma_wait3A_767 = arith.constant 0 : i32
    %dma_wait3A_768 = arith.constant 0 : i32
    %dma_wait3A_769 = tpu.memref_slice %arg3[%dma_wait3A_767, %dma_wait3A_768] : memref<100000x32xf32, #tpu.memory_space<hbm>> -> memref<100000x32xf32, #tpu.memory_space<hbm>>
    tpu.wait_indirect_dma semaphore(%arg10 : memref<!tpu.dma_semaphore, #tpu.memory_space<semaphore_mem>>) src(%dma_wait3A_769 : memref<100000x32xf32, #tpu.memory_space<hbm>>) dst(%arg7 : memref<1024x32xf32, #tpu.memory_space<vmem>>)
    %dma_start3A_770 = arith.constant 14 : i32
    %dma_start3A_771 = arith.constant 0 : i32
    %dma_start3A_772 = arith.constant 0 : i32
    %dma_start3A_773 = tpu.memref_slice %arg7[%dma_start3A_771, %dma_start3A_772] : memref<1024x32xf32, #tpu.memory_space<vmem>> -> memref<512x32xf32, #tpu.memory_space<vmem>>
    %dma_start3A_774 = arith.constant 0 : i32
    %dma_start3A_775 = tpu.memref_slice %arg4[%mul3A_2, %dma_start3A_770, %dma_start3A_774] : memref<16384x24x128xf32, #tpu.memory_space<hbm>> -> memref<512x1x32xf32, #tpu.memory_space<hbm>>
    %dma_start3A_776 = tpu.memref_squeeze %dma_start3A_775 : memref<512x1x32xf32, #tpu.memory_space<hbm>> -> memref<512x32xf32, #tpu.memory_space<hbm>>
    %dma_start3A_777 = arith.constant 0 : i32
    %dma_start3A_778 = tpu.memref_slice %arg4[%mul3A_2, %dma_start3A_770, %dma_start3A_777] : memref<16384x24x128xf32, #tpu.memory_space<hbm>> -> memref<512x1x32xf32, #tpu.memory_space<hbm>>
    %dma_start3A_779 = tpu.memref_squeeze %dma_start3A_778 : memref<512x1x32xf32, #tpu.memory_space<hbm>> -> memref<512x32xf32, #tpu.memory_space<hbm>>
    %dma_start3A_780 = arith.constant 0 : i32
    %dma_start3A_781 = arith.constant 0 : i32
    %dma_start3A_782 = tpu.memref_slice %arg7[%dma_start3A_780, %dma_start3A_781] : memref<1024x32xf32, #tpu.memory_space<vmem>> -> memref<512x32xf32, #tpu.memory_space<vmem>>
    tpu.enqueue_dma source(%dma_start3A_782 : memref<512x32xf32, #tpu.memory_space<vmem>>) target(%dma_start3A_779 : memref<512x32xf32, #tpu.memory_space<hbm>>) target_semaphore(%arg12 : memref<!tpu.dma_semaphore, #tpu.memory_space<semaphore_mem>>)
    %dma_start3A_783 = arith.constant 15 : i32
    %dma_start3A_784 = arith.constant 512 : i32
    %dma_start3A_785 = arith.constant 0 : i32
    %dma_start3A_786 = tpu.memref_slice %arg7[%dma_start3A_784, %dma_start3A_785] : memref<1024x32xf32, #tpu.memory_space<vmem>> -> memref<512x32xf32, #tpu.memory_space<vmem>>
    %dma_start3A_787 = arith.constant 0 : i32
    %dma_start3A_788 = tpu.memref_slice %arg4[%mul3A_2, %dma_start3A_783, %dma_start3A_787] : memref<16384x24x128xf32, #tpu.memory_space<hbm>> -> memref<512x1x32xf32, #tpu.memory_space<hbm>>
    %dma_start3A_789 = tpu.memref_squeeze %dma_start3A_788 : memref<512x1x32xf32, #tpu.memory_space<hbm>> -> memref<512x32xf32, #tpu.memory_space<hbm>>
    %dma_start3A_790 = arith.constant 0 : i32
    %dma_start3A_791 = tpu.memref_slice %arg4[%mul3A_2, %dma_start3A_783, %dma_start3A_790] : memref<16384x24x128xf32, #tpu.memory_space<hbm>> -> memref<512x1x32xf32, #tpu.memory_space<hbm>>
    %dma_start3A_792 = tpu.memref_squeeze %dma_start3A_791 : memref<512x1x32xf32, #tpu.memory_space<hbm>> -> memref<512x32xf32, #tpu.memory_space<hbm>>
    %dma_start3A_793 = arith.constant 512 : i32
    %dma_start3A_794 = arith.constant 0 : i32
    %dma_start3A_795 = tpu.memref_slice %arg7[%dma_start3A_793, %dma_start3A_794] : memref<1024x32xf32, #tpu.memory_space<vmem>> -> memref<512x32xf32, #tpu.memory_space<vmem>>
    tpu.enqueue_dma source(%dma_start3A_795 : memref<512x32xf32, #tpu.memory_space<vmem>>) target(%dma_start3A_792 : memref<512x32xf32, #tpu.memory_space<hbm>>) target_semaphore(%arg12 : memref<!tpu.dma_semaphore, #tpu.memory_space<semaphore_mem>>)
    %dma_wait3A_796 = arith.constant 14 : i32
    %dma_wait3A_797 = arith.constant 0 : i32
    %dma_wait3A_798 = arith.constant 0 : i32
    %dma_wait3A_799 = tpu.memref_slice %arg7[%dma_wait3A_797, %dma_wait3A_798] : memref<1024x32xf32, #tpu.memory_space<vmem>> -> memref<512x32xf32, #tpu.memory_space<vmem>>
    %dma_wait3A_800 = arith.constant 0 : i32
    %dma_wait3A_801 = tpu.memref_slice %arg4[%mul3A_2, %dma_wait3A_796, %dma_wait3A_800] : memref<16384x24x128xf32, #tpu.memory_space<hbm>> -> memref<512x1x32xf32, #tpu.memory_space<hbm>>
    %dma_wait3A_802 = tpu.memref_squeeze %dma_wait3A_801 : memref<512x1x32xf32, #tpu.memory_space<hbm>> -> memref<512x32xf32, #tpu.memory_space<hbm>>
    %dma_wait3A_803 = arith.constant 0 : i32
    %dma_wait3A_804 = tpu.memref_slice %arg4[%mul3A_2, %dma_wait3A_796, %dma_wait3A_803] : memref<16384x24x128xf32, #tpu.memory_space<hbm>> -> memref<512x1x32xf32, #tpu.memory_space<hbm>>
    %dma_wait3A_805 = tpu.memref_squeeze %dma_wait3A_804 : memref<512x1x32xf32, #tpu.memory_space<hbm>> -> memref<512x32xf32, #tpu.memory_space<hbm>>
    %dma_wait3A_806 = arith.constant 0 : i32
    %dma_wait3A_807 = arith.constant 0 : i32
    %dma_wait3A_808 = tpu.memref_slice %arg7[%dma_wait3A_806, %dma_wait3A_807] : memref<1024x32xf32, #tpu.memory_space<vmem>> -> memref<512x32xf32, #tpu.memory_space<vmem>>
    tpu.wait_dma2 semaphore(%arg12 : memref<!tpu.dma_semaphore, #tpu.memory_space<semaphore_mem>>) src(%dma_wait3A_808 : memref<512x32xf32, #tpu.memory_space<vmem>>) dst(%dma_wait3A_805 : memref<512x32xf32, #tpu.memory_space<hbm>>)
    %dma_wait3A_809 = arith.constant 15 : i32
    %dma_wait3A_810 = arith.constant 512 : i32
    %dma_wait3A_811 = arith.constant 0 : i32
    %dma_wait3A_812 = tpu.memref_slice %arg7[%dma_wait3A_810, %dma_wait3A_811] : memref<1024x32xf32, #tpu.memory_space<vmem>> -> memref<512x32xf32, #tpu.memory_space<vmem>>
    %dma_wait3A_813 = arith.constant 0 : i32
    %dma_wait3A_814 = tpu.memref_slice %arg4[%mul3A_2, %dma_wait3A_809, %dma_wait3A_813] : memref<16384x24x128xf32, #tpu.memory_space<hbm>> -> memref<512x1x32xf32, #tpu.memory_space<hbm>>
    %dma_wait3A_815 = tpu.memref_squeeze %dma_wait3A_814 : memref<512x1x32xf32, #tpu.memory_space<hbm>> -> memref<512x32xf32, #tpu.memory_space<hbm>>
    %dma_wait3A_816 = arith.constant 0 : i32
    %dma_wait3A_817 = tpu.memref_slice %arg4[%mul3A_2, %dma_wait3A_809, %dma_wait3A_816] : memref<16384x24x128xf32, #tpu.memory_space<hbm>> -> memref<512x1x32xf32, #tpu.memory_space<hbm>>
    %dma_wait3A_818 = tpu.memref_squeeze %dma_wait3A_817 : memref<512x1x32xf32, #tpu.memory_space<hbm>> -> memref<512x32xf32, #tpu.memory_space<hbm>>
    %dma_wait3A_819 = arith.constant 512 : i32
    %dma_wait3A_820 = arith.constant 0 : i32
    %dma_wait3A_821 = tpu.memref_slice %arg7[%dma_wait3A_819, %dma_wait3A_820] : memref<1024x32xf32, #tpu.memory_space<vmem>> -> memref<512x32xf32, #tpu.memory_space<vmem>>
    tpu.wait_dma2 semaphore(%arg12 : memref<!tpu.dma_semaphore, #tpu.memory_space<semaphore_mem>>) src(%dma_wait3A_821 : memref<512x32xf32, #tpu.memory_space<vmem>>) dst(%dma_wait3A_818 : memref<512x32xf32, #tpu.memory_space<hbm>>)
    %dma_start3A_822 = arith.constant 9216 : i32
    %dma_start3A_823 = tpu.memref_slice %arg5[%dma_start3A_822] : memref<10240xi32, #tpu.memory_space<vmem>> -> memref<1024xi32, #tpu.memory_space<vmem>>
    %dma_start3A_824 = arith.constant 0 : i32
    %dma_start3A_825 = arith.constant 0 : i32
    %dma_start3A_826 = tpu.memref_slice %arg3[%dma_start3A_824, %dma_start3A_825] : memref<100000x32xf32, #tpu.memory_space<hbm>> -> memref<100000x32xf32, #tpu.memory_space<hbm>>
    tpu.enqueue_indirect_dma source(%dma_start3A_826 : memref<100000x32xf32, #tpu.memory_space<hbm>>) target(%arg7 : memref<1024x32xf32, #tpu.memory_space<vmem>>) offsets(%dma_start3A_823 : memref<1024xi32, #tpu.memory_space<vmem>>) semaphore(%arg10 : memref<!tpu.dma_semaphore, #tpu.memory_space<semaphore_mem>>)
    %dma_wait3A_827 = arith.constant 8192 : i32
    %dma_wait3A_828 = tpu.memref_slice %arg5[%dma_wait3A_827] : memref<10240xi32, #tpu.memory_space<vmem>> -> memref<1024xi32, #tpu.memory_space<vmem>>
    %dma_wait3A_829 = arith.constant 0 : i32
    %dma_wait3A_830 = arith.constant 0 : i32
    %dma_wait3A_831 = tpu.memref_slice %arg3[%dma_wait3A_829, %dma_wait3A_830] : memref<100000x32xf32, #tpu.memory_space<hbm>> -> memref<100000x32xf32, #tpu.memory_space<hbm>>
    tpu.wait_indirect_dma semaphore(%arg9 : memref<!tpu.dma_semaphore, #tpu.memory_space<semaphore_mem>>) src(%dma_wait3A_831 : memref<100000x32xf32, #tpu.memory_space<hbm>>) dst(%arg6 : memref<1024x32xf32, #tpu.memory_space<vmem>>)
    %dma_start3A_832 = arith.constant 16 : i32
    %dma_start3A_833 = arith.constant 0 : i32
    %dma_start3A_834 = arith.constant 0 : i32
    %dma_start3A_835 = tpu.memref_slice %arg6[%dma_start3A_833, %dma_start3A_834] : memref<1024x32xf32, #tpu.memory_space<vmem>> -> memref<512x32xf32, #tpu.memory_space<vmem>>
    %dma_start3A_836 = arith.constant 0 : i32
    %dma_start3A_837 = tpu.memref_slice %arg4[%mul3A_2, %dma_start3A_832, %dma_start3A_836] : memref<16384x24x128xf32, #tpu.memory_space<hbm>> -> memref<512x1x32xf32, #tpu.memory_space<hbm>>
    %dma_start3A_838 = tpu.memref_squeeze %dma_start3A_837 : memref<512x1x32xf32, #tpu.memory_space<hbm>> -> memref<512x32xf32, #tpu.memory_space<hbm>>
    %dma_start3A_839 = arith.constant 0 : i32
    %dma_start3A_840 = tpu.memref_slice %arg4[%mul3A_2, %dma_start3A_832, %dma_start3A_839] : memref<16384x24x128xf32, #tpu.memory_space<hbm>> -> memref<512x1x32xf32, #tpu.memory_space<hbm>>
    %dma_start3A_841 = tpu.memref_squeeze %dma_start3A_840 : memref<512x1x32xf32, #tpu.memory_space<hbm>> -> memref<512x32xf32, #tpu.memory_space<hbm>>
    %dma_start3A_842 = arith.constant 0 : i32
    %dma_start3A_843 = arith.constant 0 : i32
    %dma_start3A_844 = tpu.memref_slice %arg6[%dma_start3A_842, %dma_start3A_843] : memref<1024x32xf32, #tpu.memory_space<vmem>> -> memref<512x32xf32, #tpu.memory_space<vmem>>
    tpu.enqueue_dma source(%dma_start3A_844 : memref<512x32xf32, #tpu.memory_space<vmem>>) target(%dma_start3A_841 : memref<512x32xf32, #tpu.memory_space<hbm>>) target_semaphore(%arg11 : memref<!tpu.dma_semaphore, #tpu.memory_space<semaphore_mem>>)
    %dma_start3A_845 = arith.constant 17 : i32
    %dma_start3A_846 = arith.constant 512 : i32
    %dma_start3A_847 = arith.constant 0 : i32
    %dma_start3A_848 = tpu.memref_slice %arg6[%dma_start3A_846, %dma_start3A_847] : memref<1024x32xf32, #tpu.memory_space<vmem>> -> memref<512x32xf32, #tpu.memory_space<vmem>>
    %dma_start3A_849 = arith.constant 0 : i32
    %dma_start3A_850 = tpu.memref_slice %arg4[%mul3A_2, %dma_start3A_845, %dma_start3A_849] : memref<16384x24x128xf32, #tpu.memory_space<hbm>> -> memref<512x1x32xf32, #tpu.memory_space<hbm>>
    %dma_start3A_851 = tpu.memref_squeeze %dma_start3A_850 : memref<512x1x32xf32, #tpu.memory_space<hbm>> -> memref<512x32xf32, #tpu.memory_space<hbm>>
    %dma_start3A_852 = arith.constant 0 : i32
    %dma_start3A_853 = tpu.memref_slice %arg4[%mul3A_2, %dma_start3A_845, %dma_start3A_852] : memref<16384x24x128xf32, #tpu.memory_space<hbm>> -> memref<512x1x32xf32, #tpu.memory_space<hbm>>
    %dma_start3A_854 = tpu.memref_squeeze %dma_start3A_853 : memref<512x1x32xf32, #tpu.memory_space<hbm>> -> memref<512x32xf32, #tpu.memory_space<hbm>>
    %dma_start3A_855 = arith.constant 512 : i32
    %dma_start3A_856 = arith.constant 0 : i32
    %dma_start3A_857 = tpu.memref_slice %arg6[%dma_start3A_855, %dma_start3A_856] : memref<1024x32xf32, #tpu.memory_space<vmem>> -> memref<512x32xf32, #tpu.memory_space<vmem>>
    tpu.enqueue_dma source(%dma_start3A_857 : memref<512x32xf32, #tpu.memory_space<vmem>>) target(%dma_start3A_854 : memref<512x32xf32, #tpu.memory_space<hbm>>) target_semaphore(%arg11 : memref<!tpu.dma_semaphore, #tpu.memory_space<semaphore_mem>>)
    %dma_wait3A_858 = arith.constant 16 : i32
    %dma_wait3A_859 = arith.constant 0 : i32
    %dma_wait3A_860 = arith.constant 0 : i32
    %dma_wait3A_861 = tpu.memref_slice %arg6[%dma_wait3A_859, %dma_wait3A_860] : memref<1024x32xf32, #tpu.memory_space<vmem>> -> memref<512x32xf32, #tpu.memory_space<vmem>>
    %dma_wait3A_862 = arith.constant 0 : i32
    %dma_wait3A_863 = tpu.memref_slice %arg4[%mul3A_2, %dma_wait3A_858, %dma_wait3A_862] : memref<16384x24x128xf32, #tpu.memory_space<hbm>> -> memref<512x1x32xf32, #tpu.memory_space<hbm>>
    %dma_wait3A_864 = tpu.memref_squeeze %dma_wait3A_863 : memref<512x1x32xf32, #tpu.memory_space<hbm>> -> memref<512x32xf32, #tpu.memory_space<hbm>>
    %dma_wait3A_865 = arith.constant 0 : i32
    %dma_wait3A_866 = tpu.memref_slice %arg4[%mul3A_2, %dma_wait3A_858, %dma_wait3A_865] : memref<16384x24x128xf32, #tpu.memory_space<hbm>> -> memref<512x1x32xf32, #tpu.memory_space<hbm>>
    %dma_wait3A_867 = tpu.memref_squeeze %dma_wait3A_866 : memref<512x1x32xf32, #tpu.memory_space<hbm>> -> memref<512x32xf32, #tpu.memory_space<hbm>>
    %dma_wait3A_868 = arith.constant 0 : i32
    %dma_wait3A_869 = arith.constant 0 : i32
    %dma_wait3A_870 = tpu.memref_slice %arg6[%dma_wait3A_868, %dma_wait3A_869] : memref<1024x32xf32, #tpu.memory_space<vmem>> -> memref<512x32xf32, #tpu.memory_space<vmem>>
    tpu.wait_dma2 semaphore(%arg11 : memref<!tpu.dma_semaphore, #tpu.memory_space<semaphore_mem>>) src(%dma_wait3A_870 : memref<512x32xf32, #tpu.memory_space<vmem>>) dst(%dma_wait3A_867 : memref<512x32xf32, #tpu.memory_space<hbm>>)
    %dma_wait3A_871 = arith.constant 17 : i32
    %dma_wait3A_872 = arith.constant 512 : i32
    %dma_wait3A_873 = arith.constant 0 : i32
    %dma_wait3A_874 = tpu.memref_slice %arg6[%dma_wait3A_872, %dma_wait3A_873] : memref<1024x32xf32, #tpu.memory_space<vmem>> -> memref<512x32xf32, #tpu.memory_space<vmem>>
    %dma_wait3A_875 = arith.constant 0 : i32
    %dma_wait3A_876 = tpu.memref_slice %arg4[%mul3A_2, %dma_wait3A_871, %dma_wait3A_875] : memref<16384x24x128xf32, #tpu.memory_space<hbm>> -> memref<512x1x32xf32, #tpu.memory_space<hbm>>
    %dma_wait3A_877 = tpu.memref_squeeze %dma_wait3A_876 : memref<512x1x32xf32, #tpu.memory_space<hbm>> -> memref<512x32xf32, #tpu.memory_space<hbm>>
    %dma_wait3A_878 = arith.constant 0 : i32
    %dma_wait3A_879 = tpu.memref_slice %arg4[%mul3A_2, %dma_wait3A_871, %dma_wait3A_878] : memref<16384x24x128xf32, #tpu.memory_space<hbm>> -> memref<512x1x32xf32, #tpu.memory_space<hbm>>
    %dma_wait3A_880 = tpu.memref_squeeze %dma_wait3A_879 : memref<512x1x32xf32, #tpu.memory_space<hbm>> -> memref<512x32xf32, #tpu.memory_space<hbm>>
    %dma_wait3A_881 = arith.constant 512 : i32
    %dma_wait3A_882 = arith.constant 0 : i32
    %dma_wait3A_883 = tpu.memref_slice %arg6[%dma_wait3A_881, %dma_wait3A_882] : memref<1024x32xf32, #tpu.memory_space<vmem>> -> memref<512x32xf32, #tpu.memory_space<vmem>>
    tpu.wait_dma2 semaphore(%arg11 : memref<!tpu.dma_semaphore, #tpu.memory_space<semaphore_mem>>) src(%dma_wait3A_883 : memref<512x32xf32, #tpu.memory_space<vmem>>) dst(%dma_wait3A_880 : memref<512x32xf32, #tpu.memory_space<hbm>>)
    %dma_wait3A_884 = arith.constant 9216 : i32
    %dma_wait3A_885 = tpu.memref_slice %arg5[%dma_wait3A_884] : memref<10240xi32, #tpu.memory_space<vmem>> -> memref<1024xi32, #tpu.memory_space<vmem>>
    %dma_wait3A_886 = arith.constant 0 : i32
    %dma_wait3A_887 = arith.constant 0 : i32
    %dma_wait3A_888 = tpu.memref_slice %arg3[%dma_wait3A_886, %dma_wait3A_887] : memref<100000x32xf32, #tpu.memory_space<hbm>> -> memref<100000x32xf32, #tpu.memory_space<hbm>>
    tpu.wait_indirect_dma semaphore(%arg10 : memref<!tpu.dma_semaphore, #tpu.memory_space<semaphore_mem>>) src(%dma_wait3A_888 : memref<100000x32xf32, #tpu.memory_space<hbm>>) dst(%arg7 : memref<1024x32xf32, #tpu.memory_space<vmem>>)
    %dma_start3A_889 = arith.constant 18 : i32
    %dma_start3A_890 = arith.constant 0 : i32
    %dma_start3A_891 = arith.constant 0 : i32
    %dma_start3A_892 = tpu.memref_slice %arg7[%dma_start3A_890, %dma_start3A_891] : memref<1024x32xf32, #tpu.memory_space<vmem>> -> memref<512x32xf32, #tpu.memory_space<vmem>>
    %dma_start3A_893 = arith.constant 0 : i32
    %dma_start3A_894 = tpu.memref_slice %arg4[%mul3A_2, %dma_start3A_889, %dma_start3A_893] : memref<16384x24x128xf32, #tpu.memory_space<hbm>> -> memref<512x1x32xf32, #tpu.memory_space<hbm>>
    %dma_start3A_895 = tpu.memref_squeeze %dma_start3A_894 : memref<512x1x32xf32, #tpu.memory_space<hbm>> -> memref<512x32xf32, #tpu.memory_space<hbm>>
    %dma_start3A_896 = arith.constant 0 : i32
    %dma_start3A_897 = tpu.memref_slice %arg4[%mul3A_2, %dma_start3A_889, %dma_start3A_896] : memref<16384x24x128xf32, #tpu.memory_space<hbm>> -> memref<512x1x32xf32, #tpu.memory_space<hbm>>
    %dma_start3A_898 = tpu.memref_squeeze %dma_start3A_897 : memref<512x1x32xf32, #tpu.memory_space<hbm>> -> memref<512x32xf32, #tpu.memory_space<hbm>>
    %dma_start3A_899 = arith.constant 0 : i32
    %dma_start3A_900 = arith.constant 0 : i32
    %dma_start3A_901 = tpu.memref_slice %arg7[%dma_start3A_899, %dma_start3A_900] : memref<1024x32xf32, #tpu.memory_space<vmem>> -> memref<512x32xf32, #tpu.memory_space<vmem>>
    tpu.enqueue_dma source(%dma_start3A_901 : memref<512x32xf32, #tpu.memory_space<vmem>>) target(%dma_start3A_898 : memref<512x32xf32, #tpu.memory_space<hbm>>) target_semaphore(%arg12 : memref<!tpu.dma_semaphore, #tpu.memory_space<semaphore_mem>>)
    %dma_start3A_902 = arith.constant 19 : i32
    %dma_start3A_903 = arith.constant 512 : i32
    %dma_start3A_904 = arith.constant 0 : i32
    %dma_start3A_905 = tpu.memref_slice %arg7[%dma_start3A_903, %dma_start3A_904] : memref<1024x32xf32, #tpu.memory_space<vmem>> -> memref<512x32xf32, #tpu.memory_space<vmem>>
    %dma_start3A_906 = arith.constant 0 : i32
    %dma_start3A_907 = tpu.memref_slice %arg4[%mul3A_2, %dma_start3A_902, %dma_start3A_906] : memref<16384x24x128xf32, #tpu.memory_space<hbm>> -> memref<512x1x32xf32, #tpu.memory_space<hbm>>
    %dma_start3A_908 = tpu.memref_squeeze %dma_start3A_907 : memref<512x1x32xf32, #tpu.memory_space<hbm>> -> memref<512x32xf32, #tpu.memory_space<hbm>>
    %dma_start3A_909 = arith.constant 0 : i32
    %dma_start3A_910 = tpu.memref_slice %arg4[%mul3A_2, %dma_start3A_902, %dma_start3A_909] : memref<16384x24x128xf32, #tpu.memory_space<hbm>> -> memref<512x1x32xf32, #tpu.memory_space<hbm>>
    %dma_start3A_911 = tpu.memref_squeeze %dma_start3A_910 : memref<512x1x32xf32, #tpu.memory_space<hbm>> -> memref<512x32xf32, #tpu.memory_space<hbm>>
    %dma_start3A_912 = arith.constant 512 : i32
    %dma_start3A_913 = arith.constant 0 : i32
    %dma_start3A_914 = tpu.memref_slice %arg7[%dma_start3A_912, %dma_start3A_913] : memref<1024x32xf32, #tpu.memory_space<vmem>> -> memref<512x32xf32, #tpu.memory_space<vmem>>
    tpu.enqueue_dma source(%dma_start3A_914 : memref<512x32xf32, #tpu.memory_space<vmem>>) target(%dma_start3A_911 : memref<512x32xf32, #tpu.memory_space<hbm>>) target_semaphore(%arg12 : memref<!tpu.dma_semaphore, #tpu.memory_space<semaphore_mem>>)
    %dma_wait3A_915 = arith.constant 18 : i32
    %dma_wait3A_916 = arith.constant 0 : i32
    %dma_wait3A_917 = arith.constant 0 : i32
    %dma_wait3A_918 = tpu.memref_slice %arg7[%dma_wait3A_916, %dma_wait3A_917] : memref<1024x32xf32, #tpu.memory_space<vmem>> -> memref<512x32xf32, #tpu.memory_space<vmem>>
    %dma_wait3A_919 = arith.constant 0 : i32
    %dma_wait3A_920 = tpu.memref_slice %arg4[%mul3A_2, %dma_wait3A_915, %dma_wait3A_919] : memref<16384x24x128xf32, #tpu.memory_space<hbm>> -> memref<512x1x32xf32, #tpu.memory_space<hbm>>
    %dma_wait3A_921 = tpu.memref_squeeze %dma_wait3A_920 : memref<512x1x32xf32, #tpu.memory_space<hbm>> -> memref<512x32xf32, #tpu.memory_space<hbm>>
    %dma_wait3A_922 = arith.constant 0 : i32
    %dma_wait3A_923 = tpu.memref_slice %arg4[%mul3A_2, %dma_wait3A_915, %dma_wait3A_922] : memref<16384x24x128xf32, #tpu.memory_space<hbm>> -> memref<512x1x32xf32, #tpu.memory_space<hbm>>
    %dma_wait3A_924 = tpu.memref_squeeze %dma_wait3A_923 : memref<512x1x32xf32, #tpu.memory_space<hbm>> -> memref<512x32xf32, #tpu.memory_space<hbm>>
    %dma_wait3A_925 = arith.constant 0 : i32
    %dma_wait3A_926 = arith.constant 0 : i32
    %dma_wait3A_927 = tpu.memref_slice %arg7[%dma_wait3A_925, %dma_wait3A_926] : memref<1024x32xf32, #tpu.memory_space<vmem>> -> memref<512x32xf32, #tpu.memory_space<vmem>>
    tpu.wait_dma2 semaphore(%arg12 : memref<!tpu.dma_semaphore, #tpu.memory_space<semaphore_mem>>) src(%dma_wait3A_927 : memref<512x32xf32, #tpu.memory_space<vmem>>) dst(%dma_wait3A_924 : memref<512x32xf32, #tpu.memory_space<hbm>>)
    %dma_wait3A_928 = arith.constant 19 : i32
    %dma_wait3A_929 = arith.constant 512 : i32
    %dma_wait3A_930 = arith.constant 0 : i32
    %dma_wait3A_931 = tpu.memref_slice %arg7[%dma_wait3A_929, %dma_wait3A_930] : memref<1024x32xf32, #tpu.memory_space<vmem>> -> memref<512x32xf32, #tpu.memory_space<vmem>>
    %dma_wait3A_932 = arith.constant 0 : i32
    %dma_wait3A_933 = tpu.memref_slice %arg4[%mul3A_2, %dma_wait3A_928, %dma_wait3A_932] : memref<16384x24x128xf32, #tpu.memory_space<hbm>> -> memref<512x1x32xf32, #tpu.memory_space<hbm>>
    %dma_wait3A_934 = tpu.memref_squeeze %dma_wait3A_933 : memref<512x1x32xf32, #tpu.memory_space<hbm>> -> memref<512x32xf32, #tpu.memory_space<hbm>>
    %dma_wait3A_935 = arith.constant 0 : i32
    %dma_wait3A_936 = tpu.memref_slice %arg4[%mul3A_2, %dma_wait3A_928, %dma_wait3A_935] : memref<16384x24x128xf32, #tpu.memory_space<hbm>> -> memref<512x1x32xf32, #tpu.memory_space<hbm>>
    %dma_wait3A_937 = tpu.memref_squeeze %dma_wait3A_936 : memref<512x1x32xf32, #tpu.memory_space<hbm>> -> memref<512x32xf32, #tpu.memory_space<hbm>>
    %dma_wait3A_938 = arith.constant 512 : i32
    %dma_wait3A_939 = arith.constant 0 : i32
    %dma_wait3A_940 = tpu.memref_slice %arg7[%dma_wait3A_938, %dma_wait3A_939] : memref<1024x32xf32, #tpu.memory_space<vmem>> -> memref<512x32xf32, #tpu.memory_space<vmem>>
    tpu.wait_dma2 semaphore(%arg12 : memref<!tpu.dma_semaphore, #tpu.memory_space<semaphore_mem>>) src(%dma_wait3A_940 : memref<512x32xf32, #tpu.memory_space<vmem>>) dst(%dma_wait3A_937 : memref<512x32xf32, #tpu.memory_space<hbm>>)
    return
  }
}

</mosaic_0001>

<sc_bundles>
// kernel: kernel.3.cloned.1.call-start
scs
__scs_entry_jumppad:
0x0: {  	(pc) =	sbr.rel $0x88, $3  }
0x1: {  	(tag) =	ssettag $0x0;
	lr =	simm.s32 $0x1  }
0x2: {  	[smem:$0x3F9F] =	sst lr;
	_ =	strace $0xD0000000  }
0x3: {  	_ = 	snop  }
0x4: {  	_ = 	snop  }
0x5: {  	_ = 	snop  }
0x6: {  	_ = 	snop  }
0x7: {  	_ = 	snop  }
__scs_overlays_trampoline_lowered:
0x8: {  	[smem:$0x3FAE] =	sst s0  }
0x9: {  	[smem:$0x3FAF] =	sst s1  }
0xa: {  	[smem:$0x3FB0] =	sst s2  }
0xb: {  	[smem:$0x3FB1] =	sst s3  }
0xc: {  	[smem:$0x3FB2] =	sst s4  }
0xd: {  	[smem:$0x3FB3] =	sst s5  }
0xe: {  	[smem:$0x3FB4] =	sst s6  }
0xf: {  	[smem:$0x3FB5] =	sst s7  }
0x10: {  	[smem:$0x3FB6] =	sst s8  }
0x11: {  	[smem:$0x3FB7] =	sst s9;
	s0 =	simm.s32 @!p0 $0x0  }
0x12: {  	s1 =	sld [smem:$0x3F9D];
	s0 =	simm.s32 @p0 $0x1  }
0x13: {  	[smem:$0x3FB8] =	sst s0;
	s0 =	simm.s32 @!p1 $0x0  }
0x14: {  	s2 =	sld [smem:$0x3F9C];
	s0 =	simm.s32 @p1 $0x1  }
0x15: {  	[smem:$0x3FB9] =	sst s0;
	s0 =	simm.s32 @!p2 $0x0  }
0x16: {  	s3 =	sld [smem:$0x3FDB];
	s0 =	simm.s32 @p2 $0x1  }
0x17: {  	s4 =	simm.s32 $0x1BF5;
	[smem:$0x3FBB] =	sst s0  }
0x18: {  	s0 =	sld [smem:$0x3F9E];
	_ =	swait.ge [sflag:s4], $0x0  }
0x19: {  	s7 =	sld [smem:$0x3F9F]  }
0x1a: {  	s8 =	sadd.s32 $0xFFFFE003, lr  }
0x1b: {  	s9 =	sadd.s32 $0xFFFFFEF7, lr;
	s5 =	simm.s32 $0xFFFFFFFF;
	p2 =	slt.u32 s8, $0xFFFFF086  }
0x1c: {  	p1 =	slt.u32 s9, $0xF7A;
	s5 =	simm.s32 @!p2 $0x0  }
0x1d: {  	s5 =	simm.s32 @p1 $0x1;
	p0 =	seq.s32 s7, s2  }
0x1e: {  	s7 =	smul.u32 @!p0 $0xF7A, s2;
	p2 =	seq.s32 @!p0 s5, $0x0  }
0x1f: {  	s9 =	smul.u32 $0xF7A, s1;
	s8 =	simm.s32 @!p0 $0x1BF5;
	p2 =	por !p2, p0  }
0x20: {  	[sflag:s8] =	ssyncset.s32 @!p0 $0xFFFFF086;
	s6 =	sadd.s32 @!p0 s3, s7;
	s7 =	simm.s32 @!p0 $0x108  }
0x21: {  	s3 =	sadd.s32 s3, s9;
	s6 =	sadd.s32 @!p0 $0x88, s6;
	s7 =	simm.s32 @p2 $0x1082  }
0x22: {  	[simem:s7], [sflag:s8] =	dma.local @!p0 [hbm:s6], $0xF7A  }
0x23: {  	s9 =	sor.u32 $0xD0000000, s2;
	s6 =	simm.s32 $0x108;
	_ =	swait.ge @!p0 [sflag:s8], $0x0  }
0x24: {  	s3 =	sadd.s32 $0x88, s3;
	s6 =	simm.s32 @!p1 $0x1082;
	[sflag:s4] =	ssyncset.s32 $0xFFFFF086  }
0x25: {  	[simem:s6], [sflag:s4] =	dma.local [hbm:s3], $0xF7A  }
0x26: {  	[smem:$0x3F9F] =	sst s1;
	(tag) =	ssettag s2;
	_ =	strace s9  }
0x27: {  	s1 =	sld [smem:$0x3FAF]  }
0x28: {  	s2 =	sld [smem:$0x3FB0]  }
0x29: {  	s4 =	sld [smem:$0x3FB2]  }
0x2a: {  	p0 =	seq.s32 s5, $0x0;
	s5 =	sld [smem:$0x3FB3]  }
0x2b: {  	s6 =	sld [smem:$0x3FB4]  }
0x2c: {  	s7 =	sld [smem:$0x3FB5]  }
0x2d: {  	s3 =	simm.s32 $0x108;
	s8 =	sld [smem:$0x3FB6]  }
0x2e: {  	s3 =	simm.s32 @!p0 $0x1082;
	s9 =	sld [smem:$0x3FB7]  }
0x2f: {  	lr =	sadd.s32 s0, s3;
	s0 =	sld [smem:$0x3FAE]  }
0x30: {  	s3 =	sld [smem:$0x3FB1]  }
0x31: {  	[smem:$0x3FBA] =	sst s10  }
0x32: {  	s10 =	sld [smem:$0x3FB8];
	_ =	sdelay $0x3  }
0x33: {  	p0 =	seq.s32 s10, $0x1;
	s10 =	sld [smem:$0x3FBA];
	_ =	sdelay $0x3  }
0x34: {  	[smem:$0x3FBA] =	sst s10  }
0x35: {  	s10 =	sld [smem:$0x3FB9];
	_ =	sdelay $0x3  }
0x36: {  	p1 =	seq.s32 s10, $0x1;
	s10 =	sld [smem:$0x3FBA];
	_ =	sdelay $0x3  }
0x37: {  	[smem:$0x3FBA] =	sst s10  }
0x38: {  	s10 =	sld [smem:$0x3FBB]  }
0x39: {  	_ = 	snop;
	(pc) =	sbr.ind lr, $3  }
0x3a: {  	_ = 	snop  }
0x3b: {  	_ = 	snop  }
0x3c: {  	p2 =	seq.s32 s10, $0x1;
	s10 =	sld [smem:$0x3FBA]  }
0x3d: {  	_ =	shalt  }
0x3e: {  	_ =	shalt  }
0x3f: {  	_ =	shalt  }
0x40: {  	_ =	shalt  }
0x41: {  	_ =	shalt  }
0x42: {  	_ =	shalt  }
0x43: {  	_ =	shalt  }
0x44: {  	_ =	shalt  }
0x45: {  	_ =	shalt  }
0x46: {  	_ =	shalt  }
0x47: {  	_ =	shalt  }
0x48: {  	_ =	shalt  }
0x49: {  	_ =	shalt  }
0x4a: {  	_ =	shalt  }
0x4b: {  	_ =	shalt  }
0x4c: {  	_ =	shalt  }
0x4d: {  	_ =	shalt  }
0x4e: {  	_ =	shalt  }
0x4f: {  	_ =	shalt  }
0x50: {  	_ =	shalt  }
0x51: {  	_ =	shalt  }
0x52: {  	_ =	shalt  }
0x53: {  	_ =	shalt  }
0x54: {  	_ =	shalt  }
0x55: {  	_ =	shalt  }
0x56: {  	_ =	shalt  }
0x57: {  	_ =	shalt  }
0x58: {  	_ =	shalt  }
0x59: {  	_ =	shalt  }
0x5a: {  	_ =	shalt  }
0x5b: {  	_ =	shalt  }
0x5c: {  	_ =	shalt  }
0x5d: {  	_ =	shalt  }
0x5e: {  	_ =	shalt  }
0x5f: {  	_ =	shalt  }
0x60: {  	_ =	shalt  }
0x61: {  	_ =	shalt  }
0x62: {  	_ =	shalt  }
0x63: {  	_ =	shalt  }
0x64: {  	_ =	shalt  }
0x65: {  	_ =	shalt  }
0x66: {  	_ =	shalt  }
0x67: {  	_ =	shalt  }
0x68: {  	_ =	shalt  }
0x69: {  	_ =	shalt  }
0x6a: {  	_ =	shalt  }
0x6b: {  	_ =	shalt  }
0x6c: {  	_ =	shalt  }
0x6d: {  	_ =	shalt  }
0x6e: {  	_ =	shalt  }
0x6f: {  	_ =	shalt  }
0x70: {  	_ =	shalt  }
0x71: {  	_ =	shalt  }
0x72: {  	_ =	shalt  }
0x73: {  	_ =	shalt  }
0x74: {  	_ =	shalt  }
0x75: {  	_ =	shalt  }
0x76: {  	_ =	shalt  }
0x77: {  	_ =	shalt  }
0x78: {  	_ =	shalt  }
0x79: {  	_ =	shalt  }
0x7a: {  	_ =	shalt  }
0x7b: {  	_ =	shalt  }
0x7c: {  	_ =	shalt  }
0x7d: {  	_ =	shalt  }
0x7e: {  	_ =	shalt  }
0x7f: {  	_ =	shalt  }
0x80: {  	_ =	shalt  }
0x81: {  	_ =	shalt  }
0x82: {  	_ =	shalt  }
0x83: {  	_ =	shalt  }
0x84: {  	_ =	shalt  }
0x85: {  	_ =	shalt  }
0x86: {  	_ =	shalt  }
0x87: {  	_ =	shalt  }
.Lfunc_end0:
.L_simem_size_0:
called_computation.1_lowered:
.L_overlay_start_0:
0x88: {  	s2 =	sld [smem:$0x3FD9]  }
0x89: {  	s3 =	sld [smem:$0x3FFE];
	_ =	sdelay $0x1  }
0x8a: {  	s1 =	srdreg.scid  }
0x8b: {  	s0 =	sand.u32 $0x1, s1  }
0x8c: {  	s17 =	sshll.u32 s0, $0xA;
	s2 =	sadd.s32 s3, s2  }
0x8d: {  	s2 =	sadd.s32 s2, s17  }
0x8e: {  	[smem:$0x3FC6] =	sst s2  }
0x8f: {  	_ = 	snop  }
0x90: {  	s2 =	sld [smem:$0x3FD0];
	(tm) =	ssettm $0x1  }
0x91: {  	s18 =	sld [smem:$0x3FFB];
	_ =	sdelay $0x3  }
0x92: {  	_ =	strace s18  }
0x93: {  	s3 =	sld [smem:$0x3FFC];
	_ =	sdelay $0x3  }
0x94: {  	_ =	strace s3  }
0x95: {  	s3 =	sld [smem:$0x3FFD];
	_ =	sdelay $0x3  }
0x96: {  	_ =	strace s3  }
0x97: {  	_ =	strace $0x8FFFFFFF  }
0x98: {  	s19 =	sld [smem:$0x3FDB];
	_ =	sdelay $0x1  }
0x99: {  	s4 =	simm.s32 $_scs_section_size  }
0x9a: {  	s5 =	simm.s32 $_size__tile_overlayer_lowered;
	s6 =	simm.s32 $_tile_overlayer_lowered  }
0x9b: {  	s22 =	simm.s32 $0x1BFF;
	s21 =	sshll.u32 s6, $0x1;
	s3 =	sadd.s32 s4, s19  }
0x9c: {  	s7 =	simm.s32 $0x0;
	s20 =	sshll.u32 s5, $0x1;
	s5 =	sadd.s32 s21, s3  }
0x9d: {  	[timem:s7], [sflag:s22] =	dma.local [hbm:s5], s20  }
0x9e: {  	_ =	swait.ge [sflag:s22], s20  }
0x9f: {  	s4 =	ssub.s32 $0x0, s20;
	[sflag:s22] =	ssyncset.done $0x0  }
0xa0: {  	[sflag:s22] =	ssyncadd.s32 s4;
	_ =	sdelay $0x1  }
0xa1: {  	s23 =	simm.s32 $0x1B8B  }
0xa2: {  	_ =	swait.ge [sflag:s23], $0x1  }
0xa3: {  	[sflag:s23] =	ssyncset.done $0x0  }
0xa4: {  	s25 =	simm.s32 $0x1B8E;
	s24 =	sld [smem:$0x3FFE];
	[sflag:s23] =	ssyncadd.s32 $0xFFFFFFFF  }
0xa5: {  	s26 =	simm.s32 $execute0_lowered;
	[smem:$0x3FD2] =	sst s25  }
0xa6: {  	s5 =	sshll.u32 s26, $0x1;
	_ =	strace $0x80000046;
	[dreg:$0x1] =	wrdreg $0xFFFFFFFF  }
0xa7: {  	s28 =	simm.s32 $_size_execute0_lowered;
	s3 =	sadd.s32 s3, s5;
	[dreg:$0x0] =	wrdreg $0x0  }
0xa8: {  	s5 =	sshll.u32 s28, $0x1;
	[dreg:$0x2] =	wrdreg s3  }
0xa9: {  	[dreg:$0x3] =	wrdreg s5  }
0xaa: {  	[dreg:$0x4] =	wrdreg $0xC0  }
0xab: {  	_ =	task [dreg:s7], $0x5FFFF  }
0xac: {  	[dreg:$0x1] =	wrdreg $0xFFFFFFFF  }
0xad: {  	[dreg:$0x0] =	wrdreg $0x60  }
0xae: {  	[dreg:$0x2] =	wrdreg s24  }
0xaf: {  	[dreg:$0x3] =	wrdreg s2  }
0xb0: {  	[dreg:$0x4] =	wrdreg $0x9  }
0xb1: {  	_ =	task.clear_ibuf [dreg:s7], $0x5FFFF;
	_ =	strace $0x90000046  }
0xb2: {  	s29 =	simm.s32 $0x9;
	_ =	strace $0x80000048  }
0xb3: {  	_ =	swait.ge [sflag:s29], $0x1  }
0xb4: {  	[sflag:s29] =	ssyncadd.s32 $0xFFFFFFFF  }
0xb5: {  	_ =	strace $0x90000048  }
0xb6: {  	_ =	sfence  }
0xb7: {  	s30 =	sld [smem:$0x0];
	_ =	sdelay $0x2  }
0xb8: {  	s31 =	sshll.u32 s1, $0xD;
	s1 =	sshrl.u32 s1, $0x2  }
0xb9: {  	s3 =	sand.u32 $0x4000, s31;
	s1 =	sadd.s32 s1, s30  }
0xba: {  	s0 =	sor.u32 s3, s0;
	s1 =	sshll.u32 s1, $0x11  }
0xbb: {  	s0 =	sor.u32 s1, s0  }
0xbc: {  	s0 =	sadd.s32 $0x8F2B, s0  }
0xbd: {  	[sflag:s0] =	ssyncadd.remote.s32 $0x1  }
0xbe: {  	_ =	sfence.sel $0xFFFF  }
0xbf: {  	[dreg:$0x0] =	wrdreg $0xFFFFFFFF;
	(pc) =	sbr.abs _section_cstart, $3  }
0xc0: {  	[dreg:$0x1] =	wrdreg $0xFFFFFFFF  }
0xc1: {  	_ =	task.clear_ibuf [dreg:s7], $0x2FFFF;
	_ =	strace $0x9FFFFFFF  }
0xc2: {  	(tm) =	ssettm $0x7FFFFFFF  }
0xc3: {  	_ =	shalt  }
tec
execute0_lowered:
.L_overlay_start_1:
0x0: {  	(tag) =	ssettag $0x1  }
0x1: {  	s0 =	srdreg.scid  }
0x2: {  	s2 =	stileid.u32;
	s1 =	sand.u32 $0x1, s0  }
0x3: {  	s3 =	sshll.u32 s2, $0xA;
	s4 =	sshll.u32 s1, $0x9  }
0x4: {  	s3 =	sor.u32 s4, s3  }
0x5: {  	s12 =	rddreg [dreg:$0x0];
	s4 =	sshrl.u32 s3, $0x3  }
0x6: {  	s14 =	simm.s32 $0x0;
	s2 =	rddreg [dreg:$0x1];
	s4 =	sadd.s32 s4, s12  }
0x7: {  	[smem:$0x7FF] =	sst s14;
	s5 =	sadd.s32 $0x800, s4  }
0x8: {  	_ =	strace $0x80000047;
	s13 =	sadd.s32 $0x1000, s4;
	[dreg:$0x3] =	wrdreg s5  }
0x9: {  	s15 =	sadd.s32 $0x1800, s4;
	[dreg:$0x4] =	wrdreg s13  }
0xa: {  	s16 =	sadd.s32 $0x2000, s4;
	[dreg:$0x5] =	wrdreg s15  }
0xb: {  	s17 =	sadd.s32 $0x2800, s4;
	[dreg:$0x6] =	wrdreg s16  }
0xc: {  	s18 =	sadd.s32 $0x3000, s4;
	[dreg:$0x7] =	wrdreg s17  }
0xd: {  	s19 =	sadd.s32 $0x3800, s4;
	[dreg:$0x8] =	wrdreg s18  }
0xe: {  	s20 =	sadd.s32 $0x4000, s4;
	[dreg:$0x9] =	wrdreg s19  }
0xf: {  	s21 =	sadd.s32 $0x4800, s4;
	[dreg:$0xa] =	wrdreg s20  }
0x10: {  	s22 =	sadd.s32 $0x5000, s4;
	[dreg:$0xb] =	wrdreg s21  }
0x11: {  	s23 =	sadd.s32 $0x5800, s4;
	[dreg:$0xc] =	wrdreg s22  }
0x12: {  	s24 =	sadd.s32 $0x6000, s4;
	[dreg:$0xd] =	wrdreg s23  }
0x13: {  	s25 =	sadd.s32 $0x6800, s4;
	[dreg:$0xe] =	wrdreg s24  }
0x14: {  	s26 =	sadd.s32 $0x7000, s4;
	[dreg:$0xf] =	wrdreg s25  }
0x15: {  	s28 =	sadd.s32 $0x7800, s4;
	[dreg:$0x10] =	wrdreg s26  }
0x16: {  	s29 =	sadd.s32 $0x8000, s4;
	[dreg:$0x11] =	wrdreg s28  }
0x17: {  	s30 =	sadd.s32 $0x8800, s4;
	[dreg:$0x12] =	wrdreg s29  }
0x18: {  	s3 =	smul.u32 $0x180, s3;
	s31 =	sadd.s32 $0x9000, s4;
	[dreg:$0x13] =	wrdreg s30  }
0x19: {  	s6 =	sadd.s32 $0x9800, s4;
	[dreg:$0x14] =	wrdreg s31  }
0x1a: {  	s0 =	sadd.s32 s3, s12;
	s7 =	sadd.s32 $0xA000, s4;
	[dreg:$0x15] =	wrdreg s6  }
0x1b: {  	[dreg:$0x16] =	wrdreg s7;
	s8 =	sadd.s32 $0xA800, s0  }
0x1c: {  	s9 =	sadd.s32 $0xA810, s0;
	[dreg:$0x17] =	wrdreg s8  }
0x1d: {  	s10 =	sadd.s32 $0xA820, s0;
	[dreg:$0x18] =	wrdreg s9  }
0x1e: {  	s11 =	sadd.s32 $0xA830, s0;
	[dreg:$0x19] =	wrdreg s10  }
0x1f: {  	s12 =	sadd.s32 $0xA840, s0;
	[dreg:$0x1a] =	wrdreg s11  }
0x20: {  	s13 =	sadd.s32 $0xA850, s0;
	[dreg:$0x1b] =	wrdreg s12  }
0x21: {  	s15 =	sadd.s32 $0xA860, s0;
	[dreg:$0x1c] =	wrdreg s13  }
0x22: {  	s16 =	sadd.s32 $0xA870, s0;
	[dreg:$0x1d] =	wrdreg s15  }
0x23: {  	s17 =	sadd.s32 $0xA880, s0;
	[dreg:$0x1e] =	wrdreg s16  }
0x24: {  	s18 =	sadd.s32 $0xA890, s0;
	[dreg:$0x1f] =	wrdreg s17  }
0x25: {  	s19 =	sadd.s32 $0xA8A0, s0;
	[smem:$0x7F1] =	sst s18  }
0x26: {  	s20 =	sadd.s32 $0xA8B0, s0;
	[smem:$0x7F2] =	sst s19  }
0x27: {  	s21 =	sadd.s32 $0xA8C0, s0;
	[smem:$0x7F3] =	sst s20  }
0x28: {  	s22 =	sadd.s32 $0xA8D0, s0;
	[smem:$0x7F4] =	sst s21  }
0x29: {  	p0 =	por $0x0, $0x0;
	s23 =	sadd.s32 $0xA8E0, s0;
	[smem:$0x7F5] =	sst s22  }
0x2a: {  	s1 =	ssub.s32 $0x2, s1;
	s24 =	sadd.s32 $0xA8F0, s0;
	[smem:$0x7F6] =	sst s23  }
0x2b: {  	s4 =	simm.s32 $0x400;
	s25 =	sadd.s32 $0xA900, s0;
	[smem:$0x7F7] =	sst s24  }
0x2c: {  	s3 =	simm.s32 $0xC00;
	s26 =	sadd.s32 $0xA910, s0;
	[smem:$0x7F8] =	sst s25  }
0x2d: {  	s28 =	sadd.s32 $0xA920, s0;
	s0 =	sadd.s32 $0xA930, s0;
	[smem:$0x7F9] =	sst s26  }
0x2e: {  	s29 =	sshrl.u32 s1, $0x1;
	s30 =	simm.s32 $0x200;
	[smem:$0x7FA] =	sst s28  }
0x2f: {  	s31 =	simm.s32 $0x600;
	s5 =	simm.s32 $0xA800;
	[smem:$0x7FB] =	sst s0  }
0x30: {  	s7 =	simm.s32 $0x20;
	s1 =	ssub.s32 s1, s29;
	[smem:$0x7FC] =	sst s30  }
0x31: {  	s6 =	simm.s32 $0x5;
	[smem:$0x7FD] =	sst s31;
	s1 =	smax.u32 s1, $0x1  }
0x32: {  	s21 =	simm.s32 $0x800;
	s20 =	simm.s32 $0x1000;
	p1 =	sne.s32 s1, $0x1  }
.Ltmp0:
0x33: {  	s19 =	simm.s32 $0x1400;
	s18 =	simm.s32 $0x1800;
	(pc) =	sbr.rel @!p1 .LBB2_1-.Ltmp0, $4  }
0x34: {  	s17 =	simm.s32 $0x1C00;
	s16 =	simm.s32 $0x2000;
	s12 =	simm.s32 $0x2400  }
0x35: {  	s22 =	simm.s32 $0x1;
	s10 =	simm.s32 $0x2800;
	s13 =	simm.s32 $0x2  }
0x36: {  	s15 =	simm.s32 $0x6800;
	s11 =	simm.s32 $0x4;
	s9 =	simm.s32 $0x3  }
0x37: {  	s8 =	simm.s32 $0xE800;
	s0 =	sld [smem:$0x7FD];
	s1 =	sadd.s32 $0xFFFFFFFF, s1  }
0x38: {  	[smem:$0x7F0] =	sst s1  }
0x39: {  	s1 =	rddreg [dreg:$0x3]  }
0x3a: {  	s23 =	sld [smem:$0x7FC]  }
0x3b: {  	s25 =	rddreg [dreg:$0x4]  }
0x3c: {  	[smem:$0x7EF] =	sst s25  }
0x3d: {  	s25 =	sld [smem:$0x7EF]  }
0x3e: {  	[smem:$0x7EE] =	sst s23  }
0x3f: {  	s23 =	sld [smem:$0x7EE]  }
0x40: {  	[tilespmem:s14], [sflag:$0x1] =	stream.linear.gather [hbm4b:s1+s14], $0x200, $0x38;
	[tilespmem:$0x12800] =	vst v63  }
0x41: {  	_ = 	snop  }
0x42: {  	[tilespmem:s23], [sflag:$0x1] =	stream.linear.gather [hbm4b:s25+s14], $0x200, $0x38;
	[tilespmem:$0x12800] =	vst v63  }
0x43: {  	s1 =	rddreg [dreg:$0x5]  }
0x44: {  	[tilespmem:s4], [sflag:$0x1] =	stream.linear.gather [hbm4b:s1+s14], $0x200, $0x38;
	[tilespmem:$0x12800] =	vst v63  }
0x45: {  	s25 =	rddreg [dreg:$0x6]  }
0x46: {  	[tilespmem:s0], [sflag:$0x1] =	stream.linear.gather [hbm4b:s25+s14], $0x200, $0x38;
	[tilespmem:$0x12800] =	vst v63  }
0x47: {  	s1 =	rddreg [dreg:$0x7]  }
0x48: {  	[tilespmem:s21], [sflag:$0x1] =	stream.linear.gather [hbm4b:s1+s14], $0x200, $0x38;
	[tilespmem:$0x12800] =	vst v63  }
0x49: {  	s24 =	simm.s32 $0xA00;
	s25 =	rddreg [dreg:$0x8]  }
0x4a: {  	[tilespmem:s24], [sflag:$0x1] =	stream.linear.gather [hbm4b:s25+s14], $0x200, $0x38;
	[tilespmem:$0x12800] =	vst v63  }
0x4b: {  	s23 =	rddreg [dreg:$0x9]  }
0x4c: {  	[tilespmem:s3], [sflag:$0x1] =	stream.linear.gather [hbm4b:s23+s14], $0x200, $0x38;
	[tilespmem:$0x12800] =	vst v63  }
0x4d: {  	s31 =	simm.s32 $0xE00;
	s24 =	rddreg [dreg:$0xa]  }
0x4e: {  	[tilespmem:s31], [sflag:$0x1] =	stream.linear.gather [hbm4b:s24+s14], $0x200, $0x38;
	[tilespmem:$0x12800] =	vst v63  }
0x4f: {  	s25 =	rddreg [dreg:$0xb]  }
0x50: {  	[tilespmem:s20], [sflag:$0x1] =	stream.linear.gather [hbm4b:s25+s14], $0x200, $0x38;
	[tilespmem:$0x12800] =	vst v63  }
0x51: {  	s30 =	simm.s32 $0x1200;
	s23 =	rddreg [dreg:$0xc]  }
0x52: {  	[tilespmem:s30], [sflag:$0x1] =	stream.linear.gather [hbm4b:s23+s14], $0x200, $0x38;
	[tilespmem:$0x12800] =	vst v63  }
0x53: {  	s24 =	rddreg [dreg:$0xd]  }
0x54: {  	[tilespmem:s19], [sflag:$0x1] =	stream.linear.gather [hbm4b:s24+s14], $0x200, $0x38;
	[tilespmem:$0x12800] =	vst v63  }
0x55: {  	s29 =	simm.s32 $0x1600;
	s25 =	rddreg [dreg:$0xe]  }
0x56: {  	[tilespmem:s29], [sflag:$0x1] =	stream.linear.gather [hbm4b:s25+s14], $0x200, $0x38;
	[tilespmem:$0x12800] =	vst v63  }
0x57: {  	s23 =	rddreg [dreg:$0xf]  }
0x58: {  	[tilespmem:s18], [sflag:$0x1] =	stream.linear.gather [hbm4b:s23+s14], $0x200, $0x38;
	[tilespmem:$0x12800] =	vst v63  }
0x59: {  	s28 =	simm.s32 $0x1A00;
	s24 =	rddreg [dreg:$0x10]  }
0x5a: {  	[tilespmem:s28], [sflag:$0x1] =	stream.linear.gather [hbm4b:s24+s14], $0x200, $0x38;
	[tilespmem:$0x12800] =	vst v63  }
0x5b: {  	s25 =	rddreg [dreg:$0x11]  }
0x5c: {  	[tilespmem:s17], [sflag:$0x1] =	stream.linear.gather [hbm4b:s25+s14], $0x200, $0x38;
	[tilespmem:$0x12800] =	vst v63  }
0x5d: {  	s26 =	simm.s32 $0x1E00;
	s23 =	rddreg [dreg:$0x12]  }
0x5e: {  	[tilespmem:s26], [sflag:$0x1] =	stream.linear.gather [hbm4b:s23+s14], $0x200, $0x38;
	[tilespmem:$0x12800] =	vst v63  }
0x5f: {  	s24 =	rddreg [dreg:$0x13]  }
0x60: {  	[tilespmem:s16], [sflag:$0x1] =	stream.linear.gather [hbm4b:s24+s14], $0x200, $0x38;
	[tilespmem:$0x12800] =	vst v63  }
0x61: {  	s25 =	rddreg [dreg:$0x14];
	s24 =	simm.s32 $0x2200  }
0x62: {  	[tilespmem:s24], [sflag:$0x1] =	stream.linear.gather [hbm4b:s25+s14], $0x200, $0x38;
	[tilespmem:$0x12800] =	vst v63  }
0x63: {  	s26 =	rddreg [dreg:$0x15]  }
0x64: {  	[tilespmem:s12], [sflag:$0x1] =	stream.linear.gather [hbm4b:s26+s14], $0x200, $0x38;
	[tilespmem:$0x12800] =	vst v63  }
0x65: {  	s25 =	rddreg [dreg:$0x16];
	s26 =	simm.s32 $0x2600  }
0x66: {  	[tilespmem:s26], [sflag:$0x1] =	stream.linear.gather [hbm4b:s25+s14], $0x200, $0x38;
	[tilespmem:$0x12800] =	vst v63  }
0x67: {  	_ =	swait.ge [sflag:s22], $0x200  }
0x68: {  	[sflag:s22] =	ssyncset.done $0x0  }
0x69: {  	[sflag:s22] =	ssyncadd.s32 $0xFFFFFE00  }
0x6a: {  	_ =	swait.ge [sflag:s22], $0x200  }
0x6b: {  	[sflag:s22] =	ssyncset.done $0x0  }
0x6c: {  	[sflag:s22] =	ssyncadd.s32 $0xFFFFFE00  }
0x6d: {  	_ =	swait.ge [sflag:s22], $0x200  }
0x6e: {  	[sflag:s22] =	ssyncset.done $0x0  }
0x6f: {  	[sflag:s22] =	ssyncadd.s32 $0xFFFFFE00  }
0x70: {  	_ =	swait.ge [sflag:s22], $0x200  }
0x71: {  	[sflag:s22] =	ssyncset.done $0x0  }
0x72: {  	[sflag:s22] =	ssyncadd.s32 $0xFFFFFE00  }
0x73: {  	_ =	swait.ge [sflag:s22], $0x200  }
0x74: {  	[sflag:s22] =	ssyncset.done $0x0  }
0x75: {  	[sflag:s22] =	ssyncadd.s32 $0xFFFFFE00  }
0x76: {  	_ =	swait.ge [sflag:s22], $0x200  }
0x77: {  	[sflag:s22] =	ssyncset.done $0x0  }
0x78: {  	[sflag:s22] =	ssyncadd.s32 $0xFFFFFE00  }
0x79: {  	_ =	swait.ge [sflag:s22], $0x200  }
0x7a: {  	[sflag:s22] =	ssyncset.done $0x0  }
0x7b: {  	[sflag:s22] =	ssyncadd.s32 $0xFFFFFE00  }
0x7c: {  	_ =	swait.ge [sflag:s22], $0x200  }
0x7d: {  	[sflag:s22] =	ssyncset.done $0x0  }
0x7e: {  	[sflag:s22] =	ssyncadd.s32 $0xFFFFFE00  }
0x7f: {  	_ =	swait.ge [sflag:s22], $0x200  }
0x80: {  	[sflag:s22] =	ssyncset.done $0x0  }
0x81: {  	[sflag:s22] =	ssyncadd.s32 $0xFFFFFE00  }
0x82: {  	_ =	swait.ge [sflag:s22], $0x200  }
0x83: {  	[sflag:s22] =	ssyncset.done $0x0  }
0x84: {  	[sflag:s22] =	ssyncadd.s32 $0xFFFFFE00  }
0x85: {  	_ =	swait.ge [sflag:s22], $0x200  }
0x86: {  	[sflag:s22] =	ssyncset.done $0x0  }
0x87: {  	[sflag:s22] =	ssyncadd.s32 $0xFFFFFE00  }
0x88: {  	_ =	swait.ge [sflag:s22], $0x200  }
0x89: {  	[sflag:s22] =	ssyncset.done $0x0  }
0x8a: {  	[sflag:s22] =	ssyncadd.s32 $0xFFFFFE00  }
0x8b: {  	_ =	swait.ge [sflag:s22], $0x200  }
0x8c: {  	[sflag:s22] =	ssyncset.done $0x0  }
0x8d: {  	[sflag:s22] =	ssyncadd.s32 $0xFFFFFE00  }
0x8e: {  	_ =	swait.ge [sflag:s22], $0x200  }
0x8f: {  	[sflag:s22] =	ssyncset.done $0x0  }
0x90: {  	[sflag:s22] =	ssyncadd.s32 $0xFFFFFE00  }
0x91: {  	_ =	swait.ge [sflag:s22], $0x200  }
0x92: {  	[sflag:s22] =	ssyncset.done $0x0  }
0x93: {  	[sflag:s22] =	ssyncadd.s32 $0xFFFFFE00  }
0x94: {  	_ =	swait.ge [sflag:s22], $0x200  }
0x95: {  	[sflag:s22] =	ssyncset.done $0x0  }
0x96: {  	[sflag:s22] =	ssyncadd.s32 $0xFFFFFE00  }
0x97: {  	_ =	swait.ge [sflag:s22], $0x200  }
0x98: {  	[sflag:s22] =	ssyncset.done $0x0  }
0x99: {  	[sflag:s22] =	ssyncadd.s32 $0xFFFFFE00  }
0x9a: {  	_ =	swait.ge [sflag:s22], $0x200  }
0x9b: {  	[sflag:s22] =	ssyncset.done $0x0  }
0x9c: {  	[sflag:s22] =	ssyncadd.s32 $0xFFFFFE00  }
0x9d: {  	_ =	swait.ge [sflag:s22], $0x200  }
0x9e: {  	[sflag:s22] =	ssyncset.done $0x0  }
0x9f: {  	[sflag:s22] =	ssyncadd.s32 $0xFFFFFE00  }
0xa0: {  	_ =	swait.ge [sflag:s22], $0x200  }
0xa1: {  	[sflag:s22] =	ssyncset.done $0x0  }
0xa2: {  	[sflag:s22] =	ssyncadd.s32 $0xFFFFFE00  }
0xa3: {  	[tilespmem:s10], [sflag:$0x2] =	stream.indirect.gather [hbm4b:s2+s4], $0x20, s14, s4, $0xb8;
	[tilespmem:$0x12800] =	vst v63  }
0xa4: {  	_ = 	snop  }
0xa5: {  	[tilespmem:s5], [sflag:$0x3] =	stream.indirect.gather [hbm4b:s2+s4], $0x20, s4, s4, $0xb8;
	[tilespmem:$0x12800] =	vst v63  }
0xa6: {  	_ =	swait.ge [sflag:s13], $0x8000  }
0xa7: {  	[sflag:s13] =	ssyncset.done $0x0  }
0xa8: {  	s23 =	rddreg [dreg:$0x17];
	[sflag:s13] =	ssyncadd.s32 $0xFFFF8000  }
0xa9: {  	[hbm4b:s23+s7] =	stream.strided.scatter [tilespmem:s10], [sflag:$0x4], $0x4000, s3, s7, $0x38;
	[tilespmem:$0x12800] =	vst v63  }
0xaa: {  	s24 =	rddreg [dreg:$0x18]  }
0xab: {  	[hbm4b:s24+s7] =	stream.strided.scatter [tilespmem:s15], [sflag:$0x4], $0x4000, s3, s7, $0x38;
	[tilespmem:$0x12800] =	vst v63  }
0xac: {  	_ =	swait.ge [sflag:s11], $0x4000  }
0xad: {  	[sflag:s11] =	ssyncset.done $0x0  }
0xae: {  	[sflag:s11] =	ssyncadd.s32 $0xFFFFC000  }
0xaf: {  	_ =	swait.ge [sflag:s11], $0x4000  }
0xb0: {  	[sflag:s11] =	ssyncset.done $0x0  }
0xb1: {  	[sflag:s11] =	ssyncadd.s32 $0xFFFFC000  }
0xb2: {  	[tilespmem:s10], [sflag:$0x2] =	stream.indirect.gather [hbm4b:s2+s4], $0x20, s21, s4, $0xb8;
	[tilespmem:$0x12800] =	vst v63  }
0xb3: {  	_ =	swait.ge [sflag:s9], $0x8000  }
0xb4: {  	[sflag:s9] =	ssyncset.done $0x0  }
0xb5: {  	s25 =	rddreg [dreg:$0x19];
	[sflag:s9] =	ssyncadd.s32 $0xFFFF8000  }
0xb6: {  	[hbm4b:s25+s7] =	stream.strided.scatter [tilespmem:s5], [sflag:$0x5], $0x4000, s3, s7, $0x38;
	[tilespmem:$0x12800] =	vst v63  }
0xb7: {  	s26 =	rddreg [dreg:$0x1a]  }
0xb8: {  	[hbm4b:s26+s7] =	stream.strided.scatter [tilespmem:s8], [sflag:$0x5], $0x4000, s3, s7, $0x38;
	[tilespmem:$0x12800] =	vst v63  }
0xb9: {  	_ =	swait.ge [sflag:s6], $0x4000  }
0xba: {  	[sflag:s6] =	ssyncset.done $0x0  }
0xbb: {  	[sflag:s6] =	ssyncadd.s32 $0xFFFFC000  }
0xbc: {  	_ =	swait.ge [sflag:s6], $0x4000  }
0xbd: {  	[sflag:s6] =	ssyncset.done $0x0  }
0xbe: {  	[sflag:s6] =	ssyncadd.s32 $0xFFFFC000  }
0xbf: {  	[tilespmem:s5], [sflag:$0x3] =	stream.indirect.gather [hbm4b:s2+s4], $0x20, s3, s4, $0xb8;
	[tilespmem:$0x12800] =	vst v63  }
0xc0: {  	_ =	swait.ge [sflag:s13], $0x8000  }
0xc1: {  	[sflag:s13] =	ssyncset.done $0x0  }
0xc2: {  	s23 =	rddreg [dreg:$0x1b];
	[sflag:s13] =	ssyncadd.s32 $0xFFFF8000  }
0xc3: {  	[hbm4b:s23+s7] =	stream.strided.scatter [tilespmem:s10], [sflag:$0x4], $0x4000, s3, s7, $0x38;
	[tilespmem:$0x12800] =	vst v63  }
0xc4: {  	s24 =	rddreg [dreg:$0x1c]  }
0xc5: {  	[hbm4b:s24+s7] =	stream.strided.scatter [tilespmem:s15], [sflag:$0x4], $0x4000, s3, s7, $0x38;
	[tilespmem:$0x12800] =	vst v63  }
0xc6: {  	_ =	swait.ge [sflag:s11], $0x4000  }
0xc7: {  	[sflag:s11] =	ssyncset.done $0x0  }
0xc8: {  	[sflag:s11] =	ssyncadd.s32 $0xFFFFC000  }
0xc9: {  	_ =	swait.ge [sflag:s11], $0x4000  }
0xca: {  	[sflag:s11] =	ssyncset.done $0x0  }
0xcb: {  	[sflag:s11] =	ssyncadd.s32 $0xFFFFC000  }
0xcc: {  	[tilespmem:s10], [sflag:$0x2] =	stream.indirect.gather [hbm4b:s2+s4], $0x20, s20, s4, $0xb8;
	[tilespmem:$0x12800] =	vst v63  }
0xcd: {  	_ =	swait.ge [sflag:s9], $0x8000  }
0xce: {  	[sflag:s9] =	ssyncset.done $0x0  }
0xcf: {  	s25 =	rddreg [dreg:$0x1d];
	[sflag:s9] =	ssyncadd.s32 $0xFFFF8000  }
0xd0: {  	[hbm4b:s25+s7] =	stream.strided.scatter [tilespmem:s5], [sflag:$0x5], $0x4000, s3, s7, $0x38;
	[tilespmem:$0x12800] =	vst v63  }
0xd1: {  	s26 =	rddreg [dreg:$0x1e]  }
0xd2: {  	[hbm4b:s26+s7] =	stream.strided.scatter [tilespmem:s8], [sflag:$0x5], $0x4000, s3, s7, $0x38;
	[tilespmem:$0x12800] =	vst v63  }
0xd3: {  	_ =	swait.ge [sflag:s6], $0x4000  }
0xd4: {  	[sflag:s6] =	ssyncset.done $0x0  }
0xd5: {  	[sflag:s6] =	ssyncadd.s32 $0xFFFFC000  }
0xd6: {  	_ =	swait.ge [sflag:s6], $0x4000  }
0xd7: {  	[sflag:s6] =	ssyncset.done $0x0  }
0xd8: {  	[sflag:s6] =	ssyncadd.s32 $0xFFFFC000  }
0xd9: {  	[tilespmem:s5], [sflag:$0x3] =	stream.indirect.gather [hbm4b:s2+s4], $0x20, s19, s4, $0xb8;
	[tilespmem:$0x12800] =	vst v63  }
0xda: {  	_ =	swait.ge [sflag:s13], $0x8000  }
0xdb: {  	s23 =	rddreg [dreg:$0x1f];
	[sflag:s13] =	ssyncset.done $0x0  }
0xdc: {  	s24 =	sld [smem:$0x7F1];
	[sflag:s13] =	ssyncadd.s32 $0xFFFF8000  }
0xdd: {  	[hbm4b:s23+s7] =	stream.strided.scatter [tilespmem:s10], [sflag:$0x4], $0x4000, s3, s7, $0x38;
	[tilespmem:$0x12800] =	vst v63  }
0xde: {  	_ = 	snop  }
0xdf: {  	[hbm4b:s24+s7] =	stream.strided.scatter [tilespmem:s15], [sflag:$0x4], $0x4000, s3, s7, $0x38;
	[tilespmem:$0x12800] =	vst v63  }
0xe0: {  	_ =	swait.ge [sflag:s11], $0x4000  }
0xe1: {  	[sflag:s11] =	ssyncset.done $0x0  }
0xe2: {  	[sflag:s11] =	ssyncadd.s32 $0xFFFFC000  }
0xe3: {  	_ =	swait.ge [sflag:s11], $0x4000  }
0xe4: {  	[sflag:s11] =	ssyncset.done $0x0  }
0xe5: {  	[sflag:s11] =	ssyncadd.s32 $0xFFFFC000  }
0xe6: {  	[tilespmem:s10], [sflag:$0x2] =	stream.indirect.gather [hbm4b:s2+s4], $0x20, s18, s4, $0xb8;
	[tilespmem:$0x12800] =	vst v63  }
0xe7: {  	_ =	swait.ge [sflag:s9], $0x8000  }
0xe8: {  	s25 =	sld [smem:$0x7F2]  }
0xe9: {  	[sflag:s9] =	ssyncset.done $0x0  }
0xea: {  	s26 =	sld [smem:$0x7F3];
	[sflag:s9] =	ssyncadd.s32 $0xFFFF8000  }
0xeb: {  	[hbm4b:s25+s7] =	stream.strided.scatter [tilespmem:s5], [sflag:$0x5], $0x4000, s3, s7, $0x38;
	[tilespmem:$0x12800] =	vst v63  }
0xec: {  	_ = 	snop  }
0xed: {  	[hbm4b:s26+s7] =	stream.strided.scatter [tilespmem:s8], [sflag:$0x5], $0x4000, s3, s7, $0x38;
	[tilespmem:$0x12800] =	vst v63  }
0xee: {  	_ =	swait.ge [sflag:s6], $0x4000  }
0xef: {  	[sflag:s6] =	ssyncset.done $0x0  }
0xf0: {  	[sflag:s6] =	ssyncadd.s32 $0xFFFFC000  }
0xf1: {  	_ =	swait.ge [sflag:s6], $0x4000  }
0xf2: {  	[sflag:s6] =	ssyncset.done $0x0  }
0xf3: {  	[sflag:s6] =	ssyncadd.s32 $0xFFFFC000  }
0xf4: {  	[tilespmem:s5], [sflag:$0x3] =	stream.indirect.gather [hbm4b:s2+s4], $0x20, s17, s4, $0xb8;
	[tilespmem:$0x12800] =	vst v63  }
0xf5: {  	_ =	swait.ge [sflag:s13], $0x8000  }
0xf6: {  	s23 =	sld [smem:$0x7F4]  }
0xf7: {  	[sflag:s13] =	ssyncset.done $0x0  }
0xf8: {  	s24 =	sld [smem:$0x7F5];
	[sflag:s13] =	ssyncadd.s32 $0xFFFF8000  }
0xf9: {  	[hbm4b:s23+s7] =	stream.strided.scatter [tilespmem:s10], [sflag:$0x4], $0x4000, s3, s7, $0x38;
	[tilespmem:$0x12800] =	vst v63  }
0xfa: {  	_ = 	snop  }
0xfb: {  	[hbm4b:s24+s7] =	stream.strided.scatter [tilespmem:s15], [sflag:$0x4], $0x4000, s3, s7, $0x38;
	[tilespmem:$0x12800] =	vst v63  }
0xfc: {  	_ =	swait.ge [sflag:s11], $0x4000  }
0xfd: {  	[sflag:s11] =	ssyncset.done $0x0  }
0xfe: {  	[sflag:s11] =	ssyncadd.s32 $0xFFFFC000  }
0xff: {  	_ =	swait.ge [sflag:s11], $0x4000  }
0x100: {  	[sflag:s11] =	ssyncset.done $0x0  }
0x101: {  	[sflag:s11] =	ssyncadd.s32 $0xFFFFC000  }
0x102: {  	[tilespmem:s10], [sflag:$0x2] =	stream.indirect.gather [hbm4b:s2+s4], $0x20, s16, s4, $0xb8;
	[tilespmem:$0x12800] =	vst v63  }
0x103: {  	_ =	swait.ge [sflag:s9], $0x8000  }
0x104: {  	s25 =	sld [smem:$0x7F6]  }
0x105: {  	[sflag:s9] =	ssyncset.done $0x0  }
0x106: {  	s26 =	sld [smem:$0x7F7];
	[sflag:s9] =	ssyncadd.s32 $0xFFFF8000  }
0x107: {  	[hbm4b:s25+s7] =	stream.strided.scatter [tilespmem:s5], [sflag:$0x5], $0x4000, s3, s7, $0x38;
	[tilespmem:$0x12800] =	vst v63  }
0x108: {  	_ = 	snop  }
0x109: {  	[hbm4b:s26+s7] =	stream.strided.scatter [tilespmem:s8], [sflag:$0x5], $0x4000, s3, s7, $0x38;
	[tilespmem:$0x12800] =	vst v63  }
0x10a: {  	_ =	swait.ge [sflag:s6], $0x4000  }
0x10b: {  	[sflag:s6] =	ssyncset.done $0x0  }
0x10c: {  	[sflag:s6] =	ssyncadd.s32 $0xFFFFC000  }
0x10d: {  	_ =	swait.ge [sflag:s6], $0x4000  }
0x10e: {  	[sflag:s6] =	ssyncset.done $0x0  }
0x10f: {  	[sflag:s6] =	ssyncadd.s32 $0xFFFFC000  }
0x110: {  	[tilespmem:s5], [sflag:$0x3] =	stream.indirect.gather [hbm4b:s2+s4], $0x20, s12, s4, $0xb8;
	[tilespmem:$0x12800] =	vst v63  }
0x111: {  	_ =	swait.ge [sflag:s13], $0x8000  }
0x112: {  	s1 =	sld [smem:$0x7F8]  }
0x113: {  	[sflag:s13] =	ssyncset.done $0x0  }
0x114: {  	s23 =	sld [smem:$0x7F9];
	[sflag:s13] =	ssyncadd.s32 $0xFFFF8000  }
0x115: {  	[hbm4b:s1+s7] =	stream.strided.scatter [tilespmem:s10], [sflag:$0x4], $0x4000, s3, s7, $0x38;
	[tilespmem:$0x12800] =	vst v63  }
0x116: {  	_ = 	snop  }
0x117: {  	[hbm4b:s23+s7] =	stream.strided.scatter [tilespmem:s15], [sflag:$0x4], $0x4000, s3, s7, $0x38;
	[tilespmem:$0x12800] =	vst v63  }
0x118: {  	_ =	swait.ge [sflag:s11], $0x4000  }
0x119: {  	[sflag:s11] =	ssyncset.done $0x0  }
0x11a: {  	[sflag:s11] =	ssyncadd.s32 $0xFFFFC000  }
0x11b: {  	_ =	swait.ge [sflag:s11], $0x4000  }
0x11c: {  	[sflag:s11] =	ssyncset.done $0x0  }
0x11d: {  	[sflag:s11] =	ssyncadd.s32 $0xFFFFC000  }
0x11e: {  	_ =	swait.ge [sflag:s9], $0x8000  }
0x11f: {  	s24 =	sld [smem:$0x7FA]  }
0x120: {  	[sflag:s9] =	ssyncset.done $0x0  }
0x121: {  	s25 =	sld [smem:$0x7FB];
	[sflag:s9] =	ssyncadd.s32 $0xFFFF8000  }
0x122: {  	[hbm4b:s24+s7] =	stream.strided.scatter [tilespmem:s5], [sflag:$0x5], $0x4000, s3, s7, $0x38;
	[tilespmem:$0x12800] =	vst v63  }
0x123: {  	_ = 	snop  }
0x124: {  	[hbm4b:s25+s7] =	stream.strided.scatter [tilespmem:s8], [sflag:$0x5], $0x4000, s3, s7, $0x38;
	[tilespmem:$0x12800] =	vst v63  }
0x125: {  	_ =	swait.ge [sflag:s6], $0x4000  }
0x126: {  	s26 =	sld [smem:$0x7F0];
	_ =	sdelay $0x2  }
0x127: {  	p1 =	sne.s32 s26, $0x1  }
.Ltmp1:
0x128: {  	_ = 	snop;
	(pc) =	sbr.rel @!p1 .LBB2_3-.Ltmp1, $4  }
0x129: {  	p0 =	por $0x1, $0x1;
	s31 =	simm.s32 $0x1200;
	[sflag:s6] =	ssyncset.done $0x0  }
0x12a: {  	s30 =	simm.s32 $0x1600;
	s29 =	simm.s32 $0x1A00;
	[sflag:s6] =	ssyncadd.s32 $0xFFFFC000  }
0x12b: {  	s28 =	simm.s32 $0xA00;
	_ =	swait.ge [sflag:s6], $0x4000;
	s1 =	sadd.s32 $0xFFFFFFFF, s26  }
0x12c: {  	s0 =	sld [smem:$0x7FD];
	[sflag:s6] =	ssyncset.done $0x0;
	s26 =	simm.s32 $0xE00  }
.LBB2_4:
0x12d: {  	s23 =	rddreg [dreg:$0x3]  }
0x12e: {  	[sflag:s6] =	ssyncadd.s32 $0xFFFFC000;
	s24 =	sld [smem:$0x7FC]  }
0x12f: {  	[tilespmem:s14], [sflag:$0x1] =	stream.linear.gather [hbm4b:s23+s14], $0x200, $0x38;
	[tilespmem:$0x12800] =	vst v63  }
0x130: {  	s25 =	rddreg [dreg:$0x4]  }
0x131: {  	[tilespmem:s24], [sflag:$0x1] =	stream.linear.gather [hbm4b:s25+s14], $0x200, $0x38;
	[tilespmem:$0x12800] =	vst v63  }
0x132: {  	s23 =	rddreg [dreg:$0x5]  }
0x133: {  	[tilespmem:s4], [sflag:$0x1] =	stream.linear.gather [hbm4b:s23+s14], $0x200, $0x38;
	[tilespmem:$0x12800] =	vst v63  }
0x134: {  	s24 =	rddreg [dreg:$0x6]  }
0x135: {  	[tilespmem:s0], [sflag:$0x1] =	stream.linear.gather [hbm4b:s24+s14], $0x200, $0x38;
	[tilespmem:$0x12800] =	vst v63  }
0x136: {  	s25 =	rddreg [dreg:$0x7]  }
0x137: {  	[tilespmem:s21], [sflag:$0x1] =	stream.linear.gather [hbm4b:s25+s14], $0x200, $0x38;
	[tilespmem:$0x12800] =	vst v63  }
0x138: {  	s0 =	rddreg [dreg:$0x8]  }
0x139: {  	[tilespmem:s28], [sflag:$0x1] =	stream.linear.gather [hbm4b:s0+s14], $0x200, $0x38;
	[tilespmem:$0x12800] =	vst v63  }
0x13a: {  	s25 =	rddreg [dreg:$0x9]  }
0x13b: {  	[tilespmem:s3], [sflag:$0x1] =	stream.linear.gather [hbm4b:s25+s14], $0x200, $0x38;
	[tilespmem:$0x12800] =	vst v63  }
0x13c: {  	s0 =	rddreg [dreg:$0xa]  }
0x13d: {  	[tilespmem:s26], [sflag:$0x1] =	stream.linear.gather [hbm4b:s0+s14], $0x200, $0x38;
	[tilespmem:$0x12800] =	vst v63  }
0x13e: {  	s25 =	rddreg [dreg:$0xb]  }
0x13f: {  	[tilespmem:s20], [sflag:$0x1] =	stream.linear.gather [hbm4b:s25+s14], $0x200, $0x38;
	[tilespmem:$0x12800] =	vst v63  }
0x140: {  	s0 =	rddreg [dreg:$0xc]  }
0x141: {  	[tilespmem:s31], [sflag:$0x1] =	stream.linear.gather [hbm4b:s0+s14], $0x200, $0x38;
	[tilespmem:$0x12800] =	vst v63  }
0x142: {  	s25 =	rddreg [dreg:$0xd]  }
0x143: {  	[tilespmem:s19], [sflag:$0x1] =	stream.linear.gather [hbm4b:s25+s14], $0x200, $0x38;
	[tilespmem:$0x12800] =	vst v63  }
0x144: {  	s0 =	rddreg [dreg:$0xe]  }
0x145: {  	[tilespmem:s30], [sflag:$0x1] =	stream.linear.gather [hbm4b:s0+s14], $0x200, $0x38;
	[tilespmem:$0x12800] =	vst v63  }
0x146: {  	s25 =	rddreg [dreg:$0xf]  }
0x147: {  	[tilespmem:s18], [sflag:$0x1] =	stream.linear.gather [hbm4b:s25+s14], $0x200, $0x38;
	[tilespmem:$0x12800] =	vst v63  }
0x148: {  	s0 =	rddreg [dreg:$0x10]  }
0x149: {  	[tilespmem:s29], [sflag:$0x1] =	stream.linear.gather [hbm4b:s0+s14], $0x200, $0x38;
	[tilespmem:$0x12800] =	vst v63  }
0x14a: {  	s25 =	rddreg [dreg:$0x11]  }
0x14b: {  	[tilespmem:s17], [sflag:$0x1] =	stream.linear.gather [hbm4b:s25+s14], $0x200, $0x38;
	[tilespmem:$0x12800] =	vst v63  }
0x14c: {  	s0 =	rddreg [dreg:$0x12];
	s25 =	simm.s32 $0x1E00  }
0x14d: {  	[tilespmem:s25], [sflag:$0x1] =	stream.linear.gather [hbm4b:s0+s14], $0x200, $0x38;
	[tilespmem:$0x12800] =	vst v63  }
0x14e: {  	s23 =	rddreg [dreg:$0x13]  }
0x14f: {  	[tilespmem:s16], [sflag:$0x1] =	stream.linear.gather [hbm4b:s23+s14], $0x200, $0x38;
	[tilespmem:$0x12800] =	vst v63  }
0x150: {  	s24 =	simm.s32 $0x2200;
	s0 =	rddreg [dreg:$0x14]  }
0x151: {  	[tilespmem:s24], [sflag:$0x1] =	stream.linear.gather [hbm4b:s0+s14], $0x200, $0x38;
	[tilespmem:$0x12800] =	vst v63  }
0x152: {  	s25 =	rddreg [dreg:$0x15]  }
0x153: {  	[tilespmem:s12], [sflag:$0x1] =	stream.linear.gather [hbm4b:s25+s14], $0x200, $0x38;
	[tilespmem:$0x12800] =	vst v63  }
0x154: {  	s24 =	rddreg [dreg:$0x16];
	s25 =	simm.s32 $0x2600  }
0x155: {  	[tilespmem:s25], [sflag:$0x1] =	stream.linear.gather [hbm4b:s24+s14], $0x200, $0x38;
	[tilespmem:$0x12800] =	vst v63  }
0x156: {  	_ =	swait.ge [sflag:s22], $0x200  }
0x157: {  	[sflag:s22] =	ssyncset.done $0x0  }
0x158: {  	[sflag:s22] =	ssyncadd.s32 $0xFFFFFE00  }
0x159: {  	_ =	swait.ge [sflag:s22], $0x200  }
0x15a: {  	[sflag:s22] =	ssyncset.done $0x0  }
0x15b: {  	[sflag:s22] =	ssyncadd.s32 $0xFFFFFE00  }
0x15c: {  	_ =	swait.ge [sflag:s22], $0x200  }
0x15d: {  	[sflag:s22] =	ssyncset.done $0x0  }
0x15e: {  	[sflag:s22] =	ssyncadd.s32 $0xFFFFFE00  }
0x15f: {  	_ =	swait.ge [sflag:s22], $0x200  }
0x160: {  	[sflag:s22] =	ssyncset.done $0x0  }
0x161: {  	[sflag:s22] =	ssyncadd.s32 $0xFFFFFE00  }
0x162: {  	_ =	swait.ge [sflag:s22], $0x200  }
0x163: {  	[sflag:s22] =	ssyncset.done $0x0  }
0x164: {  	[sflag:s22] =	ssyncadd.s32 $0xFFFFFE00  }
0x165: {  	_ =	swait.ge [sflag:s22], $0x200  }
0x166: {  	[sflag:s22] =	ssyncset.done $0x0  }
0x167: {  	[sflag:s22] =	ssyncadd.s32 $0xFFFFFE00  }
0x168: {  	_ =	swait.ge [sflag:s22], $0x200  }
0x169: {  	[sflag:s22] =	ssyncset.done $0x0  }
0x16a: {  	[sflag:s22] =	ssyncadd.s32 $0xFFFFFE00  }
0x16b: {  	_ =	swait.ge [sflag:s22], $0x200  }
0x16c: {  	[sflag:s22] =	ssyncset.done $0x0  }
0x16d: {  	[sflag:s22] =	ssyncadd.s32 $0xFFFFFE00  }
0x16e: {  	_ =	swait.ge [sflag:s22], $0x200  }
0x16f: {  	[sflag:s22] =	ssyncset.done $0x0  }
0x170: {  	[sflag:s22] =	ssyncadd.s32 $0xFFFFFE00  }
0x171: {  	_ =	swait.ge [sflag:s22], $0x200  }
0x172: {  	[sflag:s22] =	ssyncset.done $0x0  }
0x173: {  	[sflag:s22] =	ssyncadd.s32 $0xFFFFFE00  }
0x174: {  	_ =	swait.ge [sflag:s22], $0x200  }
0x175: {  	[sflag:s22] =	ssyncset.done $0x0  }
0x176: {  	[sflag:s22] =	ssyncadd.s32 $0xFFFFFE00  }
0x177: {  	_ =	swait.ge [sflag:s22], $0x200  }
0x178: {  	[sflag:s22] =	ssyncset.done $0x0  }
0x179: {  	[sflag:s22] =	ssyncadd.s32 $0xFFFFFE00  }
0x17a: {  	_ =	swait.ge [sflag:s22], $0x200  }
0x17b: {  	[sflag:s22] =	ssyncset.done $0x0  }
0x17c: {  	[sflag:s22] =	ssyncadd.s32 $0xFFFFFE00  }
0x17d: {  	_ =	swait.ge [sflag:s22], $0x200  }
0x17e: {  	[sflag:s22] =	ssyncset.done $0x0  }
0x17f: {  	[sflag:s22] =	ssyncadd.s32 $0xFFFFFE00  }
0x180: {  	_ =	swait.ge [sflag:s22], $0x200  }
0x181: {  	[sflag:s22] =	ssyncset.done $0x0  }
0x182: {  	[sflag:s22] =	ssyncadd.s32 $0xFFFFFE00  }
0x183: {  	_ =	swait.ge [sflag:s22], $0x200  }
0x184: {  	[sflag:s22] =	ssyncset.done $0x0  }
0x185: {  	[sflag:s22] =	ssyncadd.s32 $0xFFFFFE00  }
0x186: {  	_ =	swait.ge [sflag:s22], $0x200  }
0x187: {  	[sflag:s22] =	ssyncset.done $0x0  }
0x188: {  	[sflag:s22] =	ssyncadd.s32 $0xFFFFFE00  }
0x189: {  	_ =	swait.ge [sflag:s22], $0x200  }
0x18a: {  	[sflag:s22] =	ssyncset.done $0x0  }
0x18b: {  	[sflag:s22] =	ssyncadd.s32 $0xFFFFFE00  }
0x18c: {  	_ =	swait.ge [sflag:s22], $0x200  }
0x18d: {  	[sflag:s22] =	ssyncset.done $0x0  }
0x18e: {  	[sflag:s22] =	ssyncadd.s32 $0xFFFFFE00  }
0x18f: {  	_ =	swait.ge [sflag:s22], $0x200  }
0x190: {  	[sflag:s22] =	ssyncset.done $0x0  }
0x191: {  	[sflag:s22] =	ssyncadd.s32 $0xFFFFFE00  }
0x192: {  	[tilespmem:s10], [sflag:$0x2] =	stream.indirect.gather [hbm4b:s2+s4], $0x20, s14, s4, $0xb8;
	[tilespmem:$0x12800] =	vst v63  }
0x193: {  	_ = 	snop  }
0x194: {  	[tilespmem:s5], [sflag:$0x3] =	stream.indirect.gather [hbm4b:s2+s4], $0x20, s4, s4, $0xb8;
	[tilespmem:$0x12800] =	vst v63  }
0x195: {  	_ =	swait.ge [sflag:s13], $0x8000  }
0x196: {  	[sflag:s13] =	ssyncset.done $0x0  }
0x197: {  	s24 =	rddreg [dreg:$0x17];
	[sflag:s13] =	ssyncadd.s32 $0xFFFF8000  }
0x198: {  	[hbm4b:s24+s7] =	stream.strided.scatter [tilespmem:s10], [sflag:$0x4], $0x4000, s3, s7, $0x38;
	[tilespmem:$0x12800] =	vst v63  }
0x199: {  	s25 =	rddreg [dreg:$0x18]  }
0x19a: {  	[hbm4b:s25+s7] =	stream.strided.scatter [tilespmem:s15], [sflag:$0x4], $0x4000, s3, s7, $0x38;
	[tilespmem:$0x12800] =	vst v63  }
0x19b: {  	_ =	swait.ge [sflag:s11], $0x4000  }
0x19c: {  	[sflag:s11] =	ssyncset.done $0x0  }
0x19d: {  	[sflag:s11] =	ssyncadd.s32 $0xFFFFC000  }
0x19e: {  	_ =	swait.ge [sflag:s11], $0x4000  }
0x19f: {  	[sflag:s11] =	ssyncset.done $0x0  }
0x1a0: {  	[sflag:s11] =	ssyncadd.s32 $0xFFFFC000  }
0x1a1: {  	[tilespmem:s10], [sflag:$0x2] =	stream.indirect.gather [hbm4b:s2+s4], $0x20, s21, s4, $0xb8;
	[tilespmem:$0x12800] =	vst v63  }
0x1a2: {  	_ =	swait.ge [sflag:s9], $0x8000  }
0x1a3: {  	[sflag:s9] =	ssyncset.done $0x0  }
0x1a4: {  	s24 =	rddreg [dreg:$0x19];
	[sflag:s9] =	ssyncadd.s32 $0xFFFF8000  }
0x1a5: {  	[hbm4b:s24+s7] =	stream.strided.scatter [tilespmem:s5], [sflag:$0x5], $0x4000, s3, s7, $0x38;
	[tilespmem:$0x12800] =	vst v63  }
0x1a6: {  	s25 =	rddreg [dreg:$0x1a]  }
0x1a7: {  	[hbm4b:s25+s7] =	stream.strided.scatter [tilespmem:s8], [sflag:$0x5], $0x4000, s3, s7, $0x38;
	[tilespmem:$0x12800] =	vst v63  }
0x1a8: {  	_ =	swait.ge [sflag:s6], $0x4000  }
0x1a9: {  	[sflag:s6] =	ssyncset.done $0x0  }
0x1aa: {  	[sflag:s6] =	ssyncadd.s32 $0xFFFFC000  }
0x1ab: {  	_ =	swait.ge [sflag:s6], $0x4000  }
0x1ac: {  	[sflag:s6] =	ssyncset.done $0x0  }
0x1ad: {  	[sflag:s6] =	ssyncadd.s32 $0xFFFFC000  }
0x1ae: {  	[tilespmem:s5], [sflag:$0x3] =	stream.indirect.gather [hbm4b:s2+s4], $0x20, s3, s4, $0xb8;
	[tilespmem:$0x12800] =	vst v63  }
0x1af: {  	_ =	swait.ge [sflag:s13], $0x8000  }
0x1b0: {  	[sflag:s13] =	ssyncset.done $0x0  }
0x1b1: {  	s24 =	rddreg [dreg:$0x1b];
	[sflag:s13] =	ssyncadd.s32 $0xFFFF8000  }
0x1b2: {  	[hbm4b:s24+s7] =	stream.strided.scatter [tilespmem:s10], [sflag:$0x4], $0x4000, s3, s7, $0x38;
	[tilespmem:$0x12800] =	vst v63  }
0x1b3: {  	s25 =	rddreg [dreg:$0x1c]  }
0x1b4: {  	[hbm4b:s25+s7] =	stream.strided.scatter [tilespmem:s15], [sflag:$0x4], $0x4000, s3, s7, $0x38;
	[tilespmem:$0x12800] =	vst v63  }
0x1b5: {  	_ =	swait.ge [sflag:s11], $0x4000  }
0x1b6: {  	[sflag:s11] =	ssyncset.done $0x0  }
0x1b7: {  	[sflag:s11] =	ssyncadd.s32 $0xFFFFC000  }
0x1b8: {  	_ =	swait.ge [sflag:s11], $0x4000  }
0x1b9: {  	[sflag:s11] =	ssyncset.done $0x0  }
0x1ba: {  	[sflag:s11] =	ssyncadd.s32 $0xFFFFC000  }
0x1bb: {  	[tilespmem:s10], [sflag:$0x2] =	stream.indirect.gather [hbm4b:s2+s4], $0x20, s20, s4, $0xb8;
	[tilespmem:$0x12800] =	vst v63  }
0x1bc: {  	_ =	swait.ge [sflag:s9], $0x8000  }
0x1bd: {  	[sflag:s9] =	ssyncset.done $0x0  }
0x1be: {  	s24 =	rddreg [dreg:$0x1d];
	[sflag:s9] =	ssyncadd.s32 $0xFFFF8000  }
0x1bf: {  	[hbm4b:s24+s7] =	stream.strided.scatter [tilespmem:s5], [sflag:$0x5], $0x4000, s3, s7, $0x38;
	[tilespmem:$0x12800] =	vst v63  }
0x1c0: {  	s25 =	rddreg [dreg:$0x1e]  }
0x1c1: {  	[hbm4b:s25+s7] =	stream.strided.scatter [tilespmem:s8], [sflag:$0x5], $0x4000, s3, s7, $0x38;
	[tilespmem:$0x12800] =	vst v63  }
0x1c2: {  	_ =	swait.ge [sflag:s6], $0x4000  }
0x1c3: {  	[sflag:s6] =	ssyncset.done $0x0  }
0x1c4: {  	[sflag:s6] =	ssyncadd.s32 $0xFFFFC000  }
0x1c5: {  	_ =	swait.ge [sflag:s6], $0x4000  }
0x1c6: {  	[sflag:s6] =	ssyncset.done $0x0  }
0x1c7: {  	[sflag:s6] =	ssyncadd.s32 $0xFFFFC000  }
0x1c8: {  	[tilespmem:s5], [sflag:$0x3] =	stream.indirect.gather [hbm4b:s2+s4], $0x20, s19, s4, $0xb8;
	[tilespmem:$0x12800] =	vst v63  }
0x1c9: {  	_ =	swait.ge [sflag:s13], $0x8000  }
0x1ca: {  	s24 =	rddreg [dreg:$0x1f];
	[sflag:s13] =	ssyncset.done $0x0  }
0x1cb: {  	s25 =	sld [smem:$0x7F1];
	[sflag:s13] =	ssyncadd.s32 $0xFFFF8000  }
0x1cc: {  	[hbm4b:s24+s7] =	stream.strided.scatter [tilespmem:s10], [sflag:$0x4], $0x4000, s3, s7, $0x38;
	[tilespmem:$0x12800] =	vst v63  }
0x1cd: {  	_ = 	snop  }
0x1ce: {  	[hbm4b:s25+s7] =	stream.strided.scatter [tilespmem:s15], [sflag:$0x4], $0x4000, s3, s7, $0x38;
	[tilespmem:$0x12800] =	vst v63  }
0x1cf: {  	_ =	swait.ge [sflag:s11], $0x4000  }
0x1d0: {  	[sflag:s11] =	ssyncset.done $0x0  }
0x1d1: {  	[sflag:s11] =	ssyncadd.s32 $0xFFFFC000  }
0x1d2: {  	_ =	swait.ge [sflag:s11], $0x4000  }
0x1d3: {  	[sflag:s11] =	ssyncset.done $0x0  }
0x1d4: {  	[sflag:s11] =	ssyncadd.s32 $0xFFFFC000  }
0x1d5: {  	[tilespmem:s10], [sflag:$0x2] =	stream.indirect.gather [hbm4b:s2+s4], $0x20, s18, s4, $0xb8;
	[tilespmem:$0x12800] =	vst v63  }
0x1d6: {  	_ =	swait.ge [sflag:s9], $0x8000  }
0x1d7: {  	s24 =	sld [smem:$0x7F2]  }
0x1d8: {  	[sflag:s9] =	ssyncset.done $0x0  }
0x1d9: {  	s25 =	sld [smem:$0x7F3];
	[sflag:s9] =	ssyncadd.s32 $0xFFFF8000  }
0x1da: {  	[hbm4b:s24+s7] =	stream.strided.scatter [tilespmem:s5], [sflag:$0x5], $0x4000, s3, s7, $0x38;
	[tilespmem:$0x12800] =	vst v63  }
0x1db: {  	_ = 	snop  }
0x1dc: {  	[hbm4b:s25+s7] =	stream.strided.scatter [tilespmem:s8], [sflag:$0x5], $0x4000, s3, s7, $0x38;
	[tilespmem:$0x12800] =	vst v63  }
0x1dd: {  	_ =	swait.ge [sflag:s6], $0x4000  }
0x1de: {  	[sflag:s6] =	ssyncset.done $0x0  }
0x1df: {  	[sflag:s6] =	ssyncadd.s32 $0xFFFFC000  }
0x1e0: {  	_ =	swait.ge [sflag:s6], $0x4000  }
0x1e1: {  	[sflag:s6] =	ssyncset.done $0x0  }
0x1e2: {  	[sflag:s6] =	ssyncadd.s32 $0xFFFFC000  }
0x1e3: {  	[tilespmem:s5], [sflag:$0x3] =	stream.indirect.gather [hbm4b:s2+s4], $0x20, s17, s4, $0xb8;
	[tilespmem:$0x12800] =	vst v63  }
0x1e4: {  	_ =	swait.ge [sflag:s13], $0x8000  }
0x1e5: {  	s24 =	sld [smem:$0x7F4]  }
0x1e6: {  	[sflag:s13] =	ssyncset.done $0x0  }
0x1e7: {  	s25 =	sld [smem:$0x7F5];
	[sflag:s13] =	ssyncadd.s32 $0xFFFF8000  }
0x1e8: {  	[hbm4b:s24+s7] =	stream.strided.scatter [tilespmem:s10], [sflag:$0x4], $0x4000, s3, s7, $0x38;
	[tilespmem:$0x12800] =	vst v63  }
0x1e9: {  	_ = 	snop  }
0x1ea: {  	[hbm4b:s25+s7] =	stream.strided.scatter [tilespmem:s15], [sflag:$0x4], $0x4000, s3, s7, $0x38;
	[tilespmem:$0x12800] =	vst v63  }
0x1eb: {  	_ =	swait.ge [sflag:s11], $0x4000  }
0x1ec: {  	[sflag:s11] =	ssyncset.done $0x0  }
0x1ed: {  	[sflag:s11] =	ssyncadd.s32 $0xFFFFC000  }
0x1ee: {  	_ =	swait.ge [sflag:s11], $0x4000  }
0x1ef: {  	[sflag:s11] =	ssyncset.done $0x0  }
0x1f0: {  	[sflag:s11] =	ssyncadd.s32 $0xFFFFC000  }
0x1f1: {  	[tilespmem:s10], [sflag:$0x2] =	stream.indirect.gather [hbm4b:s2+s4], $0x20, s16, s4, $0xb8;
	[tilespmem:$0x12800] =	vst v63  }
0x1f2: {  	_ =	swait.ge [sflag:s9], $0x8000  }
0x1f3: {  	s24 =	sld [smem:$0x7F6]  }
0x1f4: {  	[sflag:s9] =	ssyncset.done $0x0  }
0x1f5: {  	s25 =	sld [smem:$0x7F7];
	[sflag:s9] =	ssyncadd.s32 $0xFFFF8000  }
0x1f6: {  	[hbm4b:s24+s7] =	stream.strided.scatter [tilespmem:s5], [sflag:$0x5], $0x4000, s3, s7, $0x38;
	[tilespmem:$0x12800] =	vst v63  }
0x1f7: {  	_ = 	snop  }
0x1f8: {  	[hbm4b:s25+s7] =	stream.strided.scatter [tilespmem:s8], [sflag:$0x5], $0x4000, s3, s7, $0x38;
	[tilespmem:$0x12800] =	vst v63  }
0x1f9: {  	_ =	swait.ge [sflag:s6], $0x4000  }
0x1fa: {  	[sflag:s6] =	ssyncset.done $0x0  }
0x1fb: {  	[sflag:s6] =	ssyncadd.s32 $0xFFFFC000  }
0x1fc: {  	_ =	swait.ge [sflag:s6], $0x4000  }
0x1fd: {  	[sflag:s6] =	ssyncset.done $0x0  }
0x1fe: {  	[sflag:s6] =	ssyncadd.s32 $0xFFFFC000  }
0x1ff: {  	[tilespmem:s5], [sflag:$0x3] =	stream.indirect.gather [hbm4b:s2+s4], $0x20, s12, s4, $0xb8;
	[tilespmem:$0x12800] =	vst v63  }
0x200: {  	_ =	swait.ge [sflag:s13], $0x8000  }
0x201: {  	s24 =	sld [smem:$0x7F8]  }
0x202: {  	[sflag:s13] =	ssyncset.done $0x0  }
0x203: {  	s25 =	sld [smem:$0x7F9];
	[sflag:s13] =	ssyncadd.s32 $0xFFFF8000  }
0x204: {  	[hbm4b:s24+s7] =	stream.strided.scatter [tilespmem:s10], [sflag:$0x4], $0x4000, s3, s7, $0x38;
	[tilespmem:$0x12800] =	vst v63  }
0x205: {  	_ = 	snop  }
0x206: {  	[hbm4b:s25+s7] =	stream.strided.scatter [tilespmem:s15], [sflag:$0x4], $0x4000, s3, s7, $0x38;
	[tilespmem:$0x12800] =	vst v63  }
0x207: {  	_ =	swait.ge [sflag:s11], $0x4000  }
0x208: {  	[sflag:s11] =	ssyncset.done $0x0  }
0x209: {  	[sflag:s11] =	ssyncadd.s32 $0xFFFFC000  }
0x20a: {  	_ =	swait.ge [sflag:s11], $0x4000  }
0x20b: {  	[sflag:s11] =	ssyncset.done $0x0  }
0x20c: {  	[sflag:s11] =	ssyncadd.s32 $0xFFFFC000  }
0x20d: {  	_ =	swait.ge [sflag:s9], $0x8000  }
0x20e: {  	s24 =	sld [smem:$0x7FA]  }
0x20f: {  	[sflag:s9] =	ssyncset.done $0x0  }
0x210: {  	s25 =	sld [smem:$0x7FB];
	[sflag:s9] =	ssyncadd.s32 $0xFFFF8000  }
0x211: {  	[hbm4b:s24+s7] =	stream.strided.scatter [tilespmem:s5], [sflag:$0x5], $0x4000, s3, s7, $0x38;
	[tilespmem:$0x12800] =	vst v63  }
0x212: {  	p1 =	sne.s32 s1, $0x1  }
0x213: {  	[hbm4b:s25+s7] =	stream.strided.scatter [tilespmem:s8], [sflag:$0x5], $0x4000, s3, s7, $0x38;
	[tilespmem:$0x12800] =	vst v63  }
.Ltmp2:
0x214: {  	_ =	swait.ge [sflag:s6], $0x4000;
	(pc) =	sbr.rel @p1 .LBB2_4-.Ltmp2, $4  }
0x215: {  	[sflag:s6] =	ssyncset.done $0x0  }
0x216: {  	[sflag:s6] =	ssyncadd.s32 $0xFFFFC000  }
0x217: {  	_ =	swait.ge [sflag:s6], $0x4000  }
0x218: {  	s1 =	sadd.s32 $0xFFFFFFFF, s1;
	s0 =	sld [smem:$0x7FD];
	[sflag:s6] =	ssyncset.done $0x0  }
0x219: {  	s25 =	simm.s32 $0xA00;
	s26 =	simm.s32 $0xE00;
	s31 =	simm.s32 $0x1200  }
0x21a: {  	s30 =	simm.s32 $0x1600;
	s29 =	simm.s32 $0x1A00;
	s28 =	simm.s32 $0x1E00  }
.LBB2_6:
0x21b: {  	s1 =	rddreg [dreg:$0x3]  }
0x21c: {  	s23 =	sld [smem:$0x7FC];
	[sflag:s6] =	ssyncadd.s32 @p0 $0xFFFFC000  }
0x21d: {  	[tilespmem:s14], [sflag:$0x1] =	stream.linear.gather [hbm4b:s1+s14], $0x200, $0x38;
	[tilespmem:$0x12800] =	vst v63  }
0x21e: {  	s24 =	rddreg [dreg:$0x4]  }
0x21f: {  	[tilespmem:s23], [sflag:$0x1] =	stream.linear.gather [hbm4b:s24+s14], $0x200, $0x38;
	[tilespmem:$0x12800] =	vst v63  }
0x220: {  	s1 =	rddreg [dreg:$0x5]  }
0x221: {  	[tilespmem:s4], [sflag:$0x1] =	stream.linear.gather [hbm4b:s1+s14], $0x200, $0x38;
	[tilespmem:$0x12800] =	vst v63  }
0x222: {  	s24 =	rddreg [dreg:$0x6]  }
0x223: {  	[tilespmem:s0], [sflag:$0x1] =	stream.linear.gather [hbm4b:s24+s14], $0x200, $0x38;
	[tilespmem:$0x12800] =	vst v63  }
0x224: {  	s1 =	rddreg [dreg:$0x7]  }
0x225: {  	[tilespmem:s21], [sflag:$0x1] =	stream.linear.gather [hbm4b:s1+s14], $0x200, $0x38;
	[tilespmem:$0x12800] =	vst v63  }
0x226: {  	s24 =	rddreg [dreg:$0x8]  }
0x227: {  	[tilespmem:s25], [sflag:$0x1] =	stream.linear.gather [hbm4b:s24+s14], $0x200, $0x38;
	[tilespmem:$0x12800] =	vst v63  }
0x228: {  	s23 =	rddreg [dreg:$0x9]  }
0x229: {  	[tilespmem:s3], [sflag:$0x1] =	stream.linear.gather [hbm4b:s23+s14], $0x200, $0x38;
	[tilespmem:$0x12800] =	vst v63  }
0x22a: {  	s24 =	rddreg [dreg:$0xa]  }
0x22b: {  	[tilespmem:s26], [sflag:$0x1] =	stream.linear.gather [hbm4b:s24+s14], $0x200, $0x38;
	[tilespmem:$0x12800] =	vst v63  }
0x22c: {  	s25 =	rddreg [dreg:$0xb]  }
0x22d: {  	[tilespmem:s20], [sflag:$0x1] =	stream.linear.gather [hbm4b:s25+s14], $0x200, $0x38;
	[tilespmem:$0x12800] =	vst v63  }
0x22e: {  	s23 =	rddreg [dreg:$0xc]  }
0x22f: {  	[tilespmem:s31], [sflag:$0x1] =	stream.linear.gather [hbm4b:s23+s14], $0x200, $0x38;
	[tilespmem:$0x12800] =	vst v63  }
0x230: {  	s24 =	rddreg [dreg:$0xd]  }
0x231: {  	[tilespmem:s19], [sflag:$0x1] =	stream.linear.gather [hbm4b:s24+s14], $0x200, $0x38;
	[tilespmem:$0x12800] =	vst v63  }
0x232: {  	s25 =	rddreg [dreg:$0xe]  }
0x233: {  	[tilespmem:s30], [sflag:$0x1] =	stream.linear.gather [hbm4b:s25+s14], $0x200, $0x38;
	[tilespmem:$0x12800] =	vst v63  }
0x234: {  	s26 =	rddreg [dreg:$0xf]  }
0x235: {  	[tilespmem:s18], [sflag:$0x1] =	stream.linear.gather [hbm4b:s26+s14], $0x200, $0x38;
	[tilespmem:$0x12800] =	vst v63  }
0x236: {  	s31 =	rddreg [dreg:$0x10]  }
0x237: {  	[tilespmem:s29], [sflag:$0x1] =	stream.linear.gather [hbm4b:s31+s14], $0x200, $0x38;
	[tilespmem:$0x12800] =	vst v63  }
0x238: {  	s23 =	rddreg [dreg:$0x11]  }
0x239: {  	[tilespmem:s17], [sflag:$0x1] =	stream.linear.gather [hbm4b:s23+s14], $0x200, $0x38;
	[tilespmem:$0x12800] =	vst v63  }
0x23a: {  	s24 =	rddreg [dreg:$0x12]  }
0x23b: {  	[tilespmem:s28], [sflag:$0x1] =	stream.linear.gather [hbm4b:s24+s14], $0x200, $0x38;
	[tilespmem:$0x12800] =	vst v63  }
0x23c: {  	s25 =	rddreg [dreg:$0x13]  }
0x23d: {  	[tilespmem:s16], [sflag:$0x1] =	stream.linear.gather [hbm4b:s25+s14], $0x200, $0x38;
	[tilespmem:$0x12800] =	vst v63  }
0x23e: {  	s26 =	rddreg [dreg:$0x14];
	s29 =	simm.s32 $0x2200  }
0x23f: {  	[tilespmem:s29], [sflag:$0x1] =	stream.linear.gather [hbm4b:s26+s14], $0x200, $0x38;
	[tilespmem:$0x12800] =	vst v63  }
0x240: {  	s28 =	rddreg [dreg:$0x15]  }
0x241: {  	[tilespmem:s12], [sflag:$0x1] =	stream.linear.gather [hbm4b:s28+s14], $0x200, $0x38;
	[tilespmem:$0x12800] =	vst v63  }
0x242: {  	s30 =	rddreg [dreg:$0x16];
	s31 =	simm.s32 $0x2600  }
0x243: {  	[tilespmem:s31], [sflag:$0x1] =	stream.linear.gather [hbm4b:s30+s14], $0x200, $0x38;
	[tilespmem:$0x12800] =	vst v63  }
0x244: {  	_ =	swait.ge [sflag:s22], $0x200  }
0x245: {  	[sflag:s22] =	ssyncset.done $0x0  }
0x246: {  	[sflag:s22] =	ssyncadd.s32 $0xFFFFFE00  }
0x247: {  	_ =	swait.ge [sflag:s22], $0x200  }
0x248: {  	[sflag:s22] =	ssyncset.done $0x0  }
0x249: {  	[sflag:s22] =	ssyncadd.s32 $0xFFFFFE00  }
0x24a: {  	_ =	swait.ge [sflag:s22], $0x200  }
0x24b: {  	[sflag:s22] =	ssyncset.done $0x0  }
0x24c: {  	[sflag:s22] =	ssyncadd.s32 $0xFFFFFE00  }
0x24d: {  	_ =	swait.ge [sflag:s22], $0x200  }
0x24e: {  	[sflag:s22] =	ssyncset.done $0x0  }
0x24f: {  	[sflag:s22] =	ssyncadd.s32 $0xFFFFFE00  }
0x250: {  	_ =	swait.ge [sflag:s22], $0x200  }
0x251: {  	[sflag:s22] =	ssyncset.done $0x0  }
0x252: {  	[sflag:s22] =	ssyncadd.s32 $0xFFFFFE00  }
0x253: {  	_ =	swait.ge [sflag:s22], $0x200  }
0x254: {  	[sflag:s22] =	ssyncset.done $0x0  }
0x255: {  	[sflag:s22] =	ssyncadd.s32 $0xFFFFFE00  }
0x256: {  	_ =	swait.ge [sflag:s22], $0x200  }
0x257: {  	[sflag:s22] =	ssyncset.done $0x0  }
0x258: {  	[sflag:s22] =	ssyncadd.s32 $0xFFFFFE00  }
0x259: {  	_ =	swait.ge [sflag:s22], $0x200  }
0x25a: {  	[sflag:s22] =	ssyncset.done $0x0  }
0x25b: {  	[sflag:s22] =	ssyncadd.s32 $0xFFFFFE00  }
0x25c: {  	_ =	swait.ge [sflag:s22], $0x200  }
0x25d: {  	[sflag:s22] =	ssyncset.done $0x0  }
0x25e: {  	[sflag:s22] =	ssyncadd.s32 $0xFFFFFE00  }
0x25f: {  	_ =	swait.ge [sflag:s22], $0x200  }
0x260: {  	[sflag:s22] =	ssyncset.done $0x0  }
0x261: {  	[sflag:s22] =	ssyncadd.s32 $0xFFFFFE00  }
0x262: {  	_ =	swait.ge [sflag:s22], $0x200  }
0x263: {  	[sflag:s22] =	ssyncset.done $0x0  }
0x264: {  	[sflag:s22] =	ssyncadd.s32 $0xFFFFFE00  }
0x265: {  	_ =	swait.ge [sflag:s22], $0x200  }
0x266: {  	[sflag:s22] =	ssyncset.done $0x0  }
0x267: {  	[sflag:s22] =	ssyncadd.s32 $0xFFFFFE00  }
0x268: {  	_ =	swait.ge [sflag:s22], $0x200  }
0x269: {  	[sflag:s22] =	ssyncset.done $0x0  }
0x26a: {  	[sflag:s22] =	ssyncadd.s32 $0xFFFFFE00  }
0x26b: {  	_ =	swait.ge [sflag:s22], $0x200  }
0x26c: {  	[sflag:s22] =	ssyncset.done $0x0  }
0x26d: {  	[sflag:s22] =	ssyncadd.s32 $0xFFFFFE00  }
0x26e: {  	_ =	swait.ge [sflag:s22], $0x200  }
0x26f: {  	[sflag:s22] =	ssyncset.done $0x0  }
0x270: {  	[sflag:s22] =	ssyncadd.s32 $0xFFFFFE00  }
0x271: {  	_ =	swait.ge [sflag:s22], $0x200  }
0x272: {  	[sflag:s22] =	ssyncset.done $0x0  }
0x273: {  	[sflag:s22] =	ssyncadd.s32 $0xFFFFFE00  }
0x274: {  	_ =	swait.ge [sflag:s22], $0x200  }
0x275: {  	[sflag:s22] =	ssyncset.done $0x0  }
0x276: {  	[sflag:s22] =	ssyncadd.s32 $0xFFFFFE00  }
0x277: {  	_ =	swait.ge [sflag:s22], $0x200  }
0x278: {  	[sflag:s22] =	ssyncset.done $0x0  }
0x279: {  	[sflag:s22] =	ssyncadd.s32 $0xFFFFFE00  }
0x27a: {  	_ =	swait.ge [sflag:s22], $0x200  }
0x27b: {  	[sflag:s22] =	ssyncset.done $0x0  }
0x27c: {  	[sflag:s22] =	ssyncadd.s32 $0xFFFFFE00  }
0x27d: {  	_ =	swait.ge [sflag:s22], $0x200  }
0x27e: {  	[sflag:s22] =	ssyncset.done $0x0  }
0x27f: {  	[sflag:s22] =	ssyncadd.s32 $0xFFFFFE00  }
0x280: {  	[tilespmem:s10], [sflag:$0x2] =	stream.indirect.gather [hbm4b:s2+s4], $0x20, s14, s4, $0xb8;
	[tilespmem:$0x12800] =	vst v63  }
0x281: {  	_ = 	snop  }
0x282: {  	[tilespmem:s5], [sflag:$0x3] =	stream.indirect.gather [hbm4b:s2+s4], $0x20, s4, s4, $0xb8;
	[tilespmem:$0x12800] =	vst v63  }
0x283: {  	_ =	swait.ge [sflag:s13], $0x8000  }
0x284: {  	[sflag:s13] =	ssyncset.done $0x0  }
0x285: {  	s23 =	rddreg [dreg:$0x17];
	[sflag:s13] =	ssyncadd.s32 $0xFFFF8000  }
0x286: {  	[hbm4b:s23+s7] =	stream.strided.scatter [tilespmem:s10], [sflag:$0x4], $0x4000, s3, s7, $0x38;
	[tilespmem:$0x12800] =	vst v63  }
0x287: {  	s24 =	rddreg [dreg:$0x18]  }
0x288: {  	[hbm4b:s24+s7] =	stream.strided.scatter [tilespmem:s15], [sflag:$0x4], $0x4000, s3, s7, $0x38;
	[tilespmem:$0x12800] =	vst v63  }
0x289: {  	_ =	swait.ge [sflag:s11], $0x4000  }
0x28a: {  	[sflag:s11] =	ssyncset.done $0x0  }
0x28b: {  	[sflag:s11] =	ssyncadd.s32 $0xFFFFC000  }
0x28c: {  	_ =	swait.ge [sflag:s11], $0x4000  }
0x28d: {  	[sflag:s11] =	ssyncset.done $0x0  }
0x28e: {  	[sflag:s11] =	ssyncadd.s32 $0xFFFFC000  }
0x28f: {  	[tilespmem:s10], [sflag:$0x2] =	stream.indirect.gather [hbm4b:s2+s4], $0x20, s21, s4, $0xb8;
	[tilespmem:$0x12800] =	vst v63  }
0x290: {  	_ =	swait.ge [sflag:s9], $0x8000  }
0x291: {  	[sflag:s9] =	ssyncset.done $0x0  }
0x292: {  	s25 =	rddreg [dreg:$0x19];
	[sflag:s9] =	ssyncadd.s32 $0xFFFF8000  }
0x293: {  	[hbm4b:s25+s7] =	stream.strided.scatter [tilespmem:s5], [sflag:$0x5], $0x4000, s3, s7, $0x38;
	[tilespmem:$0x12800] =	vst v63  }
0x294: {  	s26 =	rddreg [dreg:$0x1a]  }
0x295: {  	[hbm4b:s26+s7] =	stream.strided.scatter [tilespmem:s8], [sflag:$0x5], $0x4000, s3, s7, $0x38;
	[tilespmem:$0x12800] =	vst v63  }
0x296: {  	_ =	swait.ge [sflag:s6], $0x4000  }
0x297: {  	[sflag:s6] =	ssyncset.done $0x0  }
0x298: {  	[sflag:s6] =	ssyncadd.s32 $0xFFFFC000  }
0x299: {  	_ =	swait.ge [sflag:s6], $0x4000  }
0x29a: {  	[sflag:s6] =	ssyncset.done $0x0  }
0x29b: {  	[sflag:s6] =	ssyncadd.s32 $0xFFFFC000  }
0x29c: {  	[tilespmem:s5], [sflag:$0x3] =	stream.indirect.gather [hbm4b:s2+s4], $0x20, s3, s4, $0xb8;
	[tilespmem:$0x12800] =	vst v63  }
0x29d: {  	_ =	swait.ge [sflag:s13], $0x8000  }
0x29e: {  	[sflag:s13] =	ssyncset.done $0x0  }
0x29f: {  	s28 =	rddreg [dreg:$0x1b];
	[sflag:s13] =	ssyncadd.s32 $0xFFFF8000  }
0x2a0: {  	[hbm4b:s28+s7] =	stream.strided.scatter [tilespmem:s10], [sflag:$0x4], $0x4000, s3, s7, $0x38;
	[tilespmem:$0x12800] =	vst v63  }
0x2a1: {  	s29 =	rddreg [dreg:$0x1c]  }
0x2a2: {  	[hbm4b:s29+s7] =	stream.strided.scatter [tilespmem:s15], [sflag:$0x4], $0x4000, s3, s7, $0x38;
	[tilespmem:$0x12800] =	vst v63  }
0x2a3: {  	_ =	swait.ge [sflag:s11], $0x4000  }
0x2a4: {  	[sflag:s11] =	ssyncset.done $0x0  }
0x2a5: {  	[sflag:s11] =	ssyncadd.s32 $0xFFFFC000  }
0x2a6: {  	_ =	swait.ge [sflag:s11], $0x4000  }
0x2a7: {  	[sflag:s11] =	ssyncset.done $0x0  }
0x2a8: {  	[sflag:s11] =	ssyncadd.s32 $0xFFFFC000  }
0x2a9: {  	[tilespmem:s10], [sflag:$0x2] =	stream.indirect.gather [hbm4b:s2+s4], $0x20, s20, s4, $0xb8;
	[tilespmem:$0x12800] =	vst v63  }
0x2aa: {  	_ =	swait.ge [sflag:s9], $0x8000  }
0x2ab: {  	[sflag:s9] =	ssyncset.done $0x0  }
0x2ac: {  	s30 =	rddreg [dreg:$0x1d];
	[sflag:s9] =	ssyncadd.s32 $0xFFFF8000  }
0x2ad: {  	[hbm4b:s30+s7] =	stream.strided.scatter [tilespmem:s5], [sflag:$0x5], $0x4000, s3, s7, $0x38;
	[tilespmem:$0x12800] =	vst v63  }
0x2ae: {  	s31 =	rddreg [dreg:$0x1e]  }
0x2af: {  	[hbm4b:s31+s7] =	stream.strided.scatter [tilespmem:s8], [sflag:$0x5], $0x4000, s3, s7, $0x38;
	[tilespmem:$0x12800] =	vst v63  }
0x2b0: {  	_ =	swait.ge [sflag:s6], $0x4000  }
0x2b1: {  	[sflag:s6] =	ssyncset.done $0x0  }
0x2b2: {  	[sflag:s6] =	ssyncadd.s32 $0xFFFFC000  }
0x2b3: {  	_ =	swait.ge [sflag:s6], $0x4000  }
0x2b4: {  	[sflag:s6] =	ssyncset.done $0x0  }
0x2b5: {  	[sflag:s6] =	ssyncadd.s32 $0xFFFFC000  }
0x2b6: {  	[tilespmem:s5], [sflag:$0x3] =	stream.indirect.gather [hbm4b:s2+s4], $0x20, s19, s4, $0xb8;
	[tilespmem:$0x12800] =	vst v63  }
0x2b7: {  	_ =	swait.ge [sflag:s13], $0x8000  }
0x2b8: {  	s14 =	rddreg [dreg:$0x1f];
	[sflag:s13] =	ssyncset.done $0x0  }
0x2b9: {  	s19 =	sld [smem:$0x7F1];
	[sflag:s13] =	ssyncadd.s32 $0xFFFF8000  }
0x2ba: {  	[hbm4b:s14+s7] =	stream.strided.scatter [tilespmem:s10], [sflag:$0x4], $0x4000, s3, s7, $0x38;
	[tilespmem:$0x12800] =	vst v63  }
0x2bb: {  	_ = 	snop  }
0x2bc: {  	[hbm4b:s19+s7] =	stream.strided.scatter [tilespmem:s15], [sflag:$0x4], $0x4000, s3, s7, $0x38;
	[tilespmem:$0x12800] =	vst v63  }
0x2bd: {  	_ =	swait.ge [sflag:s11], $0x4000  }
0x2be: {  	[sflag:s11] =	ssyncset.done $0x0  }
0x2bf: {  	[sflag:s11] =	ssyncadd.s32 $0xFFFFC000  }
0x2c0: {  	_ =	swait.ge [sflag:s11], $0x4000  }
0x2c1: {  	[sflag:s11] =	ssyncset.done $0x0  }
0x2c2: {  	[sflag:s11] =	ssyncadd.s32 $0xFFFFC000  }
0x2c3: {  	[tilespmem:s10], [sflag:$0x2] =	stream.indirect.gather [hbm4b:s2+s4], $0x20, s18, s4, $0xb8;
	[tilespmem:$0x12800] =	vst v63  }
0x2c4: {  	_ =	swait.ge [sflag:s9], $0x8000  }
0x2c5: {  	s20 =	sld [smem:$0x7F2]  }
0x2c6: {  	[sflag:s9] =	ssyncset.done $0x0  }
0x2c7: {  	s21 =	sld [smem:$0x7F3];
	[sflag:s9] =	ssyncadd.s32 $0xFFFF8000  }
0x2c8: {  	[hbm4b:s20+s7] =	stream.strided.scatter [tilespmem:s5], [sflag:$0x5], $0x4000, s3, s7, $0x38;
	[tilespmem:$0x12800] =	vst v63  }
0x2c9: {  	_ = 	snop  }
0x2ca: {  	[hbm4b:s21+s7] =	stream.strided.scatter [tilespmem:s8], [sflag:$0x5], $0x4000, s3, s7, $0x38;
	[tilespmem:$0x12800] =	vst v63  }
0x2cb: {  	_ =	swait.ge [sflag:s6], $0x4000  }
0x2cc: {  	[sflag:s6] =	ssyncset.done $0x0  }
0x2cd: {  	[sflag:s6] =	ssyncadd.s32 $0xFFFFC000  }
0x2ce: {  	_ =	swait.ge [sflag:s6], $0x4000  }
0x2cf: {  	[sflag:s6] =	ssyncset.done $0x0  }
0x2d0: {  	[sflag:s6] =	ssyncadd.s32 $0xFFFFC000  }
0x2d1: {  	[tilespmem:s5], [sflag:$0x3] =	stream.indirect.gather [hbm4b:s2+s4], $0x20, s17, s4, $0xb8;
	[tilespmem:$0x12800] =	vst v63  }
0x2d2: {  	_ =	swait.ge [sflag:s13], $0x8000  }
0x2d3: {  	s22 =	sld [smem:$0x7F4]  }
0x2d4: {  	[sflag:s13] =	ssyncset.done $0x0  }
0x2d5: {  	s23 =	sld [smem:$0x7F5];
	[sflag:s13] =	ssyncadd.s32 $0xFFFF8000  }
0x2d6: {  	[hbm4b:s22+s7] =	stream.strided.scatter [tilespmem:s10], [sflag:$0x4], $0x4000, s3, s7, $0x38;
	[tilespmem:$0x12800] =	vst v63  }
0x2d7: {  	_ = 	snop  }
0x2d8: {  	[hbm4b:s23+s7] =	stream.strided.scatter [tilespmem:s15], [sflag:$0x4], $0x4000, s3, s7, $0x38;
	[tilespmem:$0x12800] =	vst v63  }
0x2d9: {  	_ =	swait.ge [sflag:s11], $0x4000  }
0x2da: {  	[sflag:s11] =	ssyncset.done $0x0  }
0x2db: {  	[sflag:s11] =	ssyncadd.s32 $0xFFFFC000  }
0x2dc: {  	_ =	swait.ge [sflag:s11], $0x4000  }
0x2dd: {  	[sflag:s11] =	ssyncset.done $0x0  }
0x2de: {  	[sflag:s11] =	ssyncadd.s32 $0xFFFFC000  }
0x2df: {  	[tilespmem:s10], [sflag:$0x2] =	stream.indirect.gather [hbm4b:s2+s4], $0x20, s16, s4, $0xb8;
	[tilespmem:$0x12800] =	vst v63  }
0x2e0: {  	_ =	swait.ge [sflag:s9], $0x8000  }
0x2e1: {  	s24 =	sld [smem:$0x7F6]  }
0x2e2: {  	[sflag:s9] =	ssyncset.done $0x0  }
0x2e3: {  	s25 =	sld [smem:$0x7F7];
	[sflag:s9] =	ssyncadd.s32 $0xFFFF8000  }
0x2e4: {  	[hbm4b:s24+s7] =	stream.strided.scatter [tilespmem:s5], [sflag:$0x5], $0x4000, s3, s7, $0x38;
	[tilespmem:$0x12800] =	vst v63  }
0x2e5: {  	_ = 	snop  }
0x2e6: {  	[hbm4b:s25+s7] =	stream.strided.scatter [tilespmem:s8], [sflag:$0x5], $0x4000, s3, s7, $0x38;
	[tilespmem:$0x12800] =	vst v63  }
0x2e7: {  	_ =	swait.ge [sflag:s6], $0x4000  }
0x2e8: {  	[sflag:s6] =	ssyncset.done $0x0  }
0x2e9: {  	[sflag:s6] =	ssyncadd.s32 $0xFFFFC000  }
0x2ea: {  	_ =	swait.ge [sflag:s6], $0x4000  }
0x2eb: {  	[sflag:s6] =	ssyncset.done $0x0  }
0x2ec: {  	[sflag:s6] =	ssyncadd.s32 $0xFFFFC000  }
0x2ed: {  	[tilespmem:s5], [sflag:$0x3] =	stream.indirect.gather [hbm4b:s2+s4], $0x20, s12, s4, $0xb8;
	[tilespmem:$0x12800] =	vst v63  }
0x2ee: {  	_ =	swait.ge [sflag:s13], $0x8000  }
0x2ef: {  	s26 =	sld [smem:$0x7F8]  }
0x2f0: {  	[sflag:s13] =	ssyncset.done $0x0  }
0x2f1: {  	s28 =	sld [smem:$0x7F9];
	[sflag:s13] =	ssyncadd.s32 $0xFFFF8000  }
0x2f2: {  	[hbm4b:s26+s7] =	stream.strided.scatter [tilespmem:s10], [sflag:$0x4], $0x4000, s3, s7, $0x38;
	[tilespmem:$0x12800] =	vst v63  }
0x2f3: {  	_ = 	snop  }
0x2f4: {  	[hbm4b:s28+s7] =	stream.strided.scatter [tilespmem:s15], [sflag:$0x4], $0x4000, s3, s7, $0x38;
	[tilespmem:$0x12800] =	vst v63  }
0x2f5: {  	_ =	swait.ge [sflag:s11], $0x4000  }
0x2f6: {  	[sflag:s11] =	ssyncset.done $0x0  }
0x2f7: {  	[sflag:s11] =	ssyncadd.s32 $0xFFFFC000  }
0x2f8: {  	_ =	swait.ge [sflag:s11], $0x4000  }
0x2f9: {  	[sflag:s11] =	ssyncset.done $0x0  }
0x2fa: {  	[sflag:s11] =	ssyncadd.s32 $0xFFFFC000  }
0x2fb: {  	_ =	swait.ge [sflag:s9], $0x8000  }
0x2fc: {  	s29 =	sld [smem:$0x7FA]  }
0x2fd: {  	[sflag:s9] =	ssyncset.done $0x0  }
0x2fe: {  	s30 =	sld [smem:$0x7FB];
	[sflag:s9] =	ssyncadd.s32 $0xFFFF8000  }
0x2ff: {  	[hbm4b:s29+s7] =	stream.strided.scatter [tilespmem:s5], [sflag:$0x5], $0x4000, s3, s7, $0x38;
	[tilespmem:$0x12800] =	vst v63  }
0x300: {  	_ = 	snop  }
0x301: {  	[hbm4b:s30+s7] =	stream.strided.scatter [tilespmem:s8], [sflag:$0x5], $0x4000, s3, s7, $0x38;
	[tilespmem:$0x12800] =	vst v63  }
0x302: {  	_ =	swait.ge [sflag:s6], $0x4000  }
0x303: {  	[sflag:s6] =	ssyncset.done $0x0  }
0x304: {  	[sflag:s6] =	ssyncadd.s32 $0xFFFFC000  }
0x305: {  	_ =	swait.ge [sflag:s6], $0x4000  }
0x306: {  	[sflag:s6] =	ssyncset.done $0x0  }
0x307: {  	[sflag:s6] =	ssyncadd.s32 $0xFFFFC000  }
0x308: {  	_ =	sfence.sel $0x180000  }
0x309: {  	[bflag:$0x0] =	sbarrier.arrive $0xFFFF  }
0x30a: {  	_ =	strace $0x90000047  }
0x30b: {  	s31 =	stileid.u32;
	[bflag:$0x2] =	sbarrier.arrive $0xFFFF  }
0x30c: {  	p0 =	sne.s32 s31, $0x0;
	s0 =	rddreg [dreg:$0x2]  }
0x30d: {  	s0 =	sadd.s32 @!p0 $0x100000, s0  }
0x30e: {  	[sflag:s0] =	ssyncadd.tile.s32 @!p0 $0x1;
	_ =	shalt  }
.LBB2_1:
.Ltmp3:
0x30f: {  	(pc) =	sbr.rel .LBB2_6-.Ltmp3, $3  }
0x310: {  	_ =	sdelay $0x1  }
0x311: {  	s25 =	simm.s32 $0xA00;
	s26 =	simm.s32 $0xE00;
	s31 =	simm.s32 $0x1200  }
0x312: {  	s30 =	simm.s32 $0x1600;
	s29 =	simm.s32 $0x1A00;
	s28 =	simm.s32 $0x1E00  }
.LBB2_3:
.Ltmp4:
0x313: {  	(pc) =	sbr.rel .LBB2_6-.Ltmp4, $3  }
0x314: {  	_ =	sdelay $0x1  }
0x315: {  	s25 =	simm.s32 $0xA00;
	s26 =	simm.s32 $0xE00;
	s31 =	simm.s32 $0x1200  }
0x316: {  	s30 =	simm.s32 $0x1600;
	s29 =	simm.s32 $0x1A00;
	s28 =	simm.s32 $0x1E00  }
.Lfunc_end2:
_tile_overlayer_lowered:
.L_overlay_start_2:
0x317: {  	(tag) =	ssettag $0x2  }
0x318: {  	s0 =	rddreg [dreg:$0x0];
	s2 =	stileid.u32  }
0x319: {  	s1 =	rddreg [dreg:$0x1];
	p0 =	sne.s32 s2, $0x0  }
0x31a: {  	s3 =	rddreg [dreg:$0x2];
	[bflag:$0x3] =	sbarrier.arrive $0xFFFF;
	s2 =	simm.s32 @!p0 $0x1C06  }
0x31b: {  	[timem:s3], [sflag:s2] =	dma.local @!p0 [hbm:s0], s1  }
0x31c: {  	s0 =	simm.s32 @!p0 $0x6  }
0x31d: {  	_ =	swait.ge @!p0 [sflag:s0], s1  }
0x31e: {  	s1 =	ssub.s32 @!p0 $0x0, s1;
	[sflag:s0] =	ssyncset.done @!p0 $0x0  }
0x31f: {  	[sflag:s0] =	ssyncadd.s32 @!p0 s1  }
0x320: {  	[bflag:$0x3] =	sbarrier.arrive $0xFFFF  }
0x321: {  	_ =	shalt  }

// kernel: sparse-core-data-format-call.cloned.1.call-start
scs
called_computation_lowered:
.L_overlay_start_0:
0x0: {  	s2 =	sld [smem:$0x3FD9]  }
0x1: {  	s3 =	sld [smem:$0x3FFE];
	_ =	sdelay $0x1  }
0x2: {  	s1 =	srdreg.scid  }
0x3: {  	s0 =	sand.u32 $0x1, s1  }
0x4: {  	s18 =	sshll.u32 s0, $0xA;
	s2 =	sadd.s32 s3, s2  }
0x5: {  	s2 =	sadd.s32 s2, s18  }
0x6: {  	[smem:$0x3FC6] =	sst s2  }
0x7: {  	_ = 	snop  }
0x8: {  	s2 =	sld [smem:$0x3FD0];
	(tm) =	ssettm $0x1  }
0x9: {  	s19 =	sld [smem:$0x3FFB];
	_ =	sdelay $0x3  }
0xa: {  	_ =	strace s19  }
0xb: {  	s3 =	sld [smem:$0x3FFC];
	_ =	sdelay $0x3  }
0xc: {  	_ =	strace s3  }
0xd: {  	s3 =	sld [smem:$0x3FFD];
	_ =	sdelay $0x3  }
0xe: {  	_ =	strace s3  }
0xf: {  	_ =	strace $0x8FFFFFFF  }
0x10: {  	s20 =	sld [smem:$0x3FDB];
	_ =	sdelay $0x1  }
0x11: {  	s4 =	simm.s32 $_scs_section_size  }
0x12: {  	s5 =	simm.s32 $_size__tile_overlayer_lowered;
	s6 =	simm.s32 $_tile_overlayer_lowered  }
0x13: {  	s23 =	simm.s32 $0x1BFF;
	s22 =	sshll.u32 s6, $0x1;
	s3 =	sadd.s32 s4, s20  }
0x14: {  	s7 =	simm.s32 $0x0;
	s21 =	sshll.u32 s5, $0x1;
	s5 =	sadd.s32 s22, s3  }
0x15: {  	[timem:s7], [sflag:s23] =	dma.local [hbm:s5], s21  }
0x16: {  	_ =	swait.ge [sflag:s23], s21  }
0x17: {  	s4 =	ssub.s32 $0x0, s21;
	[sflag:s23] =	ssyncset.done $0x0  }
0x18: {  	[sflag:s23] =	ssyncadd.s32 s4;
	_ =	sdelay $0x1  }
0x19: {  	s24 =	simm.s32 $0x1B8B  }
0x1a: {  	_ =	swait.ge [sflag:s24], $0x1  }
0x1b: {  	[sflag:s24] =	ssyncset.done $0x0  }
0x1c: {  	s26 =	simm.s32 $0x1B8E;
	s25 =	sld [smem:$0x3FFE];
	[sflag:s24] =	ssyncadd.s32 $0xFFFFFFFF  }
0x1d: {  	s27 =	simm.s32 $execute0_lowered;
	[smem:$0x3FD2] =	sst s26  }
0x1e: {  	s5 =	sshll.u32 s27, $0x1;
	_ =	strace $0x80000049;
	[dreg:$0x1] =	wrdreg $0xFFFFFFFF  }
0x1f: {  	s28 =	simm.s32 $_size_execute0_lowered;
	s3 =	sadd.s32 s3, s5;
	[dreg:$0x0] =	wrdreg $0x0  }
0x20: {  	s5 =	sshll.u32 s28, $0x1;
	[dreg:$0x2] =	wrdreg s3  }
0x21: {  	[dreg:$0x3] =	wrdreg s5  }
0x22: {  	[dreg:$0x4] =	wrdreg $0xC0  }
0x23: {  	_ =	task [dreg:s7], $0x5FFFF  }
0x24: {  	[dreg:$0x1] =	wrdreg $0xFFFFFFFF  }
0x25: {  	[dreg:$0x0] =	wrdreg $0x60  }
0x26: {  	[dreg:$0x2] =	wrdreg s25  }
0x27: {  	[dreg:$0x3] =	wrdreg s2  }
0x28: {  	[dreg:$0x4] =	wrdreg $0x9  }
0x29: {  	_ =	task.clear_ibuf [dreg:s7], $0x5FFFF;
	_ =	strace $0x90000049  }
0x2a: {  	s29 =	simm.s32 $0x9;
	_ =	strace $0x8000004B  }
0x2b: {  	_ =	swait.ge [sflag:s29], $0x1  }
0x2c: {  	[sflag:s29] =	ssyncadd.s32 $0xFFFFFFFF  }
0x2d: {  	_ =	strace $0x9000004B  }
0x2e: {  	_ =	sfence  }
0x2f: {  	s30 =	sld [smem:$0x0];
	_ =	sdelay $0x2  }
0x30: {  	s31 =	sshll.u32 s1, $0xD;
	s1 =	sshrl.u32 s1, $0x2  }
0x31: {  	s3 =	sand.u32 $0x4000, s31;
	s1 =	sadd.s32 s1, s30  }
0x32: {  	s0 =	sor.u32 s3, s0;
	s1 =	sshll.u32 s1, $0x11  }
0x33: {  	s0 =	sor.u32 s1, s0  }
0x34: {  	s0 =	sadd.s32 $0x8F2B, s0  }
0x35: {  	[sflag:s0] =	ssyncadd.remote.s32 $0x1  }
0x36: {  	_ =	sfence.sel $0xFFFF  }
0x37: {  	[dreg:$0x0] =	wrdreg $0xFFFFFFFF;
	(pc) =	sbr.abs _section_cstart, $3  }
0x38: {  	[dreg:$0x1] =	wrdreg $0xFFFFFFFF  }
0x39: {  	_ =	task.clear_ibuf [dreg:s7], $0x2FFFF;
	_ =	strace $0x9FFFFFFF  }
0x3a: {  	(tm) =	ssettm $0x7FFFFFFF  }
0x3b: {  	_ =	shalt  }
tec
execute0_lowered:
.L_overlay_start_1:
0x0: {  	(tag) =	ssettag $0x1  }
0x1: {  	s0 =	srdreg.scid  }
0x2: {  	s1 =	sshll.u32 s0, $0x4  }
0x3: {  	s0 =	stileid.u32;
	s1 =	sand.u32 $0x10, s1  }
0x4: {  	s1 =	sor.u32 s0, s1  }
0x5: {  	s6 =	rddreg [dreg:$0x0];
	s4 =	simm.s32 $0x1;
	s2 =	sshll.u32 s1, $0x7  }
0x6: {  	s7 =	simm.s32 $0x2;
	s12 =	simm.s32 $0x0;
	s1 =	ssub.s32 $0x4000, s2  }
0x7: {  	s8 =	simm.s32 $0x20000;
	s13 =	simm.s32 $0x0;
	s3 =	sand.u32 $0xF80, s1  }
0x8: {  	s9 =	simm.s32 $0x0;
	s5 =	sshrl.u32 s1, $0xC;
	p0 =	sne.s32 s3, $0x0  }
.Ltmp0:
0x9: {  	s1 =	rddreg [dreg:$0x2];
	s4 =	simm.s32 @!p0 $0x0;
	(pc) =	sbr.rel .LBB1_1-.Ltmp0, $4  }
0xa: {  	s11 =	simm.s32 $0x0;
	s3 =	rddreg [dreg:$0x1];
	s5 =	sadd.s32 s4, s5  }
0xb: {  	_ =	strace $0x8000004A;
	s4 =	simm.s32 $0x1;
	s5 =	smul.u32 $0x14, s5  }
0xc: {  	s6 =	sadd.s32 $0xA800, s6;
	s10 =	smov.u32 s2;
	[sflag:s4] =	ssyncpa.u1 $0x0  }
0xd: {  	p0 =	por $0x0, $0x0;
	[sflag:s7] =	ssyncpa.u1 $0x0;
	s7 =	sor.u32 $0x1, s5  }
.LBB1_4:
0xe: {  	s16 =	sshll.u32 s13, $0x3;
	s17 =	sand.u32 $0x78, s13  }
0xf: {  	s30 =	sand.u32 $0xF800, s13;
	s12 =	sshll.u32 s12, $0x10;
	s16 =	sand.u32 $0x3C00, s16  }
0x10: {  	s31 =	sand.u32 $0x7, s13;
	s16 =	sor.u32 s17, s16;
	s17 =	sadd.s32 s3, s30  }
0x11: {  	s13 =	sshll.u32 s31, $0x12;
	s16 =	sshrl.u32 s16, $0x3;
	s12 =	sadd.s32 s12, s17  }
0x12: {  	[tilespmem:s15+$0x0 ss:$0x81] =	vst.msk $0xffff, v0;
	s13 =	sor.u32 $0x400, s13;
	s12 =	sadd.s32 s16, s12  }
0x13: {  	[hbm4b:s12+s13] =	stream.strided.scatter [tilespmem:s14], [sflag:$0x2], $0x1000, s8, s13, $0x20;
	[tilespmem:$0x4040] =	vst v63  }
.LBB1_5:
0x14: {  	s14 =	sadd.s32 $0x1, s9  }
0x15: {  	s12 =	sadd.s32 $0x1000, s10;
	s16 =	smov.u32 s10;
	p2 =	sgt.s32 s14, $0x13  }
0x16: {  	s16 =	smov.u32 @p2 s12  }
0x17: {  	s14 =	simm.s32 @p2 $0x0;
	p2 =	sgt.s32 s16, $0x3FFF  }
0x18: {  	s16 =	smov.u32 @p2 s2;
	p2 =	sne.s32 s11, s7  }
.Ltmp1:
0x19: {  	p1 =	slt.u32 s11, $0x2;
	(pc) =	sbr.rel @!p2 .LBB1_6-.Ltmp1, $4  }
0x1a: {  	s15 =	simm.s32 @!p1 $0x2  }
0x1b: {  	s13 =	smov.u32 s10;
	p0 =	por !p0, !p0;
	_ =	swait.ge @!p1 [sflag:s15], $0x1000  }
0x1c: {  	s12 =	smov.u32 s9;
	[sflag:s15] =	ssyncset.done @!p1 $0x0;
	s9 =	smov.u32 s14  }
0x1d: {  	s11 =	sadd.s32 $0x1, s11;
	[sflag:s15] =	ssyncadd.s32 @!p1 $0xFFFFF000;
	s10 =	smov.u32 s16  }
.LBB1_1:
0x1e: {  	p1 =	sge.u32 s11, s5  }
0x1f: {  	s14 =	sand.u32 @!p1 $0x1FFFFFF, s9  }
0x20: {  	s15 =	smulhi.u32 @!p1 $0xAAAAAAB, s14;
	_ =	sdelay $0x1  }
0x21: {  	s15 =	smul.u32 @!p1 $0x18, s15  }
0x22: {  	s16 =	sxor.u32 @!p1 $0xFFFFFFFF, s11;
	s17 =	smul.u32 @!p1 $0x180, s10  }
0x23: {  	s31 =	sadd.s32 $0xFFFFFFFF, s11;
	s16 =	sshll.u32 @!p1 s16, $0xC;
	s14 =	ssub.s32 @!p1 s14, s15  }
0x24: {  	s15 =	sand.u32 @!p1 $0x1000, s16;
	s16 =	sadd.s32 @!p1 s6, s17;
	s14 =	sshll.u32 @!p1 s14, $0x4  }
0x25: {  	s17 =	simm.s32 @!p1 $0xC00;
	s14 =	sadd.s32 @!p1 s14, s16;
	s16 =	simm.s32 @!p1 $0x20  }
0x26: {  	[tilespmem:s15], [sflag:$0x1] =	stream.strided.gather @!p1 [hbm4b:s14+s16], $0x1000, s17, s16, $0x38;
	[tilespmem:$0x4040] =	vst v63  }
0x27: {  	p1 =	sge.u32 s31, s5  }
.Ltmp2:
0x28: {  	_ = 	snop;
	(pc) =	sbr.rel @p1 .LBB1_5-.Ltmp2, $1  }
0x29: {  	_ =	sdelay $0x3  }
0x2a: {  	s14 =	simm.s32 $0x1  }
0x2b: {  	_ =	swait.ge [sflag:s4], $0x1000;
	s14 =	simm.s32 @!p0 $0x0  }
0x2c: {  	[sflag:s4] =	ssyncset.done $0x0;
	s15 =	sshll.u32 s14, $0xC  }
0x2d: {  	[sflag:s4] =	ssyncadd.s32 $0xFFFFF000;
	s18 =	sor.u32 $0x10, s15  }
0x2e: {  	s14 =	smul.u32 $0x4080, s14;
	v1 =	vld [tilespmem:s18+$0x0]  }
0x2f: {  	s30 =	sand.u32 $0x1, s11;
	v0 =	vld [tilespmem:s18+$0xFFFFFFF0]  }
0x30: {  	s15 =	smul.u32 $0x4080, s30;
	s14 =	sshrl.u32 s14, $0x2  }
0x31: {  	s16 =	sor.u32 $0x2000, s14  }
0x32: {  	s31 =	sshrl.u32 s15, $0x2;
	s15 =	sadd.s32 $0x0, s16  }
0x33: {  	s17 =	simm.s32 $0x4;
	s18 =	sadd.s32 $0x20, s18;
	s14 =	sor.u32 $0x2000, s31;
	[tilespmem:s15+$0x810 ss:$0x81] =	vst.msk $0xffff, v1  }
.LBB1_3:
0x34: {  	v1 =	vld [tilespmem:s18+$0x0];
	p1 =	sne.s32 s17, $0x1FC;
	[tilespmem:s15+$0x0 ss:$0x81] =	vst.msk $0xffff, v0;
	s15 =	smov.u32 s17;
	s17 =	sadd.s32 $0x4, s17  }
.Ltmp3:
0x35: {  	v0 =	vld [tilespmem:s18+$0xFFFFFFF0];
	(pc) =	sbr.rel @p1 .LBB1_3-.Ltmp3, $4  }
0x36: {  	_ = 	snop  }
0x37: {  	s15 =	sshra.s32 s15, $0x2  }
0x38: {  	s15 =	sadd.s32 s15, s16  }
0x39: {  	s18 =	sadd.s32 $0x20, s18;
	[tilespmem:s15+$0x810 ss:$0x81] =	vst.msk $0xffff, v1  }
.Ltmp4:
0x3a: {  	_ = 	snop;
	(pc) =	sbr.rel .LBB1_4-.Ltmp4, $1  }
0x3b: {  	_ =	sdelay $0x3  }
.LBB1_6:
0x3c: {  	_ =	sfence.sel $0x180000  }
0x3d: {  	s2 =	simm.s32 $0x1;
	[bflag:$0x0] =	sbarrier.arrive $0xFFFF  }
0x3e: {  	s31 =	simm.s32 $0x2;
	[sflag:s2] =	ssyncpa.u1 $0x1  }
0x3f: {  	[sflag:s31] =	ssyncpa.u1 $0x1  }
0x40: {  	p0 =	sne.s32 s0, $0x0;
	_ =	strace $0x9000004A  }
0x41: {  	s0 =	sadd.s32 @!p0 $0x100000, s1;
	[bflag:$0x2] =	sbarrier.arrive $0xFFFF  }
0x42: {  	[sflag:s0] =	ssyncadd.tile.s32 @!p0 $0x1;
	_ =	shalt  }
.Lfunc_end1:
_tile_overlayer_lowered:
.L_overlay_start_2:
0x43: {  	(tag) =	ssettag $0x2  }
0x44: {  	s0 =	rddreg [dreg:$0x0];
	s2 =	stileid.u32  }
0x45: {  	s1 =	rddreg [dreg:$0x1];
	p0 =	sne.s32 s2, $0x0  }
0x46: {  	s3 =	rddreg [dreg:$0x2];
	[bflag:$0x3] =	sbarrier.arrive $0xFFFF;
	s2 =	simm.s32 @!p0 $0x1C01  }
0x47: {  	[timem:s3], [sflag:s2] =	dma.local @!p0 [hbm:s0], s1  }
0x48: {  	s0 =	simm.s32 @!p0 $0x1  }
0x49: {  	_ =	swait.ge @!p0 [sflag:s0], s1  }
0x4a: {  	s1 =	ssub.s32 @!p0 $0x0, s1;
	[sflag:s0] =	ssyncset.done @!p0 $0x0  }
0x4b: {  	[sflag:s0] =	ssyncadd.s32 @!p0 s1  }
0x4c: {  	[bflag:$0x3] =	sbarrier.arrive $0xFFFF  }
0x4d: {  	_ =	shalt  }

</sc_bundles>
